<compile_context>
chip_gen: v7x
topology: tpu7x:2x2x1
jax: 0.10.2.dev20260603
libtpu: 0.0.44.dev20260713+nightly
codegen_flags: <defaults>
</compile_context>

<pallas_src>
import functools

import jax
import jax.numpy as jnp
from jax import lax
from jax.experimental import pallas as pl
from jax.experimental.pallas import tpu as pltpu
from jax.experimental.pallas import tpu_sc as plsc

N = 10000
E = 320000
D_IN = 128
D_HID = 64
D_OUT = 7

NC = 2
NS = 16
NW = NC * NS
CHUNK = 128
NCH = E // CHUNK
CPT = 79
CPT_LO = 78
NPAIR = CPT_LO // 2
N_PAD = 10112
RPT = N_PAD // NS

_MESH = plsc.VectorSubcoreMesh(core_axis_name="c", subcore_axis_name="s")


_EXTRA = NCH - NW * CPT_LO


def _chunk_range(wid):
    base = wid * CPT_LO + jnp.minimum(wid, _EXTRA)
    nc = CPT_LO + jnp.where(wid < _EXTRA, 1, 0)
    return base, nc


def _load_idx(e_hbm, row, base, wid, dest):
    pltpu.sync_copy(e_hbm.at[row, pl.ds(base, CPT_LO)],
                    dest.at[pl.ds(0, CPT_LO)])

    @pl.when(wid < _EXTRA)
    def _():
        pltpu.sync_copy(e_hbm.at[row, pl.ds(base + CPT_LO, 1)],
                        dest.at[pl.ds(CPT_LO, 1)])


@functools.partial(
    pl.kernel,
    out_type=jax.ShapeDtypeStruct((NC, N_PAD, 16), jnp.float32),
    mesh=_MESH,
    scratch_types=[
        pltpu.VMEM((CPT, CHUNK), jnp.int32),
        pltpu.VMEM((CHUNK, 16), jnp.float32),
        pltpu.VMEM((RPT, 16), jnp.float32),
        pltpu.VMEM_SHARED((N_PAD, 16), jnp.float32),
        pltpu.SemaphoreType.DMA,
    ],
    compiler_params=pltpu.CompilerParams(use_tc_tiling_on_sc=False),
)
def _deg_kernel(e_hbm, out_hbm, didx, ones, buf, acc, sem):
    c = lax.axis_index("c")
    s = lax.axis_index("s")
    wid = s * NC + c
    base, nc = _chunk_range(wid)

    def _ones(i, carry):
        ones[i, :] = jnp.full((16,), 1.0, jnp.float32)
        return carry

    lax.fori_loop(0, CHUNK, _ones, 0)

    def _zero(i, carry):
        buf[i, :] = jnp.zeros((16,), jnp.float32)
        return carry

    lax.fori_loop(0, RPT, _zero, 0)

    _load_idx(e_hbm, 1, base, wid, didx)
    pltpu.sync_copy(buf, acc.at[pl.ds(s * RPT, RPT)])
    plsc.subcore_barrier()

    def _body(j, carry):
        pltpu.async_copy(ones, acc.at[didx.at[j]], sem, add=True)
        return carry

    lax.fori_loop(0, nc, _body, 0)

    def _drain(j, carry):
        pltpu.make_async_copy(ones, acc.at[didx.at[0]], sem).wait()
        return carry

    lax.fori_loop(0, nc, _drain, 0)
    plsc.subcore_barrier()

    pltpu.sync_copy(acc.at[pl.ds(s * RPT, RPT)], buf)
    pltpu.sync_copy(buf, out_hbm.at[c, pl.ds(s * RPT, RPT)])


def _edge_pipeline(nc, sidx, didx, hs_sp, acc, rows, gsems, ssems):
    del ssems
    rows0, rows1 = rows[0], rows[1]
    sem0, sem1 = gsems[0], gsems[1]
    pltpu.async_copy(hs_sp.at[sidx.at[0]], rows0, sem0)

    def _body(t, carry):
        a = 2 * t
        pltpu.async_copy(hs_sp.at[sidx.at[a + 1]], rows1, sem1)
        pltpu.make_async_copy(hs_sp.at[sidx.at[a]], rows0, sem0).wait()
        pltpu.sync_copy(rows0, acc.at[didx.at[a]], add=True)

        @pl.when(a + 2 < nc)
        def _():
            pltpu.async_copy(hs_sp.at[sidx.at[a + 2]], rows0, sem0)

        pltpu.make_async_copy(hs_sp.at[sidx.at[a + 1]], rows1, sem1).wait()
        pltpu.sync_copy(rows1, acc.at[didx.at[a + 1]], add=True)
        return carry

    lax.fori_loop(0, NPAIR, _body, 0)

    @pl.when(nc > CPT_LO)
    def _():
        pltpu.make_async_copy(hs_sp.at[sidx.at[CPT_LO]], rows0, sem0).wait()
        pltpu.sync_copy(rows0, acc.at[didx.at[CPT_LO]], add=True)


@functools.partial(
    pl.kernel,
    out_type=[
        jax.ShapeDtypeStruct((NC, N_PAD, 32), jnp.float32),
        jax.ShapeDtypeStruct((NC, N_PAD, 32), jnp.float32),
    ],
    mesh=_MESH,
    scratch_types=[
        pltpu.VMEM((CPT, CHUNK), jnp.int32),
        pltpu.VMEM((CPT, CHUNK), jnp.int32),
        [pltpu.VMEM((CHUNK, 32), jnp.float32)] * 4,
        pltpu.VMEM((RPT, 32), jnp.float32),
        pltpu.VMEM_SHARED((N_PAD, 32), jnp.float32),
        pltpu.VMEM_SHARED((N, 32), jnp.float32),
        [pltpu.SemaphoreType.DMA] * 4,
        [pltpu.SemaphoreType.DMA] * 4,
    ],
    compiler_params=pltpu.CompilerParams(use_tc_tiling_on_sc=False),
)
def _agg32x2(e_hbm, hsa_hbm, hsb_hbm, outa_hbm, outb_hbm,
             sidx, didx, rows, buf, acc, hs_sp, gsems, ssems):
    c = lax.axis_index("c")
    s = lax.axis_index("s")
    wid = s * NC + c
    base, nc = _chunk_range(wid)

    _load_idx(e_hbm, 0, base, wid, sidx)
    _load_idx(e_hbm, 1, base, wid, didx)

    for hs_hbm, out_hbm in ((hsa_hbm, outa_hbm), (hsb_hbm, outb_hbm)):

        def _zero(i, carry):
            for k in range(2):
                buf[i, pl.ds(k * 16, 16)] = jnp.zeros((16,), jnp.float32)
            return carry

        lax.fori_loop(0, RPT, _zero, 0)
        pltpu.sync_copy(buf, acc.at[pl.ds(s * RPT, RPT)])
        pltpu.sync_copy(hs_hbm.at[pl.ds(s * 625, 625)], buf.at[pl.ds(0, 625)])
        pltpu.sync_copy(buf.at[pl.ds(0, 625)], hs_sp.at[pl.ds(s * 625, 625)])
        plsc.subcore_barrier()

        _edge_pipeline(nc, sidx, didx, hs_sp, acc, rows, gsems, ssems)
        plsc.subcore_barrier()

        pltpu.sync_copy(acc.at[pl.ds(s * RPT, RPT)], buf)
        pltpu.sync_copy(buf, out_hbm.at[c, pl.ds(s * RPT, RPT)])


def _make_agg(width):
    @functools.partial(
        pl.kernel,
        out_type=jax.ShapeDtypeStruct((NC, N_PAD, width), jnp.float32),
        mesh=_MESH,
        scratch_types=[
            pltpu.VMEM((CPT, CHUNK), jnp.int32),
            pltpu.VMEM((CPT, CHUNK), jnp.int32),
            [pltpu.VMEM((CHUNK, width), jnp.float32)] * 4,
            pltpu.VMEM((RPT, width), jnp.float32),
            pltpu.VMEM_SHARED((N_PAD, width), jnp.float32),
            pltpu.VMEM_SHARED((N, width), jnp.float32),
            [pltpu.SemaphoreType.DMA] * 4,
            [pltpu.SemaphoreType.DMA] * 4,
        ],
        compiler_params=pltpu.CompilerParams(use_tc_tiling_on_sc=False),
    )
    def _agg(e_hbm, hs_hbm, out_hbm, sidx, didx, rows,
             buf, acc, hs_sp, gsems, ssems):
        c = lax.axis_index("c")
        s = lax.axis_index("s")
        wid = s * NC + c
        base, nc = _chunk_range(wid)

        def _zero(i, carry):
            for k in range(width // 16):
                buf[i, pl.ds(k * 16, 16)] = jnp.zeros((16,), jnp.float32)
            return carry

        lax.fori_loop(0, RPT, _zero, 0)

        _load_idx(e_hbm, 0, base, wid, sidx)
        _load_idx(e_hbm, 1, base, wid, didx)
        pltpu.sync_copy(buf, acc.at[pl.ds(s * RPT, RPT)])
        pltpu.sync_copy(hs_hbm.at[pl.ds(s * 625, 625)], buf.at[pl.ds(0, 625)])
        pltpu.sync_copy(buf.at[pl.ds(0, 625)], hs_sp.at[pl.ds(s * 625, 625)])
        plsc.subcore_barrier()

        _edge_pipeline(nc, sidx, didx, hs_sp, acc, rows, gsems, ssems)
        plsc.subcore_barrier()

        pltpu.sync_copy(acc.at[pl.ds(s * RPT, RPT)], buf)
        pltpu.sync_copy(buf, out_hbm.at[c, pl.ds(s * RPT, RPT)])

    return _agg


_agg16 = _make_agg(16)


_R = 2000


def _tcmm_body(x_ref, w1_ref, h_ref):
    h_ref[...] = jnp.dot(x_ref[...], w1_ref[...],
                         preferred_element_type=jnp.float32)


def _tca_body(degp_ref, h_ref, hs1a_ref, hs1b_ref, dinv_ref):
    deg = degp_ref[0] + degp_ref[1] + 1.0
    dinv = lax.rsqrt(deg)
    hs = h_ref[...] * dinv[:, :1]
    hs1a_ref[...] = hs[:, :32]
    hs1b_ref[...] = hs[:, 32:]
    dinv_ref[...] = dinv


def _tcb_body(acca_ref, accb_ref, hs1a_ref, hs1b_ref, dinv_ref, w2_ref,
              b1_ref, hs2_ref):
    acca = acca_ref[0] + acca_ref[1] + hs1a_ref[...]
    accb = accb_ref[0] + accb_ref[1] + hs1b_ref[...]
    acc = jnp.concatenate([acca, accb], axis=1)
    out1 = acc * dinv_ref[:, :1] + b1_ref[...]
    h2 = jnp.dot(out1, w2_ref[...], preferred_element_type=jnp.float32)
    hs2 = h2 * dinv_ref[:, :1]
    pad = jnp.zeros((hs2.shape[0], 16 - D_OUT), jnp.float32)
    hs2_ref[...] = jnp.concatenate([hs2, pad], axis=1)


def _tcc_body(accp_ref, hs2_ref, dinv_ref, b2_ref, out_ref):
    acc = accp_ref[0] + accp_ref[1] + hs2_ref[...]
    res = acc * dinv_ref[:, :1]
    out_ref[...] = res[:, :D_OUT] + b2_ref[...]


def _rows_spec(width):
    return pl.BlockSpec((_R, width), lambda i: (i, 0))


def _part_spec(width):
    return pl.BlockSpec((NC, _R, width), lambda i: (0, i, 0))


def _full_spec(a, b):
    return pl.BlockSpec((a, b), lambda i: (0, 0))


_GRID = N // _R

_tcmm = pl.pallas_call(
    _tcmm_body,
    grid=(_GRID,),
    in_specs=[_rows_spec(D_IN), _full_spec(D_IN, D_HID)],
    out_specs=[_rows_spec(D_HID)],
    out_shape=[jax.ShapeDtypeStruct((N, D_HID), jnp.float32)],
)

_tca = pl.pallas_call(
    _tca_body,
    grid=(_GRID,),
    in_specs=[_part_spec(16), _rows_spec(D_HID)],
    out_specs=[_rows_spec(32), _rows_spec(32), _rows_spec(16)],
    out_shape=[
        jax.ShapeDtypeStruct((N, 32), jnp.float32),
        jax.ShapeDtypeStruct((N, 32), jnp.float32),
        jax.ShapeDtypeStruct((N, 16), jnp.float32),
    ],
)

_tcb = pl.pallas_call(
    _tcb_body,
    grid=(_GRID,),
    in_specs=[
        _part_spec(32),
        _part_spec(32),
        _rows_spec(32),
        _rows_spec(32),
        _rows_spec(16),
        _full_spec(D_HID, D_OUT),
        _full_spec(1, D_HID),
    ],
    out_specs=[_rows_spec(16)],
    out_shape=[jax.ShapeDtypeStruct((N, 16), jnp.float32)],
)

_tcc = pl.pallas_call(
    _tcc_body,
    grid=(_GRID,),
    in_specs=[
        _part_spec(16),
        _rows_spec(16),
        _rows_spec(16),
        _full_spec(1, D_OUT),
    ],
    out_specs=[_rows_spec(D_OUT)],
    out_shape=[jax.ShapeDtypeStruct((N, D_OUT), jnp.float32)],
)


def kernel(x, edge_index, W1, b1, W2, b2):
    e3 = edge_index.reshape(2, NCH, CHUNK)
    b1r = b1.reshape(1, D_HID)
    b2r = b2.reshape(1, D_OUT)

    (h1,) = _tcmm(x, W1)
    degp = _deg_kernel(e3)
    hs1a, hs1b, dinv = _tca(degp, h1)
    acc1a, acc1b = _agg32x2(e3, hs1a, hs1b)
    (hs2,) = _tcb(acc1a, acc1b, hs1a, hs1b, dinv, W2, b1r)
    acc2 = _agg16(e3, hs2)
    (out,) = _tcc(acc2, hs2, dinv, b2r)
    return (out, 0)

# --- scband reference (transcript-rebuilt; emitter-appended) ---
"""Pipeline reference for scband-my-gcn2-66297115181468 (READ-ONLY COPY).

The authoritative reference and input builder live on the scoring server;
editing this copy changes nothing except your own understanding.
"""

import jax, jax.numpy as jnp
import numpy as np

N = 10000
E = 320000
D_IN = 128
D_HID = 64
D_OUT = 7


def setup_inputs(seed: int = 0) -> dict:
    key = jax.random.key(seed)
    k1, k2, k3, k4 = jax.random.split(key, 4)
    x = jax.random.normal(k1, (N, D_IN), dtype=jnp.float32)
    edge_index = jax.random.randint(k2, (2, E), 0, N, dtype=jnp.int32)
    W1 = jax.random.normal(k3, (D_IN, D_HID), dtype=jnp.float32) * (1.0 / np.sqrt(D_IN))
    b1 = jnp.zeros((D_HID,), dtype=jnp.float32)
    W2 = jax.random.normal(k4, (D_HID, D_OUT), dtype=jnp.float32) * (1.0 / np.sqrt(D_HID))
    b2 = jnp.zeros((D_OUT,), dtype=jnp.float32)
    return {"x": x, "edge_index": edge_index, "W1": W1, "b1": b1, "W2": W2, "b2": b2}


def _gcn_conv(x, src, dst, W, b, n):
    # GCNConv: x' = D^{-1/2} (A + I) D^{-1/2} X W + b  (self-loops already appended to src/dst)
    h = x @ W
    deg = jnp.zeros((n,), dtype=x.dtype).at[dst].add(1.0)
    dinv = jnp.where(deg > 0, 1.0 / jnp.sqrt(deg), 0.0)
    norm = dinv[src] * dinv[dst]
    msg = jnp.take(h, src, axis=0) * norm[:, None]
    out = jnp.zeros((n, h.shape[1]), dtype=x.dtype).at[dst].add(msg)
    return out + b


def reference(x, edge_index, W1, b1, W2, b2):
    n = x.shape[0]
    loop = jnp.arange(n, dtype=edge_index.dtype)
    src = jnp.concatenate([edge_index[0], loop])
    dst = jnp.concatenate([edge_index[1], loop])
    h = _gcn_conv(x, src, dst, W1, b1, n)
    out = _gcn_conv(h, src, dst, W2, b2, n)
    return (out, 0)

if __name__ == "__main__":
    import jax
    _d = setup_inputs()
    print(jax.jit(kernel)(*tuple(_d.values())))

</pallas_src>

<mosaic_0001>
#map = affine_map<(d0, d1) -> (0, 0, 0)>
#map1 = affine_map<(d0, d1) -> (0, 0)>
module attributes {stable_mosaic.version = 14 : i64} {
  func.func @_agg32x2(%arg0: i32, %arg1: i32, %arg2: memref<2x2500x128xi32, #tpu.memory_space<hbm>>, %arg3: memref<10000x32xf32, #tpu.memory_space<hbm>>, %arg4: memref<10000x32xf32, #tpu.memory_space<hbm>>, %arg5: memref<2x10112x32xf32, #tpu.memory_space<hbm>>, %arg6: memref<2x10112x32xf32, #tpu.memory_space<hbm>>, %arg7: memref<79x128xi32, #tpu.memory_space<vmem>>, %arg8: memref<79x128xi32, #tpu.memory_space<vmem>>, %arg9: memref<128x32xf32, #tpu.memory_space<vmem>>, %arg10: memref<128x32xf32, #tpu.memory_space<vmem>>, %arg11: memref<128x32xf32, #tpu.memory_space<vmem>>, %arg12: memref<128x32xf32, #tpu.memory_space<vmem>>, %arg13: memref<632x32xf32, #tpu.memory_space<vmem>>, %arg14: memref<10112x32xf32, #tpu.memory_space<vmem_shared>>, %arg15: memref<10000x32xf32, #tpu.memory_space<vmem_shared>>, %arg16: memref<!tpu.dma_semaphore, #tpu.memory_space<semaphore_mem>>, %arg17: memref<!tpu.dma_semaphore, #tpu.memory_space<semaphore_mem>>, %arg18: memref<!tpu.dma_semaphore, #tpu.memory_space<semaphore_mem>>, %arg19: memref<!tpu.dma_semaphore, #tpu.memory_space<semaphore_mem>>, %arg20: memref<!tpu.dma_semaphore, #tpu.memory_space<semaphore_mem>>, %arg21: memref<!tpu.dma_semaphore, #tpu.memory_space<semaphore_mem>>, %arg22: memref<!tpu.dma_semaphore, #tpu.memory_space<semaphore_mem>>, %arg23: memref<!tpu.dma_semaphore, #tpu.memory_space<semaphore_mem>>) attributes {dimension_semantics = [#tpu.dimension_semantics<core_parallel>, #tpu.dimension_semantics<subcore_parallel>], iteration_bounds = array<i64: 2, 16>, scalar_prefetch = 0 : i64, scratch_operands = 17 : i64, tpu.core_type = #tpu.core_type<sc_vector_subcore>, window_params = [{transform_indices = #map}, {transform_indices = #map1}, {transform_indices = #map1}, {transform_indices = #map}, {transform_indices = #map}]} {
    %mul3A = arith.constant 2 : i32
    %mul3A_0 = arith.muli %arg1, %mul3A : i32
    %add3A = arith.addi %mul3A_0, %arg0 : i32
    %mul3A_1 = arith.constant 78 : i32
    %mul3A_2 = arith.muli %add3A, %mul3A_1 : i32
    %min3A = arith.constant 4 : i32
    %min3A_3 = arith.minsi %add3A, %min3A : i32
    %add3A_4 = arith.addi %mul3A_2, %min3A_3 : i32
    %lt3A = arith.constant 4 : i32
    %lt3A_5 = arith.cmpi slt, %add3A, %lt3A : i32
    %jit3A = arith.constant 1 : i32
    %jit3A_6 = arith.constant 0 : i32
    %select_n3A = arith.select %lt3A_5, %jit3A, %jit3A_6 : i32
    %add3A_7 = arith.constant 78 : i32
    %add3A_8 = arith.addi %add3A_7, %select_n3A : i32
    %run_scoped3A = arith.constant 0 : i32
    "tpu.region"() ({
      %run_scoped3A_86 = tpu.sem_alloc : memref<!tpu.dma_semaphore, #tpu.memory_space<semaphore_mem>>
      %dma_start3A_87 = arith.constant 0 : i32
      %dma_start3A_88 = arith.constant 0 : i32
      %dma_start3A_89 = tpu.memref_slice %arg7[%dma_start3A_87, %dma_start3A_88] : memref<79x128xi32, #tpu.memory_space<vmem>> -> memref<78x128xi32, #tpu.memory_space<vmem>>
      %dma_start3A_90 = arith.constant 0 : i32
      %dma_start3A_91 = tpu.memref_slice %arg2[%run_scoped3A, %add3A_4, %dma_start3A_90] : memref<2x2500x128xi32, #tpu.memory_space<hbm>> -> memref<1x78x128xi32, #tpu.memory_space<hbm>>
      %dma_start3A_92 = tpu.memref_squeeze %dma_start3A_91 : memref<1x78x128xi32, #tpu.memory_space<hbm>> -> memref<78x128xi32, #tpu.memory_space<hbm>>
      %dma_start3A_93 = arith.constant 0 : i32
      %dma_start3A_94 = arith.constant 0 : i32
      %dma_start3A_95 = tpu.memref_slice %arg7[%dma_start3A_93, %dma_start3A_94] : memref<79x128xi32, #tpu.memory_space<vmem>> -> memref<78x128xi32, #tpu.memory_space<vmem>>
      %dma_start3A_96 = arith.constant 0 : i32
      %dma_start3A_97 = tpu.memref_slice %arg2[%run_scoped3A, %add3A_4, %dma_start3A_96] : memref<2x2500x128xi32, #tpu.memory_space<hbm>> -> memref<1x78x128xi32, #tpu.memory_space<hbm>>
      %dma_start3A_98 = tpu.memref_squeeze %dma_start3A_97 : memref<1x78x128xi32, #tpu.memory_space<hbm>> -> memref<78x128xi32, #tpu.memory_space<hbm>>
      tpu.enqueue_dma source(%dma_start3A_98 : memref<78x128xi32, #tpu.memory_space<hbm>>) target(%dma_start3A_95 : memref<78x128xi32, #tpu.memory_space<vmem>>) target_semaphore(%run_scoped3A_86 : memref<!tpu.dma_semaphore, #tpu.memory_space<semaphore_mem>>)
      %dma_wait3A = arith.constant 0 : i32
      %dma_wait3A_99 = arith.constant 0 : i32
      %dma_wait3A_100 = tpu.memref_slice %arg7[%dma_wait3A, %dma_wait3A_99] : memref<79x128xi32, #tpu.memory_space<vmem>> -> memref<78x128xi32, #tpu.memory_space<vmem>>
      %dma_wait3A_101 = arith.constant 0 : i32
      %dma_wait3A_102 = tpu.memref_slice %arg2[%run_scoped3A, %add3A_4, %dma_wait3A_101] : memref<2x2500x128xi32, #tpu.memory_space<hbm>> -> memref<1x78x128xi32, #tpu.memory_space<hbm>>
      %dma_wait3A_103 = tpu.memref_squeeze %dma_wait3A_102 : memref<1x78x128xi32, #tpu.memory_space<hbm>> -> memref<78x128xi32, #tpu.memory_space<hbm>>
      %dma_wait3A_104 = arith.constant 0 : i32
      %dma_wait3A_105 = arith.constant 0 : i32
      %dma_wait3A_106 = tpu.memref_slice %arg7[%dma_wait3A_104, %dma_wait3A_105] : memref<79x128xi32, #tpu.memory_space<vmem>> -> memref<78x128xi32, #tpu.memory_space<vmem>>
      %dma_wait3A_107 = arith.constant 0 : i32
      %dma_wait3A_108 = tpu.memref_slice %arg2[%run_scoped3A, %add3A_4, %dma_wait3A_107] : memref<2x2500x128xi32, #tpu.memory_space<hbm>> -> memref<1x78x128xi32, #tpu.memory_space<hbm>>
      %dma_wait3A_109 = tpu.memref_squeeze %dma_wait3A_108 : memref<1x78x128xi32, #tpu.memory_space<hbm>> -> memref<78x128xi32, #tpu.memory_space<hbm>>
      tpu.wait_dma2 semaphore(%run_scoped3A_86 : memref<!tpu.dma_semaphore, #tpu.memory_space<semaphore_mem>>) src(%dma_wait3A_109 : memref<78x128xi32, #tpu.memory_space<hbm>>) dst(%dma_wait3A_106 : memref<78x128xi32, #tpu.memory_space<vmem>>)
      tpu.yield
    }) : () -> ()
    %lt3A_9 = arith.constant 4 : i32
    %lt3A_10 = arith.cmpi slt, %add3A, %lt3A_9 : i32
    %convert_element_type3A = arith.extui %lt3A_10 : i1 to i32
    %cond3A = arith.constant 0 : i32
    %cond3A_11 = arith.cmpi ne, %convert_element_type3A, %cond3A : i32
    scf.if %cond3A_11 {
      %add3A_86 = arith.constant 78 : i32
      %add3A_87 = arith.addi %add3A_4, %add3A_86 : i32
      %run_scoped3A_88 = arith.constant 0 : i32
      "tpu.region"() ({
        %run_scoped3A_89 = tpu.sem_alloc : memref<!tpu.dma_semaphore, #tpu.memory_space<semaphore_mem>>
        %dma_start3A_90 = arith.constant 78 : i32
        %dma_start3A_91 = arith.constant 0 : i32
        %dma_start3A_92 = tpu.memref_slice %arg7[%dma_start3A_90, %dma_start3A_91] : memref<79x128xi32, #tpu.memory_space<vmem>> -> memref<1x128xi32, #tpu.memory_space<vmem>>
        %dma_start3A_93 = arith.constant 0 : i32
        %dma_start3A_94 = tpu.memref_slice %arg2[%run_scoped3A_88, %add3A_87, %dma_start3A_93] : memref<2x2500x128xi32, #tpu.memory_space<hbm>> -> memref<1x1x128xi32, #tpu.memory_space<hbm>>
        %dma_start3A_95 = tpu.memref_squeeze %dma_start3A_94 : memref<1x1x128xi32, #tpu.memory_space<hbm>> -> memref<1x128xi32, #tpu.memory_space<hbm>>
        %dma_start3A_96 = arith.constant 78 : i32
        %dma_start3A_97 = arith.constant 0 : i32
        %dma_start3A_98 = tpu.memref_slice %arg7[%dma_start3A_96, %dma_start3A_97] : memref<79x128xi32, #tpu.memory_space<vmem>> -> memref<1x128xi32, #tpu.memory_space<vmem>>
        %dma_start3A_99 = arith.constant 0 : i32
        %dma_start3A_100 = tpu.memref_slice %arg2[%run_scoped3A_88, %add3A_87, %dma_start3A_99] : memref<2x2500x128xi32, #tpu.memory_space<hbm>> -> memref<1x1x128xi32, #tpu.memory_space<hbm>>
        %dma_start3A_101 = tpu.memref_squeeze %dma_start3A_100 : memref<1x1x128xi32, #tpu.memory_space<hbm>> -> memref<1x128xi32, #tpu.memory_space<hbm>>
        tpu.enqueue_dma source(%dma_start3A_101 : memref<1x128xi32, #tpu.memory_space<hbm>>) target(%dma_start3A_98 : memref<1x128xi32, #tpu.memory_space<vmem>>) target_semaphore(%run_scoped3A_89 : memref<!tpu.dma_semaphore, #tpu.memory_space<semaphore_mem>>)
        %dma_wait3A = arith.constant 78 : i32
        %dma_wait3A_102 = arith.constant 0 : i32
        %dma_wait3A_103 = tpu.memref_slice %arg7[%dma_wait3A, %dma_wait3A_102] : memref<79x128xi32, #tpu.memory_space<vmem>> -> memref<1x128xi32, #tpu.memory_space<vmem>>
        %dma_wait3A_104 = arith.constant 0 : i32
        %dma_wait3A_105 = tpu.memref_slice %arg2[%run_scoped3A_88, %add3A_87, %dma_wait3A_104] : memref<2x2500x128xi32, #tpu.memory_space<hbm>> -> memref<1x1x128xi32, #tpu.memory_space<hbm>>
        %dma_wait3A_106 = tpu.memref_squeeze %dma_wait3A_105 : memref<1x1x128xi32, #tpu.memory_space<hbm>> -> memref<1x128xi32, #tpu.memory_space<hbm>>
        %dma_wait3A_107 = arith.constant 78 : i32
        %dma_wait3A_108 = arith.constant 0 : i32
        %dma_wait3A_109 = tpu.memref_slice %arg7[%dma_wait3A_107, %dma_wait3A_108] : memref<79x128xi32, #tpu.memory_space<vmem>> -> memref<1x128xi32, #tpu.memory_space<vmem>>
        %dma_wait3A_110 = arith.constant 0 : i32
        %dma_wait3A_111 = tpu.memref_slice %arg2[%run_scoped3A_88, %add3A_87, %dma_wait3A_110] : memref<2x2500x128xi32, #tpu.memory_space<hbm>> -> memref<1x1x128xi32, #tpu.memory_space<hbm>>
        %dma_wait3A_112 = tpu.memref_squeeze %dma_wait3A_111 : memref<1x1x128xi32, #tpu.memory_space<hbm>> -> memref<1x128xi32, #tpu.memory_space<hbm>>
        tpu.wait_dma2 semaphore(%run_scoped3A_89 : memref<!tpu.dma_semaphore, #tpu.memory_space<semaphore_mem>>) src(%dma_wait3A_112 : memref<1x128xi32, #tpu.memory_space<hbm>>) dst(%dma_wait3A_109 : memref<1x128xi32, #tpu.memory_space<vmem>>)
        tpu.yield
      }) : () -> ()
    } else {
    }
    %run_scoped3A_12 = arith.constant 1 : i32
    "tpu.region"() ({
      %run_scoped3A_86 = tpu.sem_alloc : memref<!tpu.dma_semaphore, #tpu.memory_space<semaphore_mem>>
      %dma_start3A_87 = arith.constant 0 : i32
      %dma_start3A_88 = arith.constant 0 : i32
      %dma_start3A_89 = tpu.memref_slice %arg8[%dma_start3A_87, %dma_start3A_88] : memref<79x128xi32, #tpu.memory_space<vmem>> -> memref<78x128xi32, #tpu.memory_space<vmem>>
      %dma_start3A_90 = arith.constant 0 : i32
      %dma_start3A_91 = tpu.memref_slice %arg2[%run_scoped3A_12, %add3A_4, %dma_start3A_90] : memref<2x2500x128xi32, #tpu.memory_space<hbm>> -> memref<1x78x128xi32, #tpu.memory_space<hbm>>
      %dma_start3A_92 = tpu.memref_squeeze %dma_start3A_91 : memref<1x78x128xi32, #tpu.memory_space<hbm>> -> memref<78x128xi32, #tpu.memory_space<hbm>>
      %dma_start3A_93 = arith.constant 0 : i32
      %dma_start3A_94 = arith.constant 0 : i32
      %dma_start3A_95 = tpu.memref_slice %arg8[%dma_start3A_93, %dma_start3A_94] : memref<79x128xi32, #tpu.memory_space<vmem>> -> memref<78x128xi32, #tpu.memory_space<vmem>>
      %dma_start3A_96 = arith.constant 0 : i32
      %dma_start3A_97 = tpu.memref_slice %arg2[%run_scoped3A_12, %add3A_4, %dma_start3A_96] : memref<2x2500x128xi32, #tpu.memory_space<hbm>> -> memref<1x78x128xi32, #tpu.memory_space<hbm>>
      %dma_start3A_98 = tpu.memref_squeeze %dma_start3A_97 : memref<1x78x128xi32, #tpu.memory_space<hbm>> -> memref<78x128xi32, #tpu.memory_space<hbm>>
      tpu.enqueue_dma source(%dma_start3A_98 : memref<78x128xi32, #tpu.memory_space<hbm>>) target(%dma_start3A_95 : memref<78x128xi32, #tpu.memory_space<vmem>>) target_semaphore(%run_scoped3A_86 : memref<!tpu.dma_semaphore, #tpu.memory_space<semaphore_mem>>)
      %dma_wait3A = arith.constant 0 : i32
      %dma_wait3A_99 = arith.constant 0 : i32
      %dma_wait3A_100 = tpu.memref_slice %arg8[%dma_wait3A, %dma_wait3A_99] : memref<79x128xi32, #tpu.memory_space<vmem>> -> memref<78x128xi32, #tpu.memory_space<vmem>>
      %dma_wait3A_101 = arith.constant 0 : i32
      %dma_wait3A_102 = tpu.memref_slice %arg2[%run_scoped3A_12, %add3A_4, %dma_wait3A_101] : memref<2x2500x128xi32, #tpu.memory_space<hbm>> -> memref<1x78x128xi32, #tpu.memory_space<hbm>>
      %dma_wait3A_103 = tpu.memref_squeeze %dma_wait3A_102 : memref<1x78x128xi32, #tpu.memory_space<hbm>> -> memref<78x128xi32, #tpu.memory_space<hbm>>
      %dma_wait3A_104 = arith.constant 0 : i32
      %dma_wait3A_105 = arith.constant 0 : i32
      %dma_wait3A_106 = tpu.memref_slice %arg8[%dma_wait3A_104, %dma_wait3A_105] : memref<79x128xi32, #tpu.memory_space<vmem>> -> memref<78x128xi32, #tpu.memory_space<vmem>>
      %dma_wait3A_107 = arith.constant 0 : i32
      %dma_wait3A_108 = tpu.memref_slice %arg2[%run_scoped3A_12, %add3A_4, %dma_wait3A_107] : memref<2x2500x128xi32, #tpu.memory_space<hbm>> -> memref<1x78x128xi32, #tpu.memory_space<hbm>>
      %dma_wait3A_109 = tpu.memref_squeeze %dma_wait3A_108 : memref<1x78x128xi32, #tpu.memory_space<hbm>> -> memref<78x128xi32, #tpu.memory_space<hbm>>
      tpu.wait_dma2 semaphore(%run_scoped3A_86 : memref<!tpu.dma_semaphore, #tpu.memory_space<semaphore_mem>>) src(%dma_wait3A_109 : memref<78x128xi32, #tpu.memory_space<hbm>>) dst(%dma_wait3A_106 : memref<78x128xi32, #tpu.memory_space<vmem>>)
      tpu.yield
    }) : () -> ()
    %lt3A_13 = arith.constant 4 : i32
    %lt3A_14 = arith.cmpi slt, %add3A, %lt3A_13 : i32
    %convert_element_type3A_15 = arith.extui %lt3A_14 : i1 to i32
    %cond3A_16 = arith.constant 0 : i32
    %cond3A_17 = arith.cmpi ne, %convert_element_type3A_15, %cond3A_16 : i32
    scf.if %cond3A_17 {
      %add3A_86 = arith.constant 78 : i32
      %add3A_87 = arith.addi %add3A_4, %add3A_86 : i32
      %run_scoped3A_88 = arith.constant 1 : i32
      "tpu.region"() ({
        %run_scoped3A_89 = tpu.sem_alloc : memref<!tpu.dma_semaphore, #tpu.memory_space<semaphore_mem>>
        %dma_start3A_90 = arith.constant 78 : i32
        %dma_start3A_91 = arith.constant 0 : i32
        %dma_start3A_92 = tpu.memref_slice %arg8[%dma_start3A_90, %dma_start3A_91] : memref<79x128xi32, #tpu.memory_space<vmem>> -> memref<1x128xi32, #tpu.memory_space<vmem>>
        %dma_start3A_93 = arith.constant 0 : i32
        %dma_start3A_94 = tpu.memref_slice %arg2[%run_scoped3A_88, %add3A_87, %dma_start3A_93] : memref<2x2500x128xi32, #tpu.memory_space<hbm>> -> memref<1x1x128xi32, #tpu.memory_space<hbm>>
        %dma_start3A_95 = tpu.memref_squeeze %dma_start3A_94 : memref<1x1x128xi32, #tpu.memory_space<hbm>> -> memref<1x128xi32, #tpu.memory_space<hbm>>
        %dma_start3A_96 = arith.constant 78 : i32
        %dma_start3A_97 = arith.constant 0 : i32
        %dma_start3A_98 = tpu.memref_slice %arg8[%dma_start3A_96, %dma_start3A_97] : memref<79x128xi32, #tpu.memory_space<vmem>> -> memref<1x128xi32, #tpu.memory_space<vmem>>
        %dma_start3A_99 = arith.constant 0 : i32
        %dma_start3A_100 = tpu.memref_slice %arg2[%run_scoped3A_88, %add3A_87, %dma_start3A_99] : memref<2x2500x128xi32, #tpu.memory_space<hbm>> -> memref<1x1x128xi32, #tpu.memory_space<hbm>>
        %dma_start3A_101 = tpu.memref_squeeze %dma_start3A_100 : memref<1x1x128xi32, #tpu.memory_space<hbm>> -> memref<1x128xi32, #tpu.memory_space<hbm>>
        tpu.enqueue_dma source(%dma_start3A_101 : memref<1x128xi32, #tpu.memory_space<hbm>>) target(%dma_start3A_98 : memref<1x128xi32, #tpu.memory_space<vmem>>) target_semaphore(%run_scoped3A_89 : memref<!tpu.dma_semaphore, #tpu.memory_space<semaphore_mem>>)
        %dma_wait3A = arith.constant 78 : i32
        %dma_wait3A_102 = arith.constant 0 : i32
        %dma_wait3A_103 = tpu.memref_slice %arg8[%dma_wait3A, %dma_wait3A_102] : memref<79x128xi32, #tpu.memory_space<vmem>> -> memref<1x128xi32, #tpu.memory_space<vmem>>
        %dma_wait3A_104 = arith.constant 0 : i32
        %dma_wait3A_105 = tpu.memref_slice %arg2[%run_scoped3A_88, %add3A_87, %dma_wait3A_104] : memref<2x2500x128xi32, #tpu.memory_space<hbm>> -> memref<1x1x128xi32, #tpu.memory_space<hbm>>
        %dma_wait3A_106 = tpu.memref_squeeze %dma_wait3A_105 : memref<1x1x128xi32, #tpu.memory_space<hbm>> -> memref<1x128xi32, #tpu.memory_space<hbm>>
        %dma_wait3A_107 = arith.constant 78 : i32
        %dma_wait3A_108 = arith.constant 0 : i32
        %dma_wait3A_109 = tpu.memref_slice %arg8[%dma_wait3A_107, %dma_wait3A_108] : memref<79x128xi32, #tpu.memory_space<vmem>> -> memref<1x128xi32, #tpu.memory_space<vmem>>
        %dma_wait3A_110 = arith.constant 0 : i32
        %dma_wait3A_111 = tpu.memref_slice %arg2[%run_scoped3A_88, %add3A_87, %dma_wait3A_110] : memref<2x2500x128xi32, #tpu.memory_space<hbm>> -> memref<1x1x128xi32, #tpu.memory_space<hbm>>
        %dma_wait3A_112 = tpu.memref_squeeze %dma_wait3A_111 : memref<1x1x128xi32, #tpu.memory_space<hbm>> -> memref<1x128xi32, #tpu.memory_space<hbm>>
        tpu.wait_dma2 semaphore(%run_scoped3A_89 : memref<!tpu.dma_semaphore, #tpu.memory_space<semaphore_mem>>) src(%dma_wait3A_112 : memref<1x128xi32, #tpu.memory_space<hbm>>) dst(%dma_wait3A_109 : memref<1x128xi32, #tpu.memory_space<vmem>>)
        tpu.yield
      }) : () -> ()
    } else {
    }
    %scan3A = arith.constant 0 : i32
    %scan3A_18 = arith.constant 0 : i32
    %scan3A_19 = arith.constant 632 : i32
    %scan3A_20 = arith.addi %scan3A_18, %scan3A_19 : i32
    %scan3A_21 = arith.constant 1 : i32
    scf.for %scan3A_86 = %scan3A_18 to %scan3A_20 step %scan3A_21  : i32 {
      %broadcast_in_dim3A = arith.constant 0.000000e+00 : f32
      %broadcast_in_dim3A_87 = vector.broadcast %broadcast_in_dim3A : f32 to vector<16xf32>
      %swap3A = arith.index_cast %scan3A_86 : i32 to index
      %swap3A_88 = arith.constant 0 : index
      %swap3A_89 = tpu.vector_load %arg13[%swap3A, %swap3A_88] {strides = array<i32>} : memref<632x32xf32, #tpu.memory_space<vmem>>, vector<1x16xf32>,
      %swap3A_90 = vector.shape_cast %swap3A_89 : vector<1x16xf32> to vector<16xf32>
      %swap3A_91 = vector.shape_cast %broadcast_in_dim3A_87 : vector<16xf32> to vector<1x16xf32>
      tpu.vector_store %arg13[%swap3A, %swap3A_88], %swap3A_91 {strides = array<i32>} : memref<632x32xf32, #tpu.memory_space<vmem>>, vector<1x16xf32>,
      %broadcast_in_dim3A_92 = arith.constant 0.000000e+00 : f32
      %broadcast_in_dim3A_93 = vector.broadcast %broadcast_in_dim3A_92 : f32 to vector<16xf32>
      %swap3A_94 = arith.index_cast %scan3A_86 : i32 to index
      %swap3A_95 = arith.constant 16 : index
      %swap3A_96 = tpu.vector_load %arg13[%swap3A_94, %swap3A_95] {strides = array<i32>} : memref<632x32xf32, #tpu.memory_space<vmem>>, vector<1x16xf32>,
      %swap3A_97 = vector.shape_cast %swap3A_96 : vector<1x16xf32> to vector<16xf32>
      %swap3A_98 = vector.shape_cast %broadcast_in_dim3A_93 : vector<16xf32> to vector<1x16xf32>
      tpu.vector_store %arg13[%swap3A_94, %swap3A_95], %swap3A_98 {strides = array<i32>} : memref<632x32xf32, #tpu.memory_space<vmem>>, vector<1x16xf32>,
    }
    %scan3A_22 = arith.constant 632 : i32
    %mul3A_23 = arith.constant 632 : i32
    %mul3A_24 = arith.muli %arg1, %mul3A_23 : i32
    "tpu.region"() ({
      %run_scoped3A_86 = tpu.sem_alloc : memref<!tpu.dma_semaphore, #tpu.memory_space<semaphore_mem>>
      %dma_start3A_87 = arith.constant 0 : i32
      %dma_start3A_88 = tpu.memref_slice %arg14[%mul3A_24, %dma_start3A_87] : memref<10112x32xf32, #tpu.memory_space<vmem_shared>> -> memref<632x32xf32, #tpu.memory_space<vmem_shared>>
      %dma_start3A_89 = arith.constant 0 : i32
      %dma_start3A_90 = tpu.memref_slice %arg14[%mul3A_24, %dma_start3A_89] : memref<10112x32xf32, #tpu.memory_space<vmem_shared>> -> memref<632x32xf32, #tpu.memory_space<vmem_shared>>
      tpu.enqueue_dma source(%arg13 : memref<632x32xf32, #tpu.memory_space<vmem>>) target(%dma_start3A_90 : memref<632x32xf32, #tpu.memory_space<vmem_shared>>) target_semaphore(%run_scoped3A_86 : memref<!tpu.dma_semaphore, #tpu.memory_space<semaphore_mem>>)
      %dma_wait3A = arith.constant 0 : i32
      %dma_wait3A_91 = tpu.memref_slice %arg14[%mul3A_24, %dma_wait3A] : memref<10112x32xf32, #tpu.memory_space<vmem_shared>> -> memref<632x32xf32, #tpu.memory_space<vmem_shared>>
      %dma_wait3A_92 = arith.constant 0 : i32
      %dma_wait3A_93 = tpu.memref_slice %arg14[%mul3A_24, %dma_wait3A_92] : memref<10112x32xf32, #tpu.memory_space<vmem_shared>> -> memref<632x32xf32, #tpu.memory_space<vmem_shared>>
      tpu.wait_dma2 semaphore(%run_scoped3A_86 : memref<!tpu.dma_semaphore, #tpu.memory_space<semaphore_mem>>) src(%arg13 : memref<632x32xf32, #tpu.memory_space<vmem>>) dst(%dma_wait3A_93 : memref<632x32xf32, #tpu.memory_space<vmem_shared>>)
      tpu.yield
    }) : () -> ()
    %mul3A_25 = arith.constant 625 : i32
    %mul3A_26 = arith.muli %arg1, %mul3A_25 : i32
    "tpu.region"() ({
      %run_scoped3A_86 = tpu.sem_alloc : memref<!tpu.dma_semaphore, #tpu.memory_space<semaphore_mem>>
      %dma_start3A_87 = arith.constant 0 : i32
      %dma_start3A_88 = arith.constant 0 : i32
      %dma_start3A_89 = tpu.memref_slice %arg13[%dma_start3A_87, %dma_start3A_88] : memref<632x32xf32, #tpu.memory_space<vmem>> -> memref<625x32xf32, #tpu.memory_space<vmem>>
      %dma_start3A_90 = arith.constant 0 : i32
      %dma_start3A_91 = tpu.memref_slice %arg3[%mul3A_26, %dma_start3A_90] : memref<10000x32xf32, #tpu.memory_space<hbm>> -> memref<625x32xf32, #tpu.memory_space<hbm>>
      %dma_start3A_92 = arith.constant 0 : i32
      %dma_start3A_93 = arith.constant 0 : i32
      %dma_start3A_94 = tpu.memref_slice %arg13[%dma_start3A_92, %dma_start3A_93] : memref<632x32xf32, #tpu.memory_space<vmem>> -> memref<625x32xf32, #tpu.memory_space<vmem>>
      %dma_start3A_95 = arith.constant 0 : i32
      %dma_start3A_96 = tpu.memref_slice %arg3[%mul3A_26, %dma_start3A_95] : memref<10000x32xf32, #tpu.memory_space<hbm>> -> memref<625x32xf32, #tpu.memory_space<hbm>>
      tpu.enqueue_dma source(%dma_start3A_96 : memref<625x32xf32, #tpu.memory_space<hbm>>) target(%dma_start3A_94 : memref<625x32xf32, #tpu.memory_space<vmem>>) target_semaphore(%run_scoped3A_86 : memref<!tpu.dma_semaphore, #tpu.memory_space<semaphore_mem>>)
      %dma_wait3A = arith.constant 0 : i32
      %dma_wait3A_97 = arith.constant 0 : i32
      %dma_wait3A_98 = tpu.memref_slice %arg13[%dma_wait3A, %dma_wait3A_97] : memref<632x32xf32, #tpu.memory_space<vmem>> -> memref<625x32xf32, #tpu.memory_space<vmem>>
      %dma_wait3A_99 = arith.constant 0 : i32
      %dma_wait3A_100 = tpu.memref_slice %arg3[%mul3A_26, %dma_wait3A_99] : memref<10000x32xf32, #tpu.memory_space<hbm>> -> memref<625x32xf32, #tpu.memory_space<hbm>>
      %dma_wait3A_101 = arith.constant 0 : i32
      %dma_wait3A_102 = arith.constant 0 : i32
      %dma_wait3A_103 = tpu.memref_slice %arg13[%dma_wait3A_101, %dma_wait3A_102] : memref<632x32xf32, #tpu.memory_space<vmem>> -> memref<625x32xf32, #tpu.memory_space<vmem>>
      %dma_wait3A_104 = arith.constant 0 : i32
      %dma_wait3A_105 = tpu.memref_slice %arg3[%mul3A_26, %dma_wait3A_104] : memref<10000x32xf32, #tpu.memory_space<hbm>> -> memref<625x32xf32, #tpu.memory_space<hbm>>
      tpu.wait_dma2 semaphore(%run_scoped3A_86 : memref<!tpu.dma_semaphore, #tpu.memory_space<semaphore_mem>>) src(%dma_wait3A_105 : memref<625x32xf32, #tpu.memory_space<hbm>>) dst(%dma_wait3A_103 : memref<625x32xf32, #tpu.memory_space<vmem>>)
      tpu.yield
    }) : () -> ()
    %mul3A_27 = arith.constant 625 : i32
    %mul3A_28 = arith.muli %arg1, %mul3A_27 : i32
    "tpu.region"() ({
      %run_scoped3A_86 = tpu.sem_alloc : memref<!tpu.dma_semaphore, #tpu.memory_space<semaphore_mem>>
      %dma_start3A_87 = arith.constant 0 : i32
      %dma_start3A_88 = arith.constant 0 : i32
      %dma_start3A_89 = tpu.memref_slice %arg13[%dma_start3A_87, %dma_start3A_88] : memref<632x32xf32, #tpu.memory_space<vmem>> -> memref<625x32xf32, #tpu.memory_space<vmem>>
      %dma_start3A_90 = arith.constant 0 : i32
      %dma_start3A_91 = tpu.memref_slice %arg15[%mul3A_28, %dma_start3A_90] : memref<10000x32xf32, #tpu.memory_space<vmem_shared>> -> memref<625x32xf32, #tpu.memory_space<vmem_shared>>
      %dma_start3A_92 = arith.constant 0 : i32
      %dma_start3A_93 = tpu.memref_slice %arg15[%mul3A_28, %dma_start3A_92] : memref<10000x32xf32, #tpu.memory_space<vmem_shared>> -> memref<625x32xf32, #tpu.memory_space<vmem_shared>>
      %dma_start3A_94 = arith.constant 0 : i32
      %dma_start3A_95 = arith.constant 0 : i32
      %dma_start3A_96 = tpu.memref_slice %arg13[%dma_start3A_94, %dma_start3A_95] : memref<632x32xf32, #tpu.memory_space<vmem>> -> memref<625x32xf32, #tpu.memory_space<vmem>>
      tpu.enqueue_dma source(%dma_start3A_96 : memref<625x32xf32, #tpu.memory_space<vmem>>) target(%dma_start3A_93 : memref<625x32xf32, #tpu.memory_space<vmem_shared>>) target_semaphore(%run_scoped3A_86 : memref<!tpu.dma_semaphore, #tpu.memory_space<semaphore_mem>>)
      %dma_wait3A = arith.constant 0 : i32
      %dma_wait3A_97 = arith.constant 0 : i32
      %dma_wait3A_98 = tpu.memref_slice %arg13[%dma_wait3A, %dma_wait3A_97] : memref<632x32xf32, #tpu.memory_space<vmem>> -> memref<625x32xf32, #tpu.memory_space<vmem>>
      %dma_wait3A_99 = arith.constant 0 : i32
      %dma_wait3A_100 = tpu.memref_slice %arg15[%mul3A_28, %dma_wait3A_99] : memref<10000x32xf32, #tpu.memory_space<vmem_shared>> -> memref<625x32xf32, #tpu.memory_space<vmem_shared>>
      %dma_wait3A_101 = arith.constant 0 : i32
      %dma_wait3A_102 = tpu.memref_slice %arg15[%mul3A_28, %dma_wait3A_101] : memref<10000x32xf32, #tpu.memory_space<vmem_shared>> -> memref<625x32xf32, #tpu.memory_space<vmem_shared>>
      %dma_wait3A_103 = arith.constant 0 : i32
      %dma_wait3A_104 = arith.constant 0 : i32
      %dma_wait3A_105 = tpu.memref_slice %arg13[%dma_wait3A_103, %dma_wait3A_104] : memref<632x32xf32, #tpu.memory_space<vmem>> -> memref<625x32xf32, #tpu.memory_space<vmem>>
      tpu.wait_dma2 semaphore(%run_scoped3A_86 : memref<!tpu.dma_semaphore, #tpu.memory_space<semaphore_mem>>) src(%dma_wait3A_105 : memref<625x32xf32, #tpu.memory_space<vmem>>) dst(%dma_wait3A_102 : memref<625x32xf32, #tpu.memory_space<vmem_shared>>)
      tpu.yield
    }) : () -> ()
    %barrier3A = arith.constant 0 : index
    tpu.barrier barrier_id(%barrier3A)
    %dma_start3A = arith.constant 0 : i32
    %dma_start3A_29 = arith.constant 0 : i32
    %dma_start3A_30 = tpu.memref_slice %arg7[%dma_start3A, %dma_start3A_29] : memref<79x128xi32, #tpu.memory_space<vmem>> -> memref<1x128xi32, #tpu.memory_space<vmem>>
    %dma_start3A_31 = tpu.memref_squeeze %dma_start3A_30 : memref<1x128xi32, #tpu.memory_space<vmem>> -> memref<128xi32, #tpu.memory_space<vmem>>
    %dma_start3A_32 = arith.constant 0 : i32
    %dma_start3A_33 = arith.constant 0 : i32
    %dma_start3A_34 = tpu.memref_slice %arg15[%dma_start3A_32, %dma_start3A_33] : memref<10000x32xf32, #tpu.memory_space<vmem_shared>> -> memref<10000x32xf32, #tpu.memory_space<vmem_shared>>
    tpu.enqueue_indirect_dma source(%dma_start3A_34 : memref<10000x32xf32, #tpu.memory_space<vmem_shared>>) target(%arg9 : memref<128x32xf32, #tpu.memory_space<vmem>>) offsets(%dma_start3A_31 : memref<128xi32, #tpu.memory_space<vmem>>) semaphore(%arg16 : memref<!tpu.dma_semaphore, #tpu.memory_space<semaphore_mem>>)
    %scan3A_35 = arith.constant 0 : i32
    %scan3A_36 = arith.constant 0 : i32
    %scan3A_37 = arith.constant 39 : i32
    %scan3A_38 = arith.addi %scan3A_36, %scan3A_37 : i32
    %scan3A_39 = arith.constant 1 : i32
    scf.for %scan3A_86 = %scan3A_36 to %scan3A_38 step %scan3A_39  : i32 {
      %mul3A_87 = arith.constant 2 : i32
      %mul3A_88 = arith.muli %mul3A_87, %scan3A_86 : i32
      %add3A_89 = arith.constant 1 : i32
      %add3A_90 = arith.addi %mul3A_88, %add3A_89 : i32
      %dma_start3A_91 = arith.constant 0 : i32
      %dma_start3A_92 = tpu.memref_slice %arg7[%add3A_90, %dma_start3A_91] : memref<79x128xi32, #tpu.memory_space<vmem>> -> memref<1x128xi32, #tpu.memory_space<vmem>>
      %dma_start3A_93 = tpu.memref_squeeze %dma_start3A_92 : memref<1x128xi32, #tpu.memory_space<vmem>> -> memref<128xi32, #tpu.memory_space<vmem>>
      %dma_start3A_94 = arith.constant 0 : i32
      %dma_start3A_95 = arith.constant 0 : i32
      %dma_start3A_96 = tpu.memref_slice %arg15[%dma_start3A_94, %dma_start3A_95] : memref<10000x32xf32, #tpu.memory_space<vmem_shared>> -> memref<10000x32xf32, #tpu.memory_space<vmem_shared>>
      tpu.enqueue_indirect_dma source(%dma_start3A_96 : memref<10000x32xf32, #tpu.memory_space<vmem_shared>>) target(%arg10 : memref<128x32xf32, #tpu.memory_space<vmem>>) offsets(%dma_start3A_93 : memref<128xi32, #tpu.memory_space<vmem>>) semaphore(%arg17 : memref<!tpu.dma_semaphore, #tpu.memory_space<semaphore_mem>>)
      %dma_wait3A = arith.constant 0 : i32
      %dma_wait3A_97 = tpu.memref_slice %arg7[%mul3A_88, %dma_wait3A] : memref<79x128xi32, #tpu.memory_space<vmem>> -> memref<1x128xi32, #tpu.memory_space<vmem>>
      %dma_wait3A_98 = tpu.memref_squeeze %dma_wait3A_97 : memref<1x128xi32, #tpu.memory_space<vmem>> -> memref<128xi32, #tpu.memory_space<vmem>>
      %dma_wait3A_99 = arith.constant 0 : i32
      %dma_wait3A_100 = arith.constant 0 : i32
      %dma_wait3A_101 = tpu.memref_slice %arg15[%dma_wait3A_99, %dma_wait3A_100] : memref<10000x32xf32, #tpu.memory_space<vmem_shared>> -> memref<10000x32xf32, #tpu.memory_space<vmem_shared>>
      tpu.wait_indirect_dma semaphore(%arg16 : memref<!tpu.dma_semaphore, #tpu.memory_space<semaphore_mem>>) src(%dma_wait3A_101 : memref<10000x32xf32, #tpu.memory_space<vmem_shared>>) dst(%arg9 : memref<128x32xf32, #tpu.memory_space<vmem>>)
      "tpu.region"() ({
        %run_scoped3A_118 = tpu.sem_alloc : memref<!tpu.dma_semaphore, #tpu.memory_space<semaphore_mem>>
        %dma_start3A_119 = arith.constant 0 : i32
        %dma_start3A_120 = tpu.memref_slice %arg8[%mul3A_88, %dma_start3A_119] : memref<79x128xi32, #tpu.memory_space<vmem>> -> memref<1x128xi32, #tpu.memory_space<vmem>>
        %dma_start3A_121 = tpu.memref_squeeze %dma_start3A_120 : memref<1x128xi32, #tpu.memory_space<vmem>> -> memref<128xi32, #tpu.memory_space<vmem>>
        %dma_start3A_122 = arith.constant 0 : i32
        %dma_start3A_123 = arith.constant 0 : i32
        %dma_start3A_124 = tpu.memref_slice %arg14[%dma_start3A_122, %dma_start3A_123] : memref<10112x32xf32, #tpu.memory_space<vmem_shared>> -> memref<10112x32xf32, #tpu.memory_space<vmem_shared>>
        tpu.enqueue_indirect_dma source(%arg9 : memref<128x32xf32, #tpu.memory_space<vmem>>) target(%dma_start3A_124 : memref<10112x32xf32, #tpu.memory_space<vmem_shared>>) offsets(%dma_start3A_121 : memref<128xi32, #tpu.memory_space<vmem>>) semaphore(%run_scoped3A_118 : memref<!tpu.dma_semaphore, #tpu.memory_space<semaphore_mem>>) {add = true}
        %dma_wait3A_125 = arith.constant 0 : i32
        %dma_wait3A_126 = tpu.memref_slice %arg8[%mul3A_88, %dma_wait3A_125] : memref<79x128xi32, #tpu.memory_space<vmem>> -> memref<1x128xi32, #tpu.memory_space<vmem>>
        %dma_wait3A_127 = tpu.memref_squeeze %dma_wait3A_126 : memref<1x128xi32, #tpu.memory_space<vmem>> -> memref<128xi32, #tpu.memory_space<vmem>>
        %dma_wait3A_128 = arith.constant 0 : i32
        %dma_wait3A_129 = arith.constant 0 : i32
        %dma_wait3A_130 = tpu.memref_slice %arg14[%dma_wait3A_128, %dma_wait3A_129] : memref<10112x32xf32, #tpu.memory_space<vmem_shared>> -> memref<10112x32xf32, #tpu.memory_space<vmem_shared>>
        tpu.wait_indirect_dma semaphore(%run_scoped3A_118 : memref<!tpu.dma_semaphore, #tpu.memory_space<semaphore_mem>>) src(%arg9 : memref<128x32xf32, #tpu.memory_space<vmem>>) dst(%dma_wait3A_130 : memref<10112x32xf32, #tpu.memory_space<vmem_shared>>)
        tpu.yield
      }) : () -> ()
      %add3A_102 = arith.constant 2 : i32
      %add3A_103 = arith.addi %mul3A_88, %add3A_102 : i32
      %lt3A_104 = arith.cmpi slt, %add3A_103, %add3A_8 : i32
      %convert_element_type3A_105 = arith.extui %lt3A_104 : i1 to i32
      %cond3A_106 = arith.constant 0 : i32
      %cond3A_107 = arith.cmpi ne, %convert_element_type3A_105, %cond3A_106 : i32
      scf.if %cond3A_107 {
        %add3A_118 = arith.constant 2 : i32
        %add3A_119 = arith.addi %mul3A_88, %add3A_118 : i32
        %dma_start3A_120 = arith.constant 0 : i32
        %dma_start3A_121 = tpu.memref_slice %arg7[%add3A_119, %dma_start3A_120] : memref<79x128xi32, #tpu.memory_space<vmem>> -> memref<1x128xi32, #tpu.memory_space<vmem>>
        %dma_start3A_122 = tpu.memref_squeeze %dma_start3A_121 : memref<1x128xi32, #tpu.memory_space<vmem>> -> memref<128xi32, #tpu.memory_space<vmem>>
        %dma_start3A_123 = arith.constant 0 : i32
        %dma_start3A_124 = arith.constant 0 : i32
        %dma_start3A_125 = tpu.memref_slice %arg15[%dma_start3A_123, %dma_start3A_124] : memref<10000x32xf32, #tpu.memory_space<vmem_shared>> -> memref<10000x32xf32, #tpu.memory_space<vmem_shared>>
        tpu.enqueue_indirect_dma source(%dma_start3A_125 : memref<10000x32xf32, #tpu.memory_space<vmem_shared>>) target(%arg9 : memref<128x32xf32, #tpu.memory_space<vmem>>) offsets(%dma_start3A_122 : memref<128xi32, #tpu.memory_space<vmem>>) semaphore(%arg16 : memref<!tpu.dma_semaphore, #tpu.memory_space<semaphore_mem>>)
      } else {
      }
      %add3A_108 = arith.constant 1 : i32
      %add3A_109 = arith.addi %mul3A_88, %add3A_108 : i32
      %dma_wait3A_110 = arith.constant 0 : i32
      %dma_wait3A_111 = tpu.memref_slice %arg7[%add3A_109, %dma_wait3A_110] : memref<79x128xi32, #tpu.memory_space<vmem>> -> memref<1x128xi32, #tpu.memory_space<vmem>>
      %dma_wait3A_112 = tpu.memref_squeeze %dma_wait3A_111 : memref<1x128xi32, #tpu.memory_space<vmem>> -> memref<128xi32, #tpu.memory_space<vmem>>
      %dma_wait3A_113 = arith.constant 0 : i32
      %dma_wait3A_114 = arith.constant 0 : i32
      %dma_wait3A_115 = tpu.memref_slice %arg15[%dma_wait3A_113, %dma_wait3A_114] : memref<10000x32xf32, #tpu.memory_space<vmem_shared>> -> memref<10000x32xf32, #tpu.memory_space<vmem_shared>>
      tpu.wait_indirect_dma semaphore(%arg17 : memref<!tpu.dma_semaphore, #tpu.memory_space<semaphore_mem>>) src(%dma_wait3A_115 : memref<10000x32xf32, #tpu.memory_space<vmem_shared>>) dst(%arg10 : memref<128x32xf32, #tpu.memory_space<vmem>>)
      %add3A_116 = arith.constant 1 : i32
      %add3A_117 = arith.addi %mul3A_88, %add3A_116 : i32
      "tpu.region"() ({
        %run_scoped3A_118 = tpu.sem_alloc : memref<!tpu.dma_semaphore, #tpu.memory_space<semaphore_mem>>
        %dma_start3A_119 = arith.constant 0 : i32
        %dma_start3A_120 = tpu.memref_slice %arg8[%add3A_117, %dma_start3A_119] : memref<79x128xi32, #tpu.memory_space<vmem>> -> memref<1x128xi32, #tpu.memory_space<vmem>>
        %dma_start3A_121 = tpu.memref_squeeze %dma_start3A_120 : memref<1x128xi32, #tpu.memory_space<vmem>> -> memref<128xi32, #tpu.memory_space<vmem>>
        %dma_start3A_122 = arith.constant 0 : i32
        %dma_start3A_123 = arith.constant 0 : i32
        %dma_start3A_124 = tpu.memref_slice %arg14[%dma_start3A_122, %dma_start3A_123] : memref<10112x32xf32, #tpu.memory_space<vmem_shared>> -> memref<10112x32xf32, #tpu.memory_space<vmem_shared>>
        tpu.enqueue_indirect_dma source(%arg10 : memref<128x32xf32, #tpu.memory_space<vmem>>) target(%dma_start3A_124 : memref<10112x32xf32, #tpu.memory_space<vmem_shared>>) offsets(%dma_start3A_121 : memref<128xi32, #tpu.memory_space<vmem>>) semaphore(%run_scoped3A_118 : memref<!tpu.dma_semaphore, #tpu.memory_space<semaphore_mem>>) {add = true}
        %dma_wait3A_125 = arith.constant 0 : i32
        %dma_wait3A_126 = tpu.memref_slice %arg8[%add3A_117, %dma_wait3A_125] : memref<79x128xi32, #tpu.memory_space<vmem>> -> memref<1x128xi32, #tpu.memory_space<vmem>>
        %dma_wait3A_127 = tpu.memref_squeeze %dma_wait3A_126 : memref<1x128xi32, #tpu.memory_space<vmem>> -> memref<128xi32, #tpu.memory_space<vmem>>
        %dma_wait3A_128 = arith.constant 0 : i32
        %dma_wait3A_129 = arith.constant 0 : i32
        %dma_wait3A_130 = tpu.memref_slice %arg14[%dma_wait3A_128, %dma_wait3A_129] : memref<10112x32xf32, #tpu.memory_space<vmem_shared>> -> memref<10112x32xf32, #tpu.memory_space<vmem_shared>>
        tpu.wait_indirect_dma semaphore(%run_scoped3A_118 : memref<!tpu.dma_semaphore, #tpu.memory_space<semaphore_mem>>) src(%arg10 : memref<128x32xf32, #tpu.memory_space<vmem>>) dst(%dma_wait3A_130 : memref<10112x32xf32, #tpu.memory_space<vmem_shared>>)
        tpu.yield
      }) : () -> ()
    }
    %scan3A_40 = arith.constant 39 : i32
    %gt3A = arith.constant 78 : i32
    %gt3A_41 = arith.cmpi sgt, %add3A_8, %gt3A : i32
    %convert_element_type3A_42 = arith.extui %gt3A_41 : i1 to i32
    %cond3A_43 = arith.constant 0 : i32
    %cond3A_44 = arith.cmpi ne, %convert_element_type3A_42, %cond3A_43 : i32
    scf.if %cond3A_44 {
      %dma_wait3A = arith.constant 78 : i32
      %dma_wait3A_86 = arith.constant 0 : i32
      %dma_wait3A_87 = tpu.memref_slice %arg7[%dma_wait3A, %dma_wait3A_86] : memref<79x128xi32, #tpu.memory_space<vmem>> -> memref<1x128xi32, #tpu.memory_space<vmem>>
      %dma_wait3A_88 = tpu.memref_squeeze %dma_wait3A_87 : memref<1x128xi32, #tpu.memory_space<vmem>> -> memref<128xi32, #tpu.memory_space<vmem>>
      %dma_wait3A_89 = arith.constant 0 : i32
      %dma_wait3A_90 = arith.constant 0 : i32
      %dma_wait3A_91 = tpu.memref_slice %arg15[%dma_wait3A_89, %dma_wait3A_90] : memref<10000x32xf32, #tpu.memory_space<vmem_shared>> -> memref<10000x32xf32, #tpu.memory_space<vmem_shared>>
      tpu.wait_indirect_dma semaphore(%arg16 : memref<!tpu.dma_semaphore, #tpu.memory_space<semaphore_mem>>) src(%dma_wait3A_91 : memref<10000x32xf32, #tpu.memory_space<vmem_shared>>) dst(%arg9 : memref<128x32xf32, #tpu.memory_space<vmem>>)
      %run_scoped3A_92 = arith.constant 78 : i32
      "tpu.region"() ({
        %run_scoped3A_93 = tpu.sem_alloc : memref<!tpu.dma_semaphore, #tpu.memory_space<semaphore_mem>>
        %dma_start3A_94 = arith.constant 0 : i32
        %dma_start3A_95 = tpu.memref_slice %arg8[%run_scoped3A_92, %dma_start3A_94] : memref<79x128xi32, #tpu.memory_space<vmem>> -> memref<1x128xi32, #tpu.memory_space<vmem>>
        %dma_start3A_96 = tpu.memref_squeeze %dma_start3A_95 : memref<1x128xi32, #tpu.memory_space<vmem>> -> memref<128xi32, #tpu.memory_space<vmem>>
        %dma_start3A_97 = arith.constant 0 : i32
        %dma_start3A_98 = arith.constant 0 : i32
        %dma_start3A_99 = tpu.memref_slice %arg14[%dma_start3A_97, %dma_start3A_98] : memref<10112x32xf32, #tpu.memory_space<vmem_shared>> -> memref<10112x32xf32, #tpu.memory_space<vmem_shared>>
        tpu.enqueue_indirect_dma source(%arg9 : memref<128x32xf32, #tpu.memory_space<vmem>>) target(%dma_start3A_99 : memref<10112x32xf32, #tpu.memory_space<vmem_shared>>) offsets(%dma_start3A_96 : memref<128xi32, #tpu.memory_space<vmem>>) semaphore(%run_scoped3A_93 : memref<!tpu.dma_semaphore, #tpu.memory_space<semaphore_mem>>) {add = true}
        %dma_wait3A_100 = arith.constant 0 : i32
        %dma_wait3A_101 = tpu.memref_slice %arg8[%run_scoped3A_92, %dma_wait3A_100] : memref<79x128xi32, #tpu.memory_space<vmem>> -> memref<1x128xi32, #tpu.memory_space<vmem>>
        %dma_wait3A_102 = tpu.memref_squeeze %dma_wait3A_101 : memref<1x128xi32, #tpu.memory_space<vmem>> -> memref<128xi32, #tpu.memory_space<vmem>>
        %dma_wait3A_103 = arith.constant 0 : i32
        %dma_wait3A_104 = arith.constant 0 : i32
        %dma_wait3A_105 = tpu.memref_slice %arg14[%dma_wait3A_103, %dma_wait3A_104] : memref<10112x32xf32, #tpu.memory_space<vmem_shared>> -> memref<10112x32xf32, #tpu.memory_space<vmem_shared>>
        tpu.wait_indirect_dma semaphore(%run_scoped3A_93 : memref<!tpu.dma_semaphore, #tpu.memory_space<semaphore_mem>>) src(%arg9 : memref<128x32xf32, #tpu.memory_space<vmem>>) dst(%dma_wait3A_105 : memref<10112x32xf32, #tpu.memory_space<vmem_shared>>)
        tpu.yield
      }) : () -> ()
    } else {
    }
    %barrier3A_45 = arith.constant 0 : index
    tpu.barrier barrier_id(%barrier3A_45)
    %mul3A_46 = arith.constant 632 : i32
    %mul3A_47 = arith.muli %arg1, %mul3A_46 : i32
    "tpu.region"() ({
      %run_scoped3A_86 = tpu.sem_alloc : memref<!tpu.dma_semaphore, #tpu.memory_space<semaphore_mem>>
      %dma_start3A_87 = arith.constant 0 : i32
      %dma_start3A_88 = tpu.memref_slice %arg14[%mul3A_47, %dma_start3A_87] : memref<10112x32xf32, #tpu.memory_space<vmem_shared>> -> memref<632x32xf32, #tpu.memory_space<vmem_shared>>
      %dma_start3A_89 = arith.constant 0 : i32
      %dma_start3A_90 = tpu.memref_slice %arg14[%mul3A_47, %dma_start3A_89] : memref<10112x32xf32, #tpu.memory_space<vmem_shared>> -> memref<632x32xf32, #tpu.memory_space<vmem_shared>>
      tpu.enqueue_dma source(%dma_start3A_90 : memref<632x32xf32, #tpu.memory_space<vmem_shared>>) target(%arg13 : memref<632x32xf32, #tpu.memory_space<vmem>>) target_semaphore(%run_scoped3A_86 : memref<!tpu.dma_semaphore, #tpu.memory_space<semaphore_mem>>)
      %dma_wait3A = arith.constant 0 : i32
      %dma_wait3A_91 = tpu.memref_slice %arg14[%mul3A_47, %dma_wait3A] : memref<10112x32xf32, #tpu.memory_space<vmem_shared>> -> memref<632x32xf32, #tpu.memory_space<vmem_shared>>
      %dma_wait3A_92 = arith.constant 0 : i32
      %dma_wait3A_93 = tpu.memref_slice %arg14[%mul3A_47, %dma_wait3A_92] : memref<10112x32xf32, #tpu.memory_space<vmem_shared>> -> memref<632x32xf32, #tpu.memory_space<vmem_shared>>
      tpu.wait_dma2 semaphore(%run_scoped3A_86 : memref<!tpu.dma_semaphore, #tpu.memory_space<semaphore_mem>>) src(%dma_wait3A_93 : memref<632x32xf32, #tpu.memory_space<vmem_shared>>) dst(%arg13 : memref<632x32xf32, #tpu.memory_space<vmem>>)
      tpu.yield
    }) : () -> ()
    %mul3A_48 = arith.constant 632 : i32
    %mul3A_49 = arith.muli %arg1, %mul3A_48 : i32
    "tpu.region"() ({
      %run_scoped3A_86 = tpu.sem_alloc : memref<!tpu.dma_semaphore, #tpu.memory_space<semaphore_mem>>
      %dma_start3A_87 = arith.constant 0 : i32
      %dma_start3A_88 = tpu.memref_slice %arg5[%arg0, %mul3A_49, %dma_start3A_87] : memref<2x10112x32xf32, #tpu.memory_space<hbm>> -> memref<1x632x32xf32, #tpu.memory_space<hbm>>
      %dma_start3A_89 = tpu.memref_squeeze %dma_start3A_88 : memref<1x632x32xf32, #tpu.memory_space<hbm>> -> memref<632x32xf32, #tpu.memory_space<hbm>>
      %dma_start3A_90 = arith.constant 0 : i32
      %dma_start3A_91 = tpu.memref_slice %arg5[%arg0, %mul3A_49, %dma_start3A_90] : memref<2x10112x32xf32, #tpu.memory_space<hbm>> -> memref<1x632x32xf32, #tpu.memory_space<hbm>>
      %dma_start3A_92 = tpu.memref_squeeze %dma_start3A_91 : memref<1x632x32xf32, #tpu.memory_space<hbm>> -> memref<632x32xf32, #tpu.memory_space<hbm>>
      tpu.enqueue_dma source(%arg13 : memref<632x32xf32, #tpu.memory_space<vmem>>) target(%dma_start3A_92 : memref<632x32xf32, #tpu.memory_space<hbm>>) target_semaphore(%run_scoped3A_86 : memref<!tpu.dma_semaphore, #tpu.memory_space<semaphore_mem>>)
      %dma_wait3A = arith.constant 0 : i32
      %dma_wait3A_93 = tpu.memref_slice %arg5[%arg0, %mul3A_49, %dma_wait3A] : memref<2x10112x32xf32, #tpu.memory_space<hbm>> -> memref<1x632x32xf32, #tpu.memory_space<hbm>>
      %dma_wait3A_94 = tpu.memref_squeeze %dma_wait3A_93 : memref<1x632x32xf32, #tpu.memory_space<hbm>> -> memref<632x32xf32, #tpu.memory_space<hbm>>
      %dma_wait3A_95 = arith.constant 0 : i32
      %dma_wait3A_96 = tpu.memref_slice %arg5[%arg0, %mul3A_49, %dma_wait3A_95] : memref<2x10112x32xf32, #tpu.memory_space<hbm>> -> memref<1x632x32xf32, #tpu.memory_space<hbm>>
      %dma_wait3A_97 = tpu.memref_squeeze %dma_wait3A_96 : memref<1x632x32xf32, #tpu.memory_space<hbm>> -> memref<632x32xf32, #tpu.memory_space<hbm>>
      tpu.wait_dma2 semaphore(%run_scoped3A_86 : memref<!tpu.dma_semaphore, #tpu.memory_space<semaphore_mem>>) src(%arg13 : memref<632x32xf32, #tpu.memory_space<vmem>>) dst(%dma_wait3A_97 : memref<632x32xf32, #tpu.memory_space<hbm>>)
      tpu.yield
    }) : () -> ()
    %scan3A_50 = arith.constant 0 : i32
    %scan3A_51 = arith.constant 0 : i32
    %scan3A_52 = arith.constant 632 : i32
    %scan3A_53 = arith.addi %scan3A_51, %scan3A_52 : i32
    %scan3A_54 = arith.constant 1 : i32
    scf.for %scan3A_86 = %scan3A_51 to %scan3A_53 step %scan3A_54  : i32 {
      %broadcast_in_dim3A = arith.constant 0.000000e+00 : f32
      %broadcast_in_dim3A_87 = vector.broadcast %broadcast_in_dim3A : f32 to vector<16xf32>
      %swap3A = arith.index_cast %scan3A_86 : i32 to index
      %swap3A_88 = arith.constant 0 : index
      %swap3A_89 = tpu.vector_load %arg13[%swap3A, %swap3A_88] {strides = array<i32>} : memref<632x32xf32, #tpu.memory_space<vmem>>, vector<1x16xf32>,
      %swap3A_90 = vector.shape_cast %swap3A_89 : vector<1x16xf32> to vector<16xf32>
      %swap3A_91 = vector.shape_cast %broadcast_in_dim3A_87 : vector<16xf32> to vector<1x16xf32>
      tpu.vector_store %arg13[%swap3A, %swap3A_88], %swap3A_91 {strides = array<i32>} : memref<632x32xf32, #tpu.memory_space<vmem>>, vector<1x16xf32>,
      %broadcast_in_dim3A_92 = arith.constant 0.000000e+00 : f32
      %broadcast_in_dim3A_93 = vector.broadcast %broadcast_in_dim3A_92 : f32 to vector<16xf32>
      %swap3A_94 = arith.index_cast %scan3A_86 : i32 to index
      %swap3A_95 = arith.constant 16 : index
      %swap3A_96 = tpu.vector_load %arg13[%swap3A_94, %swap3A_95] {strides = array<i32>} : memref<632x32xf32, #tpu.memory_space<vmem>>, vector<1x16xf32>,
      %swap3A_97 = vector.shape_cast %swap3A_96 : vector<1x16xf32> to vector<16xf32>
      %swap3A_98 = vector.shape_cast %broadcast_in_dim3A_93 : vector<16xf32> to vector<1x16xf32>
      tpu.vector_store %arg13[%swap3A_94, %swap3A_95], %swap3A_98 {strides = array<i32>} : memref<632x32xf32, #tpu.memory_space<vmem>>, vector<1x16xf32>,
    }
    %scan3A_55 = arith.constant 632 : i32
    %mul3A_56 = arith.constant 632 : i32
    %mul3A_57 = arith.muli %arg1, %mul3A_56 : i32
    "tpu.region"() ({
      %run_scoped3A_86 = tpu.sem_alloc : memref<!tpu.dma_semaphore, #tpu.memory_space<semaphore_mem>>
      %dma_start3A_87 = arith.constant 0 : i32
      %dma_start3A_88 = tpu.memref_slice %arg14[%mul3A_57, %dma_start3A_87] : memref<10112x32xf32, #tpu.memory_space<vmem_shared>> -> memref<632x32xf32, #tpu.memory_space<vmem_shared>>
      %dma_start3A_89 = arith.constant 0 : i32
      %dma_start3A_90 = tpu.memref_slice %arg14[%mul3A_57, %dma_start3A_89] : memref<10112x32xf32, #tpu.memory_space<vmem_shared>> -> memref<632x32xf32, #tpu.memory_space<vmem_shared>>
      tpu.enqueue_dma source(%arg13 : memref<632x32xf32, #tpu.memory_space<vmem>>) target(%dma_start3A_90 : memref<632x32xf32, #tpu.memory_space<vmem_shared>>) target_semaphore(%run_scoped3A_86 : memref<!tpu.dma_semaphore, #tpu.memory_space<semaphore_mem>>)
      %dma_wait3A = arith.constant 0 : i32
      %dma_wait3A_91 = tpu.memref_slice %arg14[%mul3A_57, %dma_wait3A] : memref<10112x32xf32, #tpu.memory_space<vmem_shared>> -> memref<632x32xf32, #tpu.memory_space<vmem_shared>>
      %dma_wait3A_92 = arith.constant 0 : i32
      %dma_wait3A_93 = tpu.memref_slice %arg14[%mul3A_57, %dma_wait3A_92] : memref<10112x32xf32, #tpu.memory_space<vmem_shared>> -> memref<632x32xf32, #tpu.memory_space<vmem_shared>>
      tpu.wait_dma2 semaphore(%run_scoped3A_86 : memref<!tpu.dma_semaphore, #tpu.memory_space<semaphore_mem>>) src(%arg13 : memref<632x32xf32, #tpu.memory_space<vmem>>) dst(%dma_wait3A_93 : memref<632x32xf32, #tpu.memory_space<vmem_shared>>)
      tpu.yield
    }) : () -> ()
    %mul3A_58 = arith.constant 625 : i32
    %mul3A_59 = arith.muli %arg1, %mul3A_58 : i32
    "tpu.region"() ({
      %run_scoped3A_86 = tpu.sem_alloc : memref<!tpu.dma_semaphore, #tpu.memory_space<semaphore_mem>>
      %dma_start3A_87 = arith.constant 0 : i32
      %dma_start3A_88 = arith.constant 0 : i32
      %dma_start3A_89 = tpu.memref_slice %arg13[%dma_start3A_87, %dma_start3A_88] : memref<632x32xf32, #tpu.memory_space<vmem>> -> memref<625x32xf32, #tpu.memory_space<vmem>>
      %dma_start3A_90 = arith.constant 0 : i32
      %dma_start3A_91 = tpu.memref_slice %arg4[%mul3A_59, %dma_start3A_90] : memref<10000x32xf32, #tpu.memory_space<hbm>> -> memref<625x32xf32, #tpu.memory_space<hbm>>
      %dma_start3A_92 = arith.constant 0 : i32
      %dma_start3A_93 = arith.constant 0 : i32
      %dma_start3A_94 = tpu.memref_slice %arg13[%dma_start3A_92, %dma_start3A_93] : memref<632x32xf32, #tpu.memory_space<vmem>> -> memref<625x32xf32, #tpu.memory_space<vmem>>
      %dma_start3A_95 = arith.constant 0 : i32
      %dma_start3A_96 = tpu.memref_slice %arg4[%mul3A_59, %dma_start3A_95] : memref<10000x32xf32, #tpu.memory_space<hbm>> -> memref<625x32xf32, #tpu.memory_space<hbm>>
      tpu.enqueue_dma source(%dma_start3A_96 : memref<625x32xf32, #tpu.memory_space<hbm>>) target(%dma_start3A_94 : memref<625x32xf32, #tpu.memory_space<vmem>>) target_semaphore(%run_scoped3A_86 : memref<!tpu.dma_semaphore, #tpu.memory_space<semaphore_mem>>)
      %dma_wait3A = arith.constant 0 : i32
      %dma_wait3A_97 = arith.constant 0 : i32
      %dma_wait3A_98 = tpu.memref_slice %arg13[%dma_wait3A, %dma_wait3A_97] : memref<632x32xf32, #tpu.memory_space<vmem>> -> memref<625x32xf32, #tpu.memory_space<vmem>>
      %dma_wait3A_99 = arith.constant 0 : i32
      %dma_wait3A_100 = tpu.memref_slice %arg4[%mul3A_59, %dma_wait3A_99] : memref<10000x32xf32, #tpu.memory_space<hbm>> -> memref<625x32xf32, #tpu.memory_space<hbm>>
      %dma_wait3A_101 = arith.constant 0 : i32
      %dma_wait3A_102 = arith.constant 0 : i32
      %dma_wait3A_103 = tpu.memref_slice %arg13[%dma_wait3A_101, %dma_wait3A_102] : memref<632x32xf32, #tpu.memory_space<vmem>> -> memref<625x32xf32, #tpu.memory_space<vmem>>
      %dma_wait3A_104 = arith.constant 0 : i32
      %dma_wait3A_105 = tpu.memref_slice %arg4[%mul3A_59, %dma_wait3A_104] : memref<10000x32xf32, #tpu.memory_space<hbm>> -> memref<625x32xf32, #tpu.memory_space<hbm>>
      tpu.wait_dma2 semaphore(%run_scoped3A_86 : memref<!tpu.dma_semaphore, #tpu.memory_space<semaphore_mem>>) src(%dma_wait3A_105 : memref<625x32xf32, #tpu.memory_space<hbm>>) dst(%dma_wait3A_103 : memref<625x32xf32, #tpu.memory_space<vmem>>)
      tpu.yield
    }) : () -> ()
    %mul3A_60 = arith.constant 625 : i32
    %mul3A_61 = arith.muli %arg1, %mul3A_60 : i32
    "tpu.region"() ({
      %run_scoped3A_86 = tpu.sem_alloc : memref<!tpu.dma_semaphore, #tpu.memory_space<semaphore_mem>>
      %dma_start3A_87 = arith.constant 0 : i32
      %dma_start3A_88 = arith.constant 0 : i32
      %dma_start3A_89 = tpu.memref_slice %arg13[%dma_start3A_87, %dma_start3A_88] : memref<632x32xf32, #tpu.memory_space<vmem>> -> memref<625x32xf32, #tpu.memory_space<vmem>>
      %dma_start3A_90 = arith.constant 0 : i32
      %dma_start3A_91 = tpu.memref_slice %arg15[%mul3A_61, %dma_start3A_90] : memref<10000x32xf32, #tpu.memory_space<vmem_shared>> -> memref<625x32xf32, #tpu.memory_space<vmem_shared>>
      %dma_start3A_92 = arith.constant 0 : i32
      %dma_start3A_93 = tpu.memref_slice %arg15[%mul3A_61, %dma_start3A_92] : memref<10000x32xf32, #tpu.memory_space<vmem_shared>> -> memref<625x32xf32, #tpu.memory_space<vmem_shared>>
      %dma_start3A_94 = arith.constant 0 : i32
      %dma_start3A_95 = arith.constant 0 : i32
      %dma_start3A_96 = tpu.memref_slice %arg13[%dma_start3A_94, %dma_start3A_95] : memref<632x32xf32, #tpu.memory_space<vmem>> -> memref<625x32xf32, #tpu.memory_space<vmem>>
      tpu.enqueue_dma source(%dma_start3A_96 : memref<625x32xf32, #tpu.memory_space<vmem>>) target(%dma_start3A_93 : memref<625x32xf32, #tpu.memory_space<vmem_shared>>) target_semaphore(%run_scoped3A_86 : memref<!tpu.dma_semaphore, #tpu.memory_space<semaphore_mem>>)
      %dma_wait3A = arith.constant 0 : i32
      %dma_wait3A_97 = arith.constant 0 : i32
      %dma_wait3A_98 = tpu.memref_slice %arg13[%dma_wait3A, %dma_wait3A_97] : memref<632x32xf32, #tpu.memory_space<vmem>> -> memref<625x32xf32, #tpu.memory_space<vmem>>
      %dma_wait3A_99 = arith.constant 0 : i32
      %dma_wait3A_100 = tpu.memref_slice %arg15[%mul3A_61, %dma_wait3A_99] : memref<10000x32xf32, #tpu.memory_space<vmem_shared>> -> memref<625x32xf32, #tpu.memory_space<vmem_shared>>
      %dma_wait3A_101 = arith.constant 0 : i32
      %dma_wait3A_102 = tpu.memref_slice %arg15[%mul3A_61, %dma_wait3A_101] : memref<10000x32xf32, #tpu.memory_space<vmem_shared>> -> memref<625x32xf32, #tpu.memory_space<vmem_shared>>
      %dma_wait3A_103 = arith.constant 0 : i32
      %dma_wait3A_104 = arith.constant 0 : i32
      %dma_wait3A_105 = tpu.memref_slice %arg13[%dma_wait3A_103, %dma_wait3A_104] : memref<632x32xf32, #tpu.memory_space<vmem>> -> memref<625x32xf32, #tpu.memory_space<vmem>>
      tpu.wait_dma2 semaphore(%run_scoped3A_86 : memref<!tpu.dma_semaphore, #tpu.memory_space<semaphore_mem>>) src(%dma_wait3A_105 : memref<625x32xf32, #tpu.memory_space<vmem>>) dst(%dma_wait3A_102 : memref<625x32xf32, #tpu.memory_space<vmem_shared>>)
      tpu.yield
    }) : () -> ()
    %barrier3A_62 = arith.constant 0 : index
    tpu.barrier barrier_id(%barrier3A_62)
    %dma_start3A_63 = arith.constant 0 : i32
    %dma_start3A_64 = arith.constant 0 : i32
    %dma_start3A_65 = tpu.memref_slice %arg7[%dma_start3A_63, %dma_start3A_64] : memref<79x128xi32, #tpu.memory_space<vmem>> -> memref<1x128xi32, #tpu.memory_space<vmem>>
    %dma_start3A_66 = tpu.memref_squeeze %dma_start3A_65 : memref<1x128xi32, #tpu.memory_space<vmem>> -> memref<128xi32, #tpu.memory_space<vmem>>
    %dma_start3A_67 = arith.constant 0 : i32
    %dma_start3A_68 = arith.constant 0 : i32
    %dma_start3A_69 = tpu.memref_slice %arg15[%dma_start3A_67, %dma_start3A_68] : memref<10000x32xf32, #tpu.memory_space<vmem_shared>> -> memref<10000x32xf32, #tpu.memory_space<vmem_shared>>
    tpu.enqueue_indirect_dma source(%dma_start3A_69 : memref<10000x32xf32, #tpu.memory_space<vmem_shared>>) target(%arg9 : memref<128x32xf32, #tpu.memory_space<vmem>>) offsets(%dma_start3A_66 : memref<128xi32, #tpu.memory_space<vmem>>) semaphore(%arg16 : memref<!tpu.dma_semaphore, #tpu.memory_space<semaphore_mem>>)
    %scan3A_70 = arith.constant 0 : i32
    %scan3A_71 = arith.constant 0 : i32
    %scan3A_72 = arith.constant 39 : i32
    %scan3A_73 = arith.addi %scan3A_71, %scan3A_72 : i32
    %scan3A_74 = arith.constant 1 : i32
    scf.for %scan3A_86 = %scan3A_71 to %scan3A_73 step %scan3A_74  : i32 {
      %mul3A_87 = arith.constant 2 : i32
      %mul3A_88 = arith.muli %mul3A_87, %scan3A_86 : i32
      %add3A_89 = arith.constant 1 : i32
      %add3A_90 = arith.addi %mul3A_88, %add3A_89 : i32
      %dma_start3A_91 = arith.constant 0 : i32
      %dma_start3A_92 = tpu.memref_slice %arg7[%add3A_90, %dma_start3A_91] : memref<79x128xi32, #tpu.memory_space<vmem>> -> memref<1x128xi32, #tpu.memory_space<vmem>>
      %dma_start3A_93 = tpu.memref_squeeze %dma_start3A_92 : memref<1x128xi32, #tpu.memory_space<vmem>> -> memref<128xi32, #tpu.memory_space<vmem>>
      %dma_start3A_94 = arith.constant 0 : i32
      %dma_start3A_95 = arith.constant 0 : i32
      %dma_start3A_96 = tpu.memref_slice %arg15[%dma_start3A_94, %dma_start3A_95] : memref<10000x32xf32, #tpu.memory_space<vmem_shared>> -> memref<10000x32xf32, #tpu.memory_space<vmem_shared>>
      tpu.enqueue_indirect_dma source(%dma_start3A_96 : memref<10000x32xf32, #tpu.memory_space<vmem_shared>>) target(%arg10 : memref<128x32xf32, #tpu.memory_space<vmem>>) offsets(%dma_start3A_93 : memref<128xi32, #tpu.memory_space<vmem>>) semaphore(%arg17 : memref<!tpu.dma_semaphore, #tpu.memory_space<semaphore_mem>>)
      %dma_wait3A = arith.constant 0 : i32
      %dma_wait3A_97 = tpu.memref_slice %arg7[%mul3A_88, %dma_wait3A] : memref<79x128xi32, #tpu.memory_space<vmem>> -> memref<1x128xi32, #tpu.memory_space<vmem>>
      %dma_wait3A_98 = tpu.memref_squeeze %dma_wait3A_97 : memref<1x128xi32, #tpu.memory_space<vmem>> -> memref<128xi32, #tpu.memory_space<vmem>>
      %dma_wait3A_99 = arith.constant 0 : i32
      %dma_wait3A_100 = arith.constant 0 : i32
      %dma_wait3A_101 = tpu.memref_slice %arg15[%dma_wait3A_99, %dma_wait3A_100] : memref<10000x32xf32, #tpu.memory_space<vmem_shared>> -> memref<10000x32xf32, #tpu.memory_space<vmem_shared>>
      tpu.wait_indirect_dma semaphore(%arg16 : memref<!tpu.dma_semaphore, #tpu.memory_space<semaphore_mem>>) src(%dma_wait3A_101 : memref<10000x32xf32, #tpu.memory_space<vmem_shared>>) dst(%arg9 : memref<128x32xf32, #tpu.memory_space<vmem>>)
      "tpu.region"() ({
        %run_scoped3A_118 = tpu.sem_alloc : memref<!tpu.dma_semaphore, #tpu.memory_space<semaphore_mem>>
        %dma_start3A_119 = arith.constant 0 : i32
        %dma_start3A_120 = tpu.memref_slice %arg8[%mul3A_88, %dma_start3A_119] : memref<79x128xi32, #tpu.memory_space<vmem>> -> memref<1x128xi32, #tpu.memory_space<vmem>>
        %dma_start3A_121 = tpu.memref_squeeze %dma_start3A_120 : memref<1x128xi32, #tpu.memory_space<vmem>> -> memref<128xi32, #tpu.memory_space<vmem>>
        %dma_start3A_122 = arith.constant 0 : i32
        %dma_start3A_123 = arith.constant 0 : i32
        %dma_start3A_124 = tpu.memref_slice %arg14[%dma_start3A_122, %dma_start3A_123] : memref<10112x32xf32, #tpu.memory_space<vmem_shared>> -> memref<10112x32xf32, #tpu.memory_space<vmem_shared>>
        tpu.enqueue_indirect_dma source(%arg9 : memref<128x32xf32, #tpu.memory_space<vmem>>) target(%dma_start3A_124 : memref<10112x32xf32, #tpu.memory_space<vmem_shared>>) offsets(%dma_start3A_121 : memref<128xi32, #tpu.memory_space<vmem>>) semaphore(%run_scoped3A_118 : memref<!tpu.dma_semaphore, #tpu.memory_space<semaphore_mem>>) {add = true}
        %dma_wait3A_125 = arith.constant 0 : i32
        %dma_wait3A_126 = tpu.memref_slice %arg8[%mul3A_88, %dma_wait3A_125] : memref<79x128xi32, #tpu.memory_space<vmem>> -> memref<1x128xi32, #tpu.memory_space<vmem>>
        %dma_wait3A_127 = tpu.memref_squeeze %dma_wait3A_126 : memref<1x128xi32, #tpu.memory_space<vmem>> -> memref<128xi32, #tpu.memory_space<vmem>>
        %dma_wait3A_128 = arith.constant 0 : i32
        %dma_wait3A_129 = arith.constant 0 : i32
        %dma_wait3A_130 = tpu.memref_slice %arg14[%dma_wait3A_128, %dma_wait3A_129] : memref<10112x32xf32, #tpu.memory_space<vmem_shared>> -> memref<10112x32xf32, #tpu.memory_space<vmem_shared>>
        tpu.wait_indirect_dma semaphore(%run_scoped3A_118 : memref<!tpu.dma_semaphore, #tpu.memory_space<semaphore_mem>>) src(%arg9 : memref<128x32xf32, #tpu.memory_space<vmem>>) dst(%dma_wait3A_130 : memref<10112x32xf32, #tpu.memory_space<vmem_shared>>)
        tpu.yield
      }) : () -> ()
      %add3A_102 = arith.constant 2 : i32
      %add3A_103 = arith.addi %mul3A_88, %add3A_102 : i32
      %lt3A_104 = arith.cmpi slt, %add3A_103, %add3A_8 : i32
      %convert_element_type3A_105 = arith.extui %lt3A_104 : i1 to i32
      %cond3A_106 = arith.constant 0 : i32
      %cond3A_107 = arith.cmpi ne, %convert_element_type3A_105, %cond3A_106 : i32
      scf.if %cond3A_107 {
        %add3A_118 = arith.constant 2 : i32
        %add3A_119 = arith.addi %mul3A_88, %add3A_118 : i32
        %dma_start3A_120 = arith.constant 0 : i32
        %dma_start3A_121 = tpu.memref_slice %arg7[%add3A_119, %dma_start3A_120] : memref<79x128xi32, #tpu.memory_space<vmem>> -> memref<1x128xi32, #tpu.memory_space<vmem>>
        %dma_start3A_122 = tpu.memref_squeeze %dma_start3A_121 : memref<1x128xi32, #tpu.memory_space<vmem>> -> memref<128xi32, #tpu.memory_space<vmem>>
        %dma_start3A_123 = arith.constant 0 : i32
        %dma_start3A_124 = arith.constant 0 : i32
        %dma_start3A_125 = tpu.memref_slice %arg15[%dma_start3A_123, %dma_start3A_124] : memref<10000x32xf32, #tpu.memory_space<vmem_shared>> -> memref<10000x32xf32, #tpu.memory_space<vmem_shared>>
        tpu.enqueue_indirect_dma source(%dma_start3A_125 : memref<10000x32xf32, #tpu.memory_space<vmem_shared>>) target(%arg9 : memref<128x32xf32, #tpu.memory_space<vmem>>) offsets(%dma_start3A_122 : memref<128xi32, #tpu.memory_space<vmem>>) semaphore(%arg16 : memref<!tpu.dma_semaphore, #tpu.memory_space<semaphore_mem>>)
      } else {
      }
      %add3A_108 = arith.constant 1 : i32
      %add3A_109 = arith.addi %mul3A_88, %add3A_108 : i32
      %dma_wait3A_110 = arith.constant 0 : i32
      %dma_wait3A_111 = tpu.memref_slice %arg7[%add3A_109, %dma_wait3A_110] : memref<79x128xi32, #tpu.memory_space<vmem>> -> memref<1x128xi32, #tpu.memory_space<vmem>>
      %dma_wait3A_112 = tpu.memref_squeeze %dma_wait3A_111 : memref<1x128xi32, #tpu.memory_space<vmem>> -> memref<128xi32, #tpu.memory_space<vmem>>
      %dma_wait3A_113 = arith.constant 0 : i32
      %dma_wait3A_114 = arith.constant 0 : i32
      %dma_wait3A_115 = tpu.memref_slice %arg15[%dma_wait3A_113, %dma_wait3A_114] : memref<10000x32xf32, #tpu.memory_space<vmem_shared>> -> memref<10000x32xf32, #tpu.memory_space<vmem_shared>>
      tpu.wait_indirect_dma semaphore(%arg17 : memref<!tpu.dma_semaphore, #tpu.memory_space<semaphore_mem>>) src(%dma_wait3A_115 : memref<10000x32xf32, #tpu.memory_space<vmem_shared>>) dst(%arg10 : memref<128x32xf32, #tpu.memory_space<vmem>>)
      %add3A_116 = arith.constant 1 : i32
      %add3A_117 = arith.addi %mul3A_88, %add3A_116 : i32
      "tpu.region"() ({
        %run_scoped3A_118 = tpu.sem_alloc : memref<!tpu.dma_semaphore, #tpu.memory_space<semaphore_mem>>
        %dma_start3A_119 = arith.constant 0 : i32
        %dma_start3A_120 = tpu.memref_slice %arg8[%add3A_117, %dma_start3A_119] : memref<79x128xi32, #tpu.memory_space<vmem>> -> memref<1x128xi32, #tpu.memory_space<vmem>>
        %dma_start3A_121 = tpu.memref_squeeze %dma_start3A_120 : memref<1x128xi32, #tpu.memory_space<vmem>> -> memref<128xi32, #tpu.memory_space<vmem>>
        %dma_start3A_122 = arith.constant 0 : i32
        %dma_start3A_123 = arith.constant 0 : i32
        %dma_start3A_124 = tpu.memref_slice %arg14[%dma_start3A_122, %dma_start3A_123] : memref<10112x32xf32, #tpu.memory_space<vmem_shared>> -> memref<10112x32xf32, #tpu.memory_space<vmem_shared>>
        tpu.enqueue_indirect_dma source(%arg10 : memref<128x32xf32, #tpu.memory_space<vmem>>) target(%dma_start3A_124 : memref<10112x32xf32, #tpu.memory_space<vmem_shared>>) offsets(%dma_start3A_121 : memref<128xi32, #tpu.memory_space<vmem>>) semaphore(%run_scoped3A_118 : memref<!tpu.dma_semaphore, #tpu.memory_space<semaphore_mem>>) {add = true}
        %dma_wait3A_125 = arith.constant 0 : i32
        %dma_wait3A_126 = tpu.memref_slice %arg8[%add3A_117, %dma_wait3A_125] : memref<79x128xi32, #tpu.memory_space<vmem>> -> memref<1x128xi32, #tpu.memory_space<vmem>>
        %dma_wait3A_127 = tpu.memref_squeeze %dma_wait3A_126 : memref<1x128xi32, #tpu.memory_space<vmem>> -> memref<128xi32, #tpu.memory_space<vmem>>
        %dma_wait3A_128 = arith.constant 0 : i32
        %dma_wait3A_129 = arith.constant 0 : i32
        %dma_wait3A_130 = tpu.memref_slice %arg14[%dma_wait3A_128, %dma_wait3A_129] : memref<10112x32xf32, #tpu.memory_space<vmem_shared>> -> memref<10112x32xf32, #tpu.memory_space<vmem_shared>>
        tpu.wait_indirect_dma semaphore(%run_scoped3A_118 : memref<!tpu.dma_semaphore, #tpu.memory_space<semaphore_mem>>) src(%arg10 : memref<128x32xf32, #tpu.memory_space<vmem>>) dst(%dma_wait3A_130 : memref<10112x32xf32, #tpu.memory_space<vmem_shared>>)
        tpu.yield
      }) : () -> ()
    }
    %scan3A_75 = arith.constant 39 : i32
    %gt3A_76 = arith.constant 78 : i32
    %gt3A_77 = arith.cmpi sgt, %add3A_8, %gt3A_76 : i32
    %convert_element_type3A_78 = arith.extui %gt3A_77 : i1 to i32
    %cond3A_79 = arith.constant 0 : i32
    %cond3A_80 = arith.cmpi ne, %convert_element_type3A_78, %cond3A_79 : i32
    scf.if %cond3A_80 {
      %dma_wait3A = arith.constant 78 : i32
      %dma_wait3A_86 = arith.constant 0 : i32
      %dma_wait3A_87 = tpu.memref_slice %arg7[%dma_wait3A, %dma_wait3A_86] : memref<79x128xi32, #tpu.memory_space<vmem>> -> memref<1x128xi32, #tpu.memory_space<vmem>>
      %dma_wait3A_88 = tpu.memref_squeeze %dma_wait3A_87 : memref<1x128xi32, #tpu.memory_space<vmem>> -> memref<128xi32, #tpu.memory_space<vmem>>
      %dma_wait3A_89 = arith.constant 0 : i32
      %dma_wait3A_90 = arith.constant 0 : i32
      %dma_wait3A_91 = tpu.memref_slice %arg15[%dma_wait3A_89, %dma_wait3A_90] : memref<10000x32xf32, #tpu.memory_space<vmem_shared>> -> memref<10000x32xf32, #tpu.memory_space<vmem_shared>>
      tpu.wait_indirect_dma semaphore(%arg16 : memref<!tpu.dma_semaphore, #tpu.memory_space<semaphore_mem>>) src(%dma_wait3A_91 : memref<10000x32xf32, #tpu.memory_space<vmem_shared>>) dst(%arg9 : memref<128x32xf32, #tpu.memory_space<vmem>>)
      %run_scoped3A_92 = arith.constant 78 : i32
      "tpu.region"() ({
        %run_scoped3A_93 = tpu.sem_alloc : memref<!tpu.dma_semaphore, #tpu.memory_space<semaphore_mem>>
        %dma_start3A_94 = arith.constant 0 : i32
        %dma_start3A_95 = tpu.memref_slice %arg8[%run_scoped3A_92, %dma_start3A_94] : memref<79x128xi32, #tpu.memory_space<vmem>> -> memref<1x128xi32, #tpu.memory_space<vmem>>
        %dma_start3A_96 = tpu.memref_squeeze %dma_start3A_95 : memref<1x128xi32, #tpu.memory_space<vmem>> -> memref<128xi32, #tpu.memory_space<vmem>>
        %dma_start3A_97 = arith.constant 0 : i32
        %dma_start3A_98 = arith.constant 0 : i32
        %dma_start3A_99 = tpu.memref_slice %arg14[%dma_start3A_97, %dma_start3A_98] : memref<10112x32xf32, #tpu.memory_space<vmem_shared>> -> memref<10112x32xf32, #tpu.memory_space<vmem_shared>>
        tpu.enqueue_indirect_dma source(%arg9 : memref<128x32xf32, #tpu.memory_space<vmem>>) target(%dma_start3A_99 : memref<10112x32xf32, #tpu.memory_space<vmem_shared>>) offsets(%dma_start3A_96 : memref<128xi32, #tpu.memory_space<vmem>>) semaphore(%run_scoped3A_93 : memref<!tpu.dma_semaphore, #tpu.memory_space<semaphore_mem>>) {add = true}
        %dma_wait3A_100 = arith.constant 0 : i32
        %dma_wait3A_101 = tpu.memref_slice %arg8[%run_scoped3A_92, %dma_wait3A_100] : memref<79x128xi32, #tpu.memory_space<vmem>> -> memref<1x128xi32, #tpu.memory_space<vmem>>
        %dma_wait3A_102 = tpu.memref_squeeze %dma_wait3A_101 : memref<1x128xi32, #tpu.memory_space<vmem>> -> memref<128xi32, #tpu.memory_space<vmem>>
        %dma_wait3A_103 = arith.constant 0 : i32
        %dma_wait3A_104 = arith.constant 0 : i32
        %dma_wait3A_105 = tpu.memref_slice %arg14[%dma_wait3A_103, %dma_wait3A_104] : memref<10112x32xf32, #tpu.memory_space<vmem_shared>> -> memref<10112x32xf32, #tpu.memory_space<vmem_shared>>
        tpu.wait_indirect_dma semaphore(%run_scoped3A_93 : memref<!tpu.dma_semaphore, #tpu.memory_space<semaphore_mem>>) src(%arg9 : memref<128x32xf32, #tpu.memory_space<vmem>>) dst(%dma_wait3A_105 : memref<10112x32xf32, #tpu.memory_space<vmem_shared>>)
        tpu.yield
      }) : () -> ()
    } else {
    }
    %barrier3A_81 = arith.constant 0 : index
    tpu.barrier barrier_id(%barrier3A_81)
    %mul3A_82 = arith.constant 632 : i32
    %mul3A_83 = arith.muli %arg1, %mul3A_82 : i32
    "tpu.region"() ({
      %run_scoped3A_86 = tpu.sem_alloc : memref<!tpu.dma_semaphore, #tpu.memory_space<semaphore_mem>>
      %dma_start3A_87 = arith.constant 0 : i32
      %dma_start3A_88 = tpu.memref_slice %arg14[%mul3A_83, %dma_start3A_87] : memref<10112x32xf32, #tpu.memory_space<vmem_shared>> -> memref<632x32xf32, #tpu.memory_space<vmem_shared>>
      %dma_start3A_89 = arith.constant 0 : i32
      %dma_start3A_90 = tpu.memref_slice %arg14[%mul3A_83, %dma_start3A_89] : memref<10112x32xf32, #tpu.memory_space<vmem_shared>> -> memref<632x32xf32, #tpu.memory_space<vmem_shared>>
      tpu.enqueue_dma source(%dma_start3A_90 : memref<632x32xf32, #tpu.memory_space<vmem_shared>>) target(%arg13 : memref<632x32xf32, #tpu.memory_space<vmem>>) target_semaphore(%run_scoped3A_86 : memref<!tpu.dma_semaphore, #tpu.memory_space<semaphore_mem>>)
      %dma_wait3A = arith.constant 0 : i32
      %dma_wait3A_91 = tpu.memref_slice %arg14[%mul3A_83, %dma_wait3A] : memref<10112x32xf32, #tpu.memory_space<vmem_shared>> -> memref<632x32xf32, #tpu.memory_space<vmem_shared>>
      %dma_wait3A_92 = arith.constant 0 : i32
      %dma_wait3A_93 = tpu.memref_slice %arg14[%mul3A_83, %dma_wait3A_92] : memref<10112x32xf32, #tpu.memory_space<vmem_shared>> -> memref<632x32xf32, #tpu.memory_space<vmem_shared>>
      tpu.wait_dma2 semaphore(%run_scoped3A_86 : memref<!tpu.dma_semaphore, #tpu.memory_space<semaphore_mem>>) src(%dma_wait3A_93 : memref<632x32xf32, #tpu.memory_space<vmem_shared>>) dst(%arg13 : memref<632x32xf32, #tpu.memory_space<vmem>>)
      tpu.yield
    }) : () -> ()
    %mul3A_84 = arith.constant 632 : i32
    %mul3A_85 = arith.muli %arg1, %mul3A_84 : i32
    "tpu.region"() ({
      %run_scoped3A_86 = tpu.sem_alloc : memref<!tpu.dma_semaphore, #tpu.memory_space<semaphore_mem>>
      %dma_start3A_87 = arith.constant 0 : i32
      %dma_start3A_88 = tpu.memref_slice %arg6[%arg0, %mul3A_85, %dma_start3A_87] : memref<2x10112x32xf32, #tpu.memory_space<hbm>> -> memref<1x632x32xf32, #tpu.memory_space<hbm>>
      %dma_start3A_89 = tpu.memref_squeeze %dma_start3A_88 : memref<1x632x32xf32, #tpu.memory_space<hbm>> -> memref<632x32xf32, #tpu.memory_space<hbm>>
      %dma_start3A_90 = arith.constant 0 : i32
      %dma_start3A_91 = tpu.memref_slice %arg6[%arg0, %mul3A_85, %dma_start3A_90] : memref<2x10112x32xf32, #tpu.memory_space<hbm>> -> memref<1x632x32xf32, #tpu.memory_space<hbm>>
      %dma_start3A_92 = tpu.memref_squeeze %dma_start3A_91 : memref<1x632x32xf32, #tpu.memory_space<hbm>> -> memref<632x32xf32, #tpu.memory_space<hbm>>
      tpu.enqueue_dma source(%arg13 : memref<632x32xf32, #tpu.memory_space<vmem>>) target(%dma_start3A_92 : memref<632x32xf32, #tpu.memory_space<hbm>>) target_semaphore(%run_scoped3A_86 : memref<!tpu.dma_semaphore, #tpu.memory_space<semaphore_mem>>)
      %dma_wait3A = arith.constant 0 : i32
      %dma_wait3A_93 = tpu.memref_slice %arg6[%arg0, %mul3A_85, %dma_wait3A] : memref<2x10112x32xf32, #tpu.memory_space<hbm>> -> memref<1x632x32xf32, #tpu.memory_space<hbm>>
      %dma_wait3A_94 = tpu.memref_squeeze %dma_wait3A_93 : memref<1x632x32xf32, #tpu.memory_space<hbm>> -> memref<632x32xf32, #tpu.memory_space<hbm>>
      %dma_wait3A_95 = arith.constant 0 : i32
      %dma_wait3A_96 = tpu.memref_slice %arg6[%arg0, %mul3A_85, %dma_wait3A_95] : memref<2x10112x32xf32, #tpu.memory_space<hbm>> -> memref<1x632x32xf32, #tpu.memory_space<hbm>>
      %dma_wait3A_97 = tpu.memref_squeeze %dma_wait3A_96 : memref<1x632x32xf32, #tpu.memory_space<hbm>> -> memref<632x32xf32, #tpu.memory_space<hbm>>
      tpu.wait_dma2 semaphore(%run_scoped3A_86 : memref<!tpu.dma_semaphore, #tpu.memory_space<semaphore_mem>>) src(%arg13 : memref<632x32xf32, #tpu.memory_space<vmem>>) dst(%dma_wait3A_97 : memref<632x32xf32, #tpu.memory_space<hbm>>)
      tpu.yield
    }) : () -> ()
    return
  }
}

#map = affine_map<(d0, d1) -> (0, 0, 0)>
module attributes {stable_mosaic.version = 14 : i64} {
  func.func @_deg_kernel(%arg0: i32, %arg1: i32, %arg2: memref<2x2500x128xi32, #tpu.memory_space<hbm>>, %arg3: memref<2x10112x16xf32, #tpu.memory_space<hbm>>, %arg4: memref<79x128xi32, #tpu.memory_space<vmem>>, %arg5: memref<128x16xf32, #tpu.memory_space<vmem>>, %arg6: memref<632x16xf32, #tpu.memory_space<vmem>>, %arg7: memref<10112x16xf32, #tpu.memory_space<vmem_shared>>, %arg8: memref<!tpu.dma_semaphore, #tpu.memory_space<semaphore_mem>>) attributes {dimension_semantics = [#tpu.dimension_semantics<core_parallel>, #tpu.dimension_semantics<subcore_parallel>], iteration_bounds = array<i64: 2, 16>, scalar_prefetch = 0 : i64, scratch_operands = 5 : i64, tpu.core_type = #tpu.core_type<sc_vector_subcore>, window_params = [{transform_indices = #map}, {transform_indices = #map}]} {
    %mul3A = arith.constant 2 : i32
    %mul3A_0 = arith.muli %arg1, %mul3A : i32
    %add3A = arith.addi %mul3A_0, %arg0 : i32
    %mul3A_1 = arith.constant 78 : i32
    %mul3A_2 = arith.muli %add3A, %mul3A_1 : i32
    %min3A = arith.constant 4 : i32
    %min3A_3 = arith.minsi %add3A, %min3A : i32
    %add3A_4 = arith.addi %mul3A_2, %min3A_3 : i32
    %lt3A = arith.constant 4 : i32
    %lt3A_5 = arith.cmpi slt, %add3A, %lt3A : i32
    %jit3A = arith.constant 1 : i32
    %jit3A_6 = arith.constant 0 : i32
    %select_n3A = arith.select %lt3A_5, %jit3A, %jit3A_6 : i32
    %add3A_7 = arith.constant 78 : i32
    %add3A_8 = arith.addi %add3A_7, %select_n3A : i32
    %scan3A = arith.constant 0 : i32
    %scan3A_9 = arith.constant 0 : i32
    %scan3A_10 = arith.constant 128 : i32
    %scan3A_11 = arith.addi %scan3A_9, %scan3A_10 : i32
    %scan3A_12 = arith.constant 1 : i32
    scf.for %scan3A_49 = %scan3A_9 to %scan3A_11 step %scan3A_12  : i32 {
      %broadcast_in_dim3A = arith.constant 1.000000e+00 : f32
      %broadcast_in_dim3A_50 = vector.broadcast %broadcast_in_dim3A : f32 to vector<16xf32>
      %swap3A = arith.index_cast %scan3A_49 : i32 to index
      %swap3A_51 = arith.constant 0 : index
      %swap3A_52 = tpu.vector_load %arg5[%swap3A, %swap3A_51] {strides = array<i32>} : memref<128x16xf32, #tpu.memory_space<vmem>>, vector<1x16xf32>,
      %swap3A_53 = vector.shape_cast %swap3A_52 : vector<1x16xf32> to vector<16xf32>
      %swap3A_54 = vector.shape_cast %broadcast_in_dim3A_50 : vector<16xf32> to vector<1x16xf32>
      tpu.vector_store %arg5[%swap3A, %swap3A_51], %swap3A_54 {strides = array<i32>} : memref<128x16xf32, #tpu.memory_space<vmem>>, vector<1x16xf32>,
    }
    %scan3A_13 = arith.constant 128 : i32
    %scan3A_14 = arith.constant 0 : i32
    %scan3A_15 = arith.constant 0 : i32
    %scan3A_16 = arith.constant 632 : i32
    %scan3A_17 = arith.addi %scan3A_15, %scan3A_16 : i32
    %scan3A_18 = arith.constant 1 : i32
    scf.for %scan3A_49 = %scan3A_15 to %scan3A_17 step %scan3A_18  : i32 {
      %broadcast_in_dim3A = arith.constant 0.000000e+00 : f32
      %broadcast_in_dim3A_50 = vector.broadcast %broadcast_in_dim3A : f32 to vector<16xf32>
      %swap3A = arith.index_cast %scan3A_49 : i32 to index
      %swap3A_51 = arith.constant 0 : index
      %swap3A_52 = tpu.vector_load %arg6[%swap3A, %swap3A_51] {strides = array<i32>} : memref<632x16xf32, #tpu.memory_space<vmem>>, vector<1x16xf32>,
      %swap3A_53 = vector.shape_cast %swap3A_52 : vector<1x16xf32> to vector<16xf32>
      %swap3A_54 = vector.shape_cast %broadcast_in_dim3A_50 : vector<16xf32> to vector<1x16xf32>
      tpu.vector_store %arg6[%swap3A, %swap3A_51], %swap3A_54 {strides = array<i32>} : memref<632x16xf32, #tpu.memory_space<vmem>>, vector<1x16xf32>,
    }
    %scan3A_19 = arith.constant 632 : i32
    %run_scoped3A = arith.constant 1 : i32
    "tpu.region"() ({
      %run_scoped3A_49 = tpu.sem_alloc : memref<!tpu.dma_semaphore, #tpu.memory_space<semaphore_mem>>
      %dma_start3A = arith.constant 0 : i32
      %dma_start3A_50 = arith.constant 0 : i32
      %dma_start3A_51 = tpu.memref_slice %arg4[%dma_start3A, %dma_start3A_50] : memref<79x128xi32, #tpu.memory_space<vmem>> -> memref<78x128xi32, #tpu.memory_space<vmem>>
      %dma_start3A_52 = arith.constant 0 : i32
      %dma_start3A_53 = tpu.memref_slice %arg2[%run_scoped3A, %add3A_4, %dma_start3A_52] : memref<2x2500x128xi32, #tpu.memory_space<hbm>> -> memref<1x78x128xi32, #tpu.memory_space<hbm>>
      %dma_start3A_54 = tpu.memref_squeeze %dma_start3A_53 : memref<1x78x128xi32, #tpu.memory_space<hbm>> -> memref<78x128xi32, #tpu.memory_space<hbm>>
      %dma_start3A_55 = arith.constant 0 : i32
      %dma_start3A_56 = arith.constant 0 : i32
      %dma_start3A_57 = tpu.memref_slice %arg4[%dma_start3A_55, %dma_start3A_56] : memref<79x128xi32, #tpu.memory_space<vmem>> -> memref<78x128xi32, #tpu.memory_space<vmem>>
      %dma_start3A_58 = arith.constant 0 : i32
      %dma_start3A_59 = tpu.memref_slice %arg2[%run_scoped3A, %add3A_4, %dma_start3A_58] : memref<2x2500x128xi32, #tpu.memory_space<hbm>> -> memref<1x78x128xi32, #tpu.memory_space<hbm>>
      %dma_start3A_60 = tpu.memref_squeeze %dma_start3A_59 : memref<1x78x128xi32, #tpu.memory_space<hbm>> -> memref<78x128xi32, #tpu.memory_space<hbm>>
      tpu.enqueue_dma source(%dma_start3A_60 : memref<78x128xi32, #tpu.memory_space<hbm>>) target(%dma_start3A_57 : memref<78x128xi32, #tpu.memory_space<vmem>>) target_semaphore(%run_scoped3A_49 : memref<!tpu.dma_semaphore, #tpu.memory_space<semaphore_mem>>)
      %dma_wait3A = arith.constant 0 : i32
      %dma_wait3A_61 = arith.constant 0 : i32
      %dma_wait3A_62 = tpu.memref_slice %arg4[%dma_wait3A, %dma_wait3A_61] : memref<79x128xi32, #tpu.memory_space<vmem>> -> memref<78x128xi32, #tpu.memory_space<vmem>>
      %dma_wait3A_63 = arith.constant 0 : i32
      %dma_wait3A_64 = tpu.memref_slice %arg2[%run_scoped3A, %add3A_4, %dma_wait3A_63] : memref<2x2500x128xi32, #tpu.memory_space<hbm>> -> memref<1x78x128xi32, #tpu.memory_space<hbm>>
      %dma_wait3A_65 = tpu.memref_squeeze %dma_wait3A_64 : memref<1x78x128xi32, #tpu.memory_space<hbm>> -> memref<78x128xi32, #tpu.memory_space<hbm>>
      %dma_wait3A_66 = arith.constant 0 : i32
      %dma_wait3A_67 = arith.constant 0 : i32
      %dma_wait3A_68 = tpu.memref_slice %arg4[%dma_wait3A_66, %dma_wait3A_67] : memref<79x128xi32, #tpu.memory_space<vmem>> -> memref<78x128xi32, #tpu.memory_space<vmem>>
      %dma_wait3A_69 = arith.constant 0 : i32
      %dma_wait3A_70 = tpu.memref_slice %arg2[%run_scoped3A, %add3A_4, %dma_wait3A_69] : memref<2x2500x128xi32, #tpu.memory_space<hbm>> -> memref<1x78x128xi32, #tpu.memory_space<hbm>>
      %dma_wait3A_71 = tpu.memref_squeeze %dma_wait3A_70 : memref<1x78x128xi32, #tpu.memory_space<hbm>> -> memref<78x128xi32, #tpu.memory_space<hbm>>
      tpu.wait_dma2 semaphore(%run_scoped3A_49 : memref<!tpu.dma_semaphore, #tpu.memory_space<semaphore_mem>>) src(%dma_wait3A_71 : memref<78x128xi32, #tpu.memory_space<hbm>>) dst(%dma_wait3A_68 : memref<78x128xi32, #tpu.memory_space<vmem>>)
      tpu.yield
    }) : () -> ()
    %lt3A_20 = arith.constant 4 : i32
    %lt3A_21 = arith.cmpi slt, %add3A, %lt3A_20 : i32
    %convert_element_type3A = arith.extui %lt3A_21 : i1 to i32
    %cond3A = arith.constant 0 : i32
    %cond3A_22 = arith.cmpi ne, %convert_element_type3A, %cond3A : i32
    scf.if %cond3A_22 {
      %add3A_49 = arith.constant 78 : i32
      %add3A_50 = arith.addi %add3A_4, %add3A_49 : i32
      %run_scoped3A_51 = arith.constant 1 : i32
      "tpu.region"() ({
        %run_scoped3A_52 = tpu.sem_alloc : memref<!tpu.dma_semaphore, #tpu.memory_space<semaphore_mem>>
        %dma_start3A = arith.constant 78 : i32
        %dma_start3A_53 = arith.constant 0 : i32
        %dma_start3A_54 = tpu.memref_slice %arg4[%dma_start3A, %dma_start3A_53] : memref<79x128xi32, #tpu.memory_space<vmem>> -> memref<1x128xi32, #tpu.memory_space<vmem>>
        %dma_start3A_55 = arith.constant 0 : i32
        %dma_start3A_56 = tpu.memref_slice %arg2[%run_scoped3A_51, %add3A_50, %dma_start3A_55] : memref<2x2500x128xi32, #tpu.memory_space<hbm>> -> memref<1x1x128xi32, #tpu.memory_space<hbm>>
        %dma_start3A_57 = tpu.memref_squeeze %dma_start3A_56 : memref<1x1x128xi32, #tpu.memory_space<hbm>> -> memref<1x128xi32, #tpu.memory_space<hbm>>
        %dma_start3A_58 = arith.constant 78 : i32
        %dma_start3A_59 = arith.constant 0 : i32
        %dma_start3A_60 = tpu.memref_slice %arg4[%dma_start3A_58, %dma_start3A_59] : memref<79x128xi32, #tpu.memory_space<vmem>> -> memref<1x128xi32, #tpu.memory_space<vmem>>
        %dma_start3A_61 = arith.constant 0 : i32
        %dma_start3A_62 = tpu.memref_slice %arg2[%run_scoped3A_51, %add3A_50, %dma_start3A_61] : memref<2x2500x128xi32, #tpu.memory_space<hbm>> -> memref<1x1x128xi32, #tpu.memory_space<hbm>>
        %dma_start3A_63 = tpu.memref_squeeze %dma_start3A_62 : memref<1x1x128xi32, #tpu.memory_space<hbm>> -> memref<1x128xi32, #tpu.memory_space<hbm>>
        tpu.enqueue_dma source(%dma_start3A_63 : memref<1x128xi32, #tpu.memory_space<hbm>>) target(%dma_start3A_60 : memref<1x128xi32, #tpu.memory_space<vmem>>) target_semaphore(%run_scoped3A_52 : memref<!tpu.dma_semaphore, #tpu.memory_space<semaphore_mem>>)
        %dma_wait3A = arith.constant 78 : i32
        %dma_wait3A_64 = arith.constant 0 : i32
        %dma_wait3A_65 = tpu.memref_slice %arg4[%dma_wait3A, %dma_wait3A_64] : memref<79x128xi32, #tpu.memory_space<vmem>> -> memref<1x128xi32, #tpu.memory_space<vmem>>
        %dma_wait3A_66 = arith.constant 0 : i32
        %dma_wait3A_67 = tpu.memref_slice %arg2[%run_scoped3A_51, %add3A_50, %dma_wait3A_66] : memref<2x2500x128xi32, #tpu.memory_space<hbm>> -> memref<1x1x128xi32, #tpu.memory_space<hbm>>
        %dma_wait3A_68 = tpu.memref_squeeze %dma_wait3A_67 : memref<1x1x128xi32, #tpu.memory_space<hbm>> -> memref<1x128xi32, #tpu.memory_space<hbm>>
        %dma_wait3A_69 = arith.constant 78 : i32
        %dma_wait3A_70 = arith.constant 0 : i32
        %dma_wait3A_71 = tpu.memref_slice %arg4[%dma_wait3A_69, %dma_wait3A_70] : memref<79x128xi32, #tpu.memory_space<vmem>> -> memref<1x128xi32, #tpu.memory_space<vmem>>
        %dma_wait3A_72 = arith.constant 0 : i32
        %dma_wait3A_73 = tpu.memref_slice %arg2[%run_scoped3A_51, %add3A_50, %dma_wait3A_72] : memref<2x2500x128xi32, #tpu.memory_space<hbm>> -> memref<1x1x128xi32, #tpu.memory_space<hbm>>
        %dma_wait3A_74 = tpu.memref_squeeze %dma_wait3A_73 : memref<1x1x128xi32, #tpu.memory_space<hbm>> -> memref<1x128xi32, #tpu.memory_space<hbm>>
        tpu.wait_dma2 semaphore(%run_scoped3A_52 : memref<!tpu.dma_semaphore, #tpu.memory_space<semaphore_mem>>) src(%dma_wait3A_74 : memref<1x128xi32, #tpu.memory_space<hbm>>) dst(%dma_wait3A_71 : memref<1x128xi32, #tpu.memory_space<vmem>>)
        tpu.yield
      }) : () -> ()
    } else {
    }
    %mul3A_23 = arith.constant 632 : i32
    %mul3A_24 = arith.muli %arg1, %mul3A_23 : i32
    "tpu.region"() ({
      %run_scoped3A_49 = tpu.sem_alloc : memref<!tpu.dma_semaphore, #tpu.memory_space<semaphore_mem>>
      %dma_start3A = arith.constant 0 : i32
      %dma_start3A_50 = tpu.memref_slice %arg7[%mul3A_24, %dma_start3A] : memref<10112x16xf32, #tpu.memory_space<vmem_shared>> -> memref<632x16xf32, #tpu.memory_space<vmem_shared>>
      %dma_start3A_51 = arith.constant 0 : i32
      %dma_start3A_52 = tpu.memref_slice %arg7[%mul3A_24, %dma_start3A_51] : memref<10112x16xf32, #tpu.memory_space<vmem_shared>> -> memref<632x16xf32, #tpu.memory_space<vmem_shared>>
      tpu.enqueue_dma source(%arg6 : memref<632x16xf32, #tpu.memory_space<vmem>>) target(%dma_start3A_52 : memref<632x16xf32, #tpu.memory_space<vmem_shared>>) target_semaphore(%run_scoped3A_49 : memref<!tpu.dma_semaphore, #tpu.memory_space<semaphore_mem>>)
      %dma_wait3A = arith.constant 0 : i32
      %dma_wait3A_53 = tpu.memref_slice %arg7[%mul3A_24, %dma_wait3A] : memref<10112x16xf32, #tpu.memory_space<vmem_shared>> -> memref<632x16xf32, #tpu.memory_space<vmem_shared>>
      %dma_wait3A_54 = arith.constant 0 : i32
      %dma_wait3A_55 = tpu.memref_slice %arg7[%mul3A_24, %dma_wait3A_54] : memref<10112x16xf32, #tpu.memory_space<vmem_shared>> -> memref<632x16xf32, #tpu.memory_space<vmem_shared>>
      tpu.wait_dma2 semaphore(%run_scoped3A_49 : memref<!tpu.dma_semaphore, #tpu.memory_space<semaphore_mem>>) src(%arg6 : memref<632x16xf32, #tpu.memory_space<vmem>>) dst(%dma_wait3A_55 : memref<632x16xf32, #tpu.memory_space<vmem_shared>>)
      tpu.yield
    }) : () -> ()
    %barrier3A = arith.constant 0 : index
    tpu.barrier barrier_id(%barrier3A)
    %while3A = arith.constant 0 : i32
    %while3A_25 = arith.constant 0 : i32
    %while3A_26 = arith.subi %add3A_8, %while3A_25 : i32
    %while3A_27 = arith.addi %while3A_25, %while3A_26 : i32
    %while3A_28 = arith.constant 1 : i32
    %while3A_29 = arith.divsi %while3A_26, %while3A_28 : i32
    %while3A_30 = arith.muli %while3A_29, %while3A_28 : i32
    %while3A_31 = arith.addi %while3A_25, %while3A_30 : i32
    %while3A_32 = arith.constant 1 : i32
    scf.for %while3A_49 = %while3A_25 to %while3A_31 step %while3A_32  : i32 {
      %dma_start3A = arith.constant 0 : i32
      %dma_start3A_50 = tpu.memref_slice %arg4[%while3A_49, %dma_start3A] : memref<79x128xi32, #tpu.memory_space<vmem>> -> memref<1x128xi32, #tpu.memory_space<vmem>>
      %dma_start3A_51 = tpu.memref_squeeze %dma_start3A_50 : memref<1x128xi32, #tpu.memory_space<vmem>> -> memref<128xi32, #tpu.memory_space<vmem>>
      %dma_start3A_52 = arith.constant 0 : i32
      %dma_start3A_53 = arith.constant 0 : i32
      %dma_start3A_54 = tpu.memref_slice %arg7[%dma_start3A_52, %dma_start3A_53] : memref<10112x16xf32, #tpu.memory_space<vmem_shared>> -> memref<10112x16xf32, #tpu.memory_space<vmem_shared>>
      tpu.enqueue_indirect_dma source(%arg5 : memref<128x16xf32, #tpu.memory_space<vmem>>) target(%dma_start3A_54 : memref<10112x16xf32, #tpu.memory_space<vmem_shared>>) offsets(%dma_start3A_51 : memref<128xi32, #tpu.memory_space<vmem>>) semaphore(%arg8 : memref<!tpu.dma_semaphore, #tpu.memory_space<semaphore_mem>>) {add = true}
    }
    %while3A_33 = arith.constant 1 : i32
    scf.for %while3A_49 = %while3A_31 to %while3A_27 step %while3A_33  : i32 {
      %dma_start3A = arith.constant 0 : i32
      %dma_start3A_50 = tpu.memref_slice %arg4[%while3A_49, %dma_start3A] : memref<79x128xi32, #tpu.memory_space<vmem>> -> memref<1x128xi32, #tpu.memory_space<vmem>>
      %dma_start3A_51 = tpu.memref_squeeze %dma_start3A_50 : memref<1x128xi32, #tpu.memory_space<vmem>> -> memref<128xi32, #tpu.memory_space<vmem>>
      %dma_start3A_52 = arith.constant 0 : i32
      %dma_start3A_53 = arith.constant 0 : i32
      %dma_start3A_54 = tpu.memref_slice %arg7[%dma_start3A_52, %dma_start3A_53] : memref<10112x16xf32, #tpu.memory_space<vmem_shared>> -> memref<10112x16xf32, #tpu.memory_space<vmem_shared>>
      tpu.enqueue_indirect_dma source(%arg5 : memref<128x16xf32, #tpu.memory_space<vmem>>) target(%dma_start3A_54 : memref<10112x16xf32, #tpu.memory_space<vmem_shared>>) offsets(%dma_start3A_51 : memref<128xi32, #tpu.memory_space<vmem>>) semaphore(%arg8 : memref<!tpu.dma_semaphore, #tpu.memory_space<semaphore_mem>>) {add = true}
    }
    %while3A_34 = arith.constant 0 : i32
    %while3A_35 = arith.constant 0 : i32
    %while3A_36 = arith.subi %add3A_8, %while3A_35 : i32
    %while3A_37 = arith.addi %while3A_35, %while3A_36 : i32
    %while3A_38 = arith.constant 1 : i32
    %while3A_39 = arith.divsi %while3A_36, %while3A_38 : i32
    %while3A_40 = arith.muli %while3A_39, %while3A_38 : i32
    %while3A_41 = arith.addi %while3A_35, %while3A_40 : i32
    %while3A_42 = arith.constant 1 : i32
    scf.for %while3A_49 = %while3A_35 to %while3A_41 step %while3A_42  : i32 {
      %dma_wait3A = arith.constant 0 : i32
      %dma_wait3A_50 = arith.constant 0 : i32
      %dma_wait3A_51 = tpu.memref_slice %arg4[%dma_wait3A, %dma_wait3A_50] : memref<79x128xi32, #tpu.memory_space<vmem>> -> memref<1x128xi32, #tpu.memory_space<vmem>>
      %dma_wait3A_52 = tpu.memref_squeeze %dma_wait3A_51 : memref<1x128xi32, #tpu.memory_space<vmem>> -> memref<128xi32, #tpu.memory_space<vmem>>
      %dma_wait3A_53 = arith.constant 0 : i32
      %dma_wait3A_54 = arith.constant 0 : i32
      %dma_wait3A_55 = tpu.memref_slice %arg7[%dma_wait3A_53, %dma_wait3A_54] : memref<10112x16xf32, #tpu.memory_space<vmem_shared>> -> memref<10112x16xf32, #tpu.memory_space<vmem_shared>>
      tpu.wait_indirect_dma semaphore(%arg8 : memref<!tpu.dma_semaphore, #tpu.memory_space<semaphore_mem>>) src(%arg5 : memref<128x16xf32, #tpu.memory_space<vmem>>) dst(%dma_wait3A_55 : memref<10112x16xf32, #tpu.memory_space<vmem_shared>>)
    }
    %while3A_43 = arith.constant 1 : i32
    scf.for %while3A_49 = %while3A_41 to %while3A_37 step %while3A_43  : i32 {
      %dma_wait3A = arith.constant 0 : i32
      %dma_wait3A_50 = arith.constant 0 : i32
      %dma_wait3A_51 = tpu.memref_slice %arg4[%dma_wait3A, %dma_wait3A_50] : memref<79x128xi32, #tpu.memory_space<vmem>> -> memref<1x128xi32, #tpu.memory_space<vmem>>
      %dma_wait3A_52 = tpu.memref_squeeze %dma_wait3A_51 : memref<1x128xi32, #tpu.memory_space<vmem>> -> memref<128xi32, #tpu.memory_space<vmem>>
      %dma_wait3A_53 = arith.constant 0 : i32
      %dma_wait3A_54 = arith.constant 0 : i32
      %dma_wait3A_55 = tpu.memref_slice %arg7[%dma_wait3A_53, %dma_wait3A_54] : memref<10112x16xf32, #tpu.memory_space<vmem_shared>> -> memref<10112x16xf32, #tpu.memory_space<vmem_shared>>
      tpu.wait_indirect_dma semaphore(%arg8 : memref<!tpu.dma_semaphore, #tpu.memory_space<semaphore_mem>>) src(%arg5 : memref<128x16xf32, #tpu.memory_space<vmem>>) dst(%dma_wait3A_55 : memref<10112x16xf32, #tpu.memory_space<vmem_shared>>)
    }
    %barrier3A_44 = arith.constant 0 : index
    tpu.barrier barrier_id(%barrier3A_44)
    %mul3A_45 = arith.constant 632 : i32
    %mul3A_46 = arith.muli %arg1, %mul3A_45 : i32
    "tpu.region"() ({
      %run_scoped3A_49 = tpu.sem_alloc : memref<!tpu.dma_semaphore, #tpu.memory_space<semaphore_mem>>
      %dma_start3A = arith.constant 0 : i32
      %dma_start3A_50 = tpu.memref_slice %arg7[%mul3A_46, %dma_start3A] : memref<10112x16xf32, #tpu.memory_space<vmem_shared>> -> memref<632x16xf32, #tpu.memory_space<vmem_shared>>
      %dma_start3A_51 = arith.constant 0 : i32
      %dma_start3A_52 = tpu.memref_slice %arg7[%mul3A_46, %dma_start3A_51] : memref<10112x16xf32, #tpu.memory_space<vmem_shared>> -> memref<632x16xf32, #tpu.memory_space<vmem_shared>>
      tpu.enqueue_dma source(%dma_start3A_52 : memref<632x16xf32, #tpu.memory_space<vmem_shared>>) target(%arg6 : memref<632x16xf32, #tpu.memory_space<vmem>>) target_semaphore(%run_scoped3A_49 : memref<!tpu.dma_semaphore, #tpu.memory_space<semaphore_mem>>)
      %dma_wait3A = arith.constant 0 : i32
      %dma_wait3A_53 = tpu.memref_slice %arg7[%mul3A_46, %dma_wait3A] : memref<10112x16xf32, #tpu.memory_space<vmem_shared>> -> memref<632x16xf32, #tpu.memory_space<vmem_shared>>
      %dma_wait3A_54 = arith.constant 0 : i32
      %dma_wait3A_55 = tpu.memref_slice %arg7[%mul3A_46, %dma_wait3A_54] : memref<10112x16xf32, #tpu.memory_space<vmem_shared>> -> memref<632x16xf32, #tpu.memory_space<vmem_shared>>
      tpu.wait_dma2 semaphore(%run_scoped3A_49 : memref<!tpu.dma_semaphore, #tpu.memory_space<semaphore_mem>>) src(%dma_wait3A_55 : memref<632x16xf32, #tpu.memory_space<vmem_shared>>) dst(%arg6 : memref<632x16xf32, #tpu.memory_space<vmem>>)
      tpu.yield
    }) : () -> ()
    %mul3A_47 = arith.constant 632 : i32
    %mul3A_48 = arith.muli %arg1, %mul3A_47 : i32
    "tpu.region"() ({
      %run_scoped3A_49 = tpu.sem_alloc : memref<!tpu.dma_semaphore, #tpu.memory_space<semaphore_mem>>
      %dma_start3A = arith.constant 0 : i32
      %dma_start3A_50 = tpu.memref_slice %arg3[%arg0, %mul3A_48, %dma_start3A] : memref<2x10112x16xf32, #tpu.memory_space<hbm>> -> memref<1x632x16xf32, #tpu.memory_space<hbm>>
      %dma_start3A_51 = tpu.memref_squeeze %dma_start3A_50 : memref<1x632x16xf32, #tpu.memory_space<hbm>> -> memref<632x16xf32, #tpu.memory_space<hbm>>
      %dma_start3A_52 = arith.constant 0 : i32
      %dma_start3A_53 = tpu.memref_slice %arg3[%arg0, %mul3A_48, %dma_start3A_52] : memref<2x10112x16xf32, #tpu.memory_space<hbm>> -> memref<1x632x16xf32, #tpu.memory_space<hbm>>
      %dma_start3A_54 = tpu.memref_squeeze %dma_start3A_53 : memref<1x632x16xf32, #tpu.memory_space<hbm>> -> memref<632x16xf32, #tpu.memory_space<hbm>>
      tpu.enqueue_dma source(%arg6 : memref<632x16xf32, #tpu.memory_space<vmem>>) target(%dma_start3A_54 : memref<632x16xf32, #tpu.memory_space<hbm>>) target_semaphore(%run_scoped3A_49 : memref<!tpu.dma_semaphore, #tpu.memory_space<semaphore_mem>>)
      %dma_wait3A = arith.constant 0 : i32
      %dma_wait3A_55 = tpu.memref_slice %arg3[%arg0, %mul3A_48, %dma_wait3A] : memref<2x10112x16xf32, #tpu.memory_space<hbm>> -> memref<1x632x16xf32, #tpu.memory_space<hbm>>
      %dma_wait3A_56 = tpu.memref_squeeze %dma_wait3A_55 : memref<1x632x16xf32, #tpu.memory_space<hbm>> -> memref<632x16xf32, #tpu.memory_space<hbm>>
      %dma_wait3A_57 = arith.constant 0 : i32
      %dma_wait3A_58 = tpu.memref_slice %arg3[%arg0, %mul3A_48, %dma_wait3A_57] : memref<2x10112x16xf32, #tpu.memory_space<hbm>> -> memref<1x632x16xf32, #tpu.memory_space<hbm>>
      %dma_wait3A_59 = tpu.memref_squeeze %dma_wait3A_58 : memref<1x632x16xf32, #tpu.memory_space<hbm>> -> memref<632x16xf32, #tpu.memory_space<hbm>>
      tpu.wait_dma2 semaphore(%run_scoped3A_49 : memref<!tpu.dma_semaphore, #tpu.memory_space<semaphore_mem>>) src(%arg6 : memref<632x16xf32, #tpu.memory_space<vmem>>) dst(%dma_wait3A_59 : memref<632x16xf32, #tpu.memory_space<hbm>>)
      tpu.yield
    }) : () -> ()
    return
  }
}

#map = affine_map<(d0, d1) -> (0, 0, 0)>
#map1 = affine_map<(d0, d1) -> (0, 0)>
module attributes {stable_mosaic.version = 14 : i64} {
  func.func @_agg(%arg0: i32, %arg1: i32, %arg2: memref<2x2500x128xi32, #tpu.memory_space<hbm>>, %arg3: memref<10000x16xf32, #tpu.memory_space<hbm>>, %arg4: memref<2x10112x16xf32, #tpu.memory_space<hbm>>, %arg5: memref<79x128xi32, #tpu.memory_space<vmem>>, %arg6: memref<79x128xi32, #tpu.memory_space<vmem>>, %arg7: memref<128x16xf32, #tpu.memory_space<vmem>>, %arg8: memref<128x16xf32, #tpu.memory_space<vmem>>, %arg9: memref<128x16xf32, #tpu.memory_space<vmem>>, %arg10: memref<128x16xf32, #tpu.memory_space<vmem>>, %arg11: memref<632x16xf32, #tpu.memory_space<vmem>>, %arg12: memref<10112x16xf32, #tpu.memory_space<vmem_shared>>, %arg13: memref<10000x16xf32, #tpu.memory_space<vmem_shared>>, %arg14: memref<!tpu.dma_semaphore, #tpu.memory_space<semaphore_mem>>, %arg15: memref<!tpu.dma_semaphore, #tpu.memory_space<semaphore_mem>>, %arg16: memref<!tpu.dma_semaphore, #tpu.memory_space<semaphore_mem>>, %arg17: memref<!tpu.dma_semaphore, #tpu.memory_space<semaphore_mem>>, %arg18: memref<!tpu.dma_semaphore, #tpu.memory_space<semaphore_mem>>, %arg19: memref<!tpu.dma_semaphore, #tpu.memory_space<semaphore_mem>>, %arg20: memref<!tpu.dma_semaphore, #tpu.memory_space<semaphore_mem>>, %arg21: memref<!tpu.dma_semaphore, #tpu.memory_space<semaphore_mem>>) attributes {dimension_semantics = [#tpu.dimension_semantics<core_parallel>, #tpu.dimension_semantics<subcore_parallel>], iteration_bounds = array<i64: 2, 16>, scalar_prefetch = 0 : i64, scratch_operands = 17 : i64, tpu.core_type = #tpu.core_type<sc_vector_subcore>, window_params = [{transform_indices = #map}, {transform_indices = #map1}, {transform_indices = #map}]} {
    %mul3A = arith.constant 2 : i32
    %mul3A_0 = arith.muli %arg1, %mul3A : i32
    %add3A = arith.addi %mul3A_0, %arg0 : i32
    %mul3A_1 = arith.constant 78 : i32
    %mul3A_2 = arith.muli %add3A, %mul3A_1 : i32
    %min3A = arith.constant 4 : i32
    %min3A_3 = arith.minsi %add3A, %min3A : i32
    %add3A_4 = arith.addi %mul3A_2, %min3A_3 : i32
    %lt3A = arith.constant 4 : i32
    %lt3A_5 = arith.cmpi slt, %add3A, %lt3A : i32
    %jit3A = arith.constant 1 : i32
    %jit3A_6 = arith.constant 0 : i32
    %select_n3A = arith.select %lt3A_5, %jit3A, %jit3A_6 : i32
    %add3A_7 = arith.constant 78 : i32
    %add3A_8 = arith.addi %add3A_7, %select_n3A : i32
    %scan3A = arith.constant 0 : i32
    %scan3A_9 = arith.constant 0 : i32
    %scan3A_10 = arith.constant 632 : i32
    %scan3A_11 = arith.addi %scan3A_9, %scan3A_10 : i32
    %scan3A_12 = arith.constant 1 : i32
    scf.for %scan3A_50 = %scan3A_9 to %scan3A_11 step %scan3A_12  : i32 {
      %broadcast_in_dim3A = arith.constant 0.000000e+00 : f32
      %broadcast_in_dim3A_51 = vector.broadcast %broadcast_in_dim3A : f32 to vector<16xf32>
      %swap3A = arith.index_cast %scan3A_50 : i32 to index
      %swap3A_52 = arith.constant 0 : index
      %swap3A_53 = tpu.vector_load %arg11[%swap3A, %swap3A_52] {strides = array<i32>} : memref<632x16xf32, #tpu.memory_space<vmem>>, vector<1x16xf32>,
      %swap3A_54 = vector.shape_cast %swap3A_53 : vector<1x16xf32> to vector<16xf32>
      %swap3A_55 = vector.shape_cast %broadcast_in_dim3A_51 : vector<16xf32> to vector<1x16xf32>
      tpu.vector_store %arg11[%swap3A, %swap3A_52], %swap3A_55 {strides = array<i32>} : memref<632x16xf32, #tpu.memory_space<vmem>>, vector<1x16xf32>,
    }
    %scan3A_13 = arith.constant 632 : i32
    %run_scoped3A = arith.constant 0 : i32
    "tpu.region"() ({
      %run_scoped3A_50 = tpu.sem_alloc : memref<!tpu.dma_semaphore, #tpu.memory_space<semaphore_mem>>
      %dma_start3A_51 = arith.constant 0 : i32
      %dma_start3A_52 = arith.constant 0 : i32
      %dma_start3A_53 = tpu.memref_slice %arg5[%dma_start3A_51, %dma_start3A_52] : memref<79x128xi32, #tpu.memory_space<vmem>> -> memref<78x128xi32, #tpu.memory_space<vmem>>
      %dma_start3A_54 = arith.constant 0 : i32
      %dma_start3A_55 = tpu.memref_slice %arg2[%run_scoped3A, %add3A_4, %dma_start3A_54] : memref<2x2500x128xi32, #tpu.memory_space<hbm>> -> memref<1x78x128xi32, #tpu.memory_space<hbm>>
      %dma_start3A_56 = tpu.memref_squeeze %dma_start3A_55 : memref<1x78x128xi32, #tpu.memory_space<hbm>> -> memref<78x128xi32, #tpu.memory_space<hbm>>
      %dma_start3A_57 = arith.constant 0 : i32
      %dma_start3A_58 = arith.constant 0 : i32
      %dma_start3A_59 = tpu.memref_slice %arg5[%dma_start3A_57, %dma_start3A_58] : memref<79x128xi32, #tpu.memory_space<vmem>> -> memref<78x128xi32, #tpu.memory_space<vmem>>
      %dma_start3A_60 = arith.constant 0 : i32
      %dma_start3A_61 = tpu.memref_slice %arg2[%run_scoped3A, %add3A_4, %dma_start3A_60] : memref<2x2500x128xi32, #tpu.memory_space<hbm>> -> memref<1x78x128xi32, #tpu.memory_space<hbm>>
      %dma_start3A_62 = tpu.memref_squeeze %dma_start3A_61 : memref<1x78x128xi32, #tpu.memory_space<hbm>> -> memref<78x128xi32, #tpu.memory_space<hbm>>
      tpu.enqueue_dma source(%dma_start3A_62 : memref<78x128xi32, #tpu.memory_space<hbm>>) target(%dma_start3A_59 : memref<78x128xi32, #tpu.memory_space<vmem>>) target_semaphore(%run_scoped3A_50 : memref<!tpu.dma_semaphore, #tpu.memory_space<semaphore_mem>>)
      %dma_wait3A = arith.constant 0 : i32
      %dma_wait3A_63 = arith.constant 0 : i32
      %dma_wait3A_64 = tpu.memref_slice %arg5[%dma_wait3A, %dma_wait3A_63] : memref<79x128xi32, #tpu.memory_space<vmem>> -> memref<78x128xi32, #tpu.memory_space<vmem>>
      %dma_wait3A_65 = arith.constant 0 : i32
      %dma_wait3A_66 = tpu.memref_slice %arg2[%run_scoped3A, %add3A_4, %dma_wait3A_65] : memref<2x2500x128xi32, #tpu.memory_space<hbm>> -> memref<1x78x128xi32, #tpu.memory_space<hbm>>
      %dma_wait3A_67 = tpu.memref_squeeze %dma_wait3A_66 : memref<1x78x128xi32, #tpu.memory_space<hbm>> -> memref<78x128xi32, #tpu.memory_space<hbm>>
      %dma_wait3A_68 = arith.constant 0 : i32
      %dma_wait3A_69 = arith.constant 0 : i32
      %dma_wait3A_70 = tpu.memref_slice %arg5[%dma_wait3A_68, %dma_wait3A_69] : memref<79x128xi32, #tpu.memory_space<vmem>> -> memref<78x128xi32, #tpu.memory_space<vmem>>
      %dma_wait3A_71 = arith.constant 0 : i32
      %dma_wait3A_72 = tpu.memref_slice %arg2[%run_scoped3A, %add3A_4, %dma_wait3A_71] : memref<2x2500x128xi32, #tpu.memory_space<hbm>> -> memref<1x78x128xi32, #tpu.memory_space<hbm>>
      %dma_wait3A_73 = tpu.memref_squeeze %dma_wait3A_72 : memref<1x78x128xi32, #tpu.memory_space<hbm>> -> memref<78x128xi32, #tpu.memory_space<hbm>>
      tpu.wait_dma2 semaphore(%run_scoped3A_50 : memref<!tpu.dma_semaphore, #tpu.memory_space<semaphore_mem>>) src(%dma_wait3A_73 : memref<78x128xi32, #tpu.memory_space<hbm>>) dst(%dma_wait3A_70 : memref<78x128xi32, #tpu.memory_space<vmem>>)
      tpu.yield
    }) : () -> ()
    %lt3A_14 = arith.constant 4 : i32
    %lt3A_15 = arith.cmpi slt, %add3A, %lt3A_14 : i32
    %convert_element_type3A = arith.extui %lt3A_15 : i1 to i32
    %cond3A = arith.constant 0 : i32
    %cond3A_16 = arith.cmpi ne, %convert_element_type3A, %cond3A : i32
    scf.if %cond3A_16 {
      %add3A_50 = arith.constant 78 : i32
      %add3A_51 = arith.addi %add3A_4, %add3A_50 : i32
      %run_scoped3A_52 = arith.constant 0 : i32
      "tpu.region"() ({
        %run_scoped3A_53 = tpu.sem_alloc : memref<!tpu.dma_semaphore, #tpu.memory_space<semaphore_mem>>
        %dma_start3A_54 = arith.constant 78 : i32
        %dma_start3A_55 = arith.constant 0 : i32
        %dma_start3A_56 = tpu.memref_slice %arg5[%dma_start3A_54, %dma_start3A_55] : memref<79x128xi32, #tpu.memory_space<vmem>> -> memref<1x128xi32, #tpu.memory_space<vmem>>
        %dma_start3A_57 = arith.constant 0 : i32
        %dma_start3A_58 = tpu.memref_slice %arg2[%run_scoped3A_52, %add3A_51, %dma_start3A_57] : memref<2x2500x128xi32, #tpu.memory_space<hbm>> -> memref<1x1x128xi32, #tpu.memory_space<hbm>>
        %dma_start3A_59 = tpu.memref_squeeze %dma_start3A_58 : memref<1x1x128xi32, #tpu.memory_space<hbm>> -> memref<1x128xi32, #tpu.memory_space<hbm>>
        %dma_start3A_60 = arith.constant 78 : i32
        %dma_start3A_61 = arith.constant 0 : i32
        %dma_start3A_62 = tpu.memref_slice %arg5[%dma_start3A_60, %dma_start3A_61] : memref<79x128xi32, #tpu.memory_space<vmem>> -> memref<1x128xi32, #tpu.memory_space<vmem>>
        %dma_start3A_63 = arith.constant 0 : i32
        %dma_start3A_64 = tpu.memref_slice %arg2[%run_scoped3A_52, %add3A_51, %dma_start3A_63] : memref<2x2500x128xi32, #tpu.memory_space<hbm>> -> memref<1x1x128xi32, #tpu.memory_space<hbm>>
        %dma_start3A_65 = tpu.memref_squeeze %dma_start3A_64 : memref<1x1x128xi32, #tpu.memory_space<hbm>> -> memref<1x128xi32, #tpu.memory_space<hbm>>
        tpu.enqueue_dma source(%dma_start3A_65 : memref<1x128xi32, #tpu.memory_space<hbm>>) target(%dma_start3A_62 : memref<1x128xi32, #tpu.memory_space<vmem>>) target_semaphore(%run_scoped3A_53 : memref<!tpu.dma_semaphore, #tpu.memory_space<semaphore_mem>>)
        %dma_wait3A = arith.constant 78 : i32
        %dma_wait3A_66 = arith.constant 0 : i32
        %dma_wait3A_67 = tpu.memref_slice %arg5[%dma_wait3A, %dma_wait3A_66] : memref<79x128xi32, #tpu.memory_space<vmem>> -> memref<1x128xi32, #tpu.memory_space<vmem>>
        %dma_wait3A_68 = arith.constant 0 : i32
        %dma_wait3A_69 = tpu.memref_slice %arg2[%run_scoped3A_52, %add3A_51, %dma_wait3A_68] : memref<2x2500x128xi32, #tpu.memory_space<hbm>> -> memref<1x1x128xi32, #tpu.memory_space<hbm>>
        %dma_wait3A_70 = tpu.memref_squeeze %dma_wait3A_69 : memref<1x1x128xi32, #tpu.memory_space<hbm>> -> memref<1x128xi32, #tpu.memory_space<hbm>>
        %dma_wait3A_71 = arith.constant 78 : i32
        %dma_wait3A_72 = arith.constant 0 : i32
        %dma_wait3A_73 = tpu.memref_slice %arg5[%dma_wait3A_71, %dma_wait3A_72] : memref<79x128xi32, #tpu.memory_space<vmem>> -> memref<1x128xi32, #tpu.memory_space<vmem>>
        %dma_wait3A_74 = arith.constant 0 : i32
        %dma_wait3A_75 = tpu.memref_slice %arg2[%run_scoped3A_52, %add3A_51, %dma_wait3A_74] : memref<2x2500x128xi32, #tpu.memory_space<hbm>> -> memref<1x1x128xi32, #tpu.memory_space<hbm>>
        %dma_wait3A_76 = tpu.memref_squeeze %dma_wait3A_75 : memref<1x1x128xi32, #tpu.memory_space<hbm>> -> memref<1x128xi32, #tpu.memory_space<hbm>>
        tpu.wait_dma2 semaphore(%run_scoped3A_53 : memref<!tpu.dma_semaphore, #tpu.memory_space<semaphore_mem>>) src(%dma_wait3A_76 : memref<1x128xi32, #tpu.memory_space<hbm>>) dst(%dma_wait3A_73 : memref<1x128xi32, #tpu.memory_space<vmem>>)
        tpu.yield
      }) : () -> ()
    } else {
    }
    %run_scoped3A_17 = arith.constant 1 : i32
    "tpu.region"() ({
      %run_scoped3A_50 = tpu.sem_alloc : memref<!tpu.dma_semaphore, #tpu.memory_space<semaphore_mem>>
      %dma_start3A_51 = arith.constant 0 : i32
      %dma_start3A_52 = arith.constant 0 : i32
      %dma_start3A_53 = tpu.memref_slice %arg6[%dma_start3A_51, %dma_start3A_52] : memref<79x128xi32, #tpu.memory_space<vmem>> -> memref<78x128xi32, #tpu.memory_space<vmem>>
      %dma_start3A_54 = arith.constant 0 : i32
      %dma_start3A_55 = tpu.memref_slice %arg2[%run_scoped3A_17, %add3A_4, %dma_start3A_54] : memref<2x2500x128xi32, #tpu.memory_space<hbm>> -> memref<1x78x128xi32, #tpu.memory_space<hbm>>
      %dma_start3A_56 = tpu.memref_squeeze %dma_start3A_55 : memref<1x78x128xi32, #tpu.memory_space<hbm>> -> memref<78x128xi32, #tpu.memory_space<hbm>>
      %dma_start3A_57 = arith.constant 0 : i32
      %dma_start3A_58 = arith.constant 0 : i32
      %dma_start3A_59 = tpu.memref_slice %arg6[%dma_start3A_57, %dma_start3A_58] : memref<79x128xi32, #tpu.memory_space<vmem>> -> memref<78x128xi32, #tpu.memory_space<vmem>>
      %dma_start3A_60 = arith.constant 0 : i32
      %dma_start3A_61 = tpu.memref_slice %arg2[%run_scoped3A_17, %add3A_4, %dma_start3A_60] : memref<2x2500x128xi32, #tpu.memory_space<hbm>> -> memref<1x78x128xi32, #tpu.memory_space<hbm>>
      %dma_start3A_62 = tpu.memref_squeeze %dma_start3A_61 : memref<1x78x128xi32, #tpu.memory_space<hbm>> -> memref<78x128xi32, #tpu.memory_space<hbm>>
      tpu.enqueue_dma source(%dma_start3A_62 : memref<78x128xi32, #tpu.memory_space<hbm>>) target(%dma_start3A_59 : memref<78x128xi32, #tpu.memory_space<vmem>>) target_semaphore(%run_scoped3A_50 : memref<!tpu.dma_semaphore, #tpu.memory_space<semaphore_mem>>)
      %dma_wait3A = arith.constant 0 : i32
      %dma_wait3A_63 = arith.constant 0 : i32
      %dma_wait3A_64 = tpu.memref_slice %arg6[%dma_wait3A, %dma_wait3A_63] : memref<79x128xi32, #tpu.memory_space<vmem>> -> memref<78x128xi32, #tpu.memory_space<vmem>>
      %dma_wait3A_65 = arith.constant 0 : i32
      %dma_wait3A_66 = tpu.memref_slice %arg2[%run_scoped3A_17, %add3A_4, %dma_wait3A_65] : memref<2x2500x128xi32, #tpu.memory_space<hbm>> -> memref<1x78x128xi32, #tpu.memory_space<hbm>>
      %dma_wait3A_67 = tpu.memref_squeeze %dma_wait3A_66 : memref<1x78x128xi32, #tpu.memory_space<hbm>> -> memref<78x128xi32, #tpu.memory_space<hbm>>
      %dma_wait3A_68 = arith.constant 0 : i32
      %dma_wait3A_69 = arith.constant 0 : i32
      %dma_wait3A_70 = tpu.memref_slice %arg6[%dma_wait3A_68, %dma_wait3A_69] : memref<79x128xi32, #tpu.memory_space<vmem>> -> memref<78x128xi32, #tpu.memory_space<vmem>>
      %dma_wait3A_71 = arith.constant 0 : i32
      %dma_wait3A_72 = tpu.memref_slice %arg2[%run_scoped3A_17, %add3A_4, %dma_wait3A_71] : memref<2x2500x128xi32, #tpu.memory_space<hbm>> -> memref<1x78x128xi32, #tpu.memory_space<hbm>>
      %dma_wait3A_73 = tpu.memref_squeeze %dma_wait3A_72 : memref<1x78x128xi32, #tpu.memory_space<hbm>> -> memref<78x128xi32, #tpu.memory_space<hbm>>
      tpu.wait_dma2 semaphore(%run_scoped3A_50 : memref<!tpu.dma_semaphore, #tpu.memory_space<semaphore_mem>>) src(%dma_wait3A_73 : memref<78x128xi32, #tpu.memory_space<hbm>>) dst(%dma_wait3A_70 : memref<78x128xi32, #tpu.memory_space<vmem>>)
      tpu.yield
    }) : () -> ()
    %lt3A_18 = arith.constant 4 : i32
    %lt3A_19 = arith.cmpi slt, %add3A, %lt3A_18 : i32
    %convert_element_type3A_20 = arith.extui %lt3A_19 : i1 to i32
    %cond3A_21 = arith.constant 0 : i32
    %cond3A_22 = arith.cmpi ne, %convert_element_type3A_20, %cond3A_21 : i32
    scf.if %cond3A_22 {
      %add3A_50 = arith.constant 78 : i32
      %add3A_51 = arith.addi %add3A_4, %add3A_50 : i32
      %run_scoped3A_52 = arith.constant 1 : i32
      "tpu.region"() ({
        %run_scoped3A_53 = tpu.sem_alloc : memref<!tpu.dma_semaphore, #tpu.memory_space<semaphore_mem>>
        %dma_start3A_54 = arith.constant 78 : i32
        %dma_start3A_55 = arith.constant 0 : i32
        %dma_start3A_56 = tpu.memref_slice %arg6[%dma_start3A_54, %dma_start3A_55] : memref<79x128xi32, #tpu.memory_space<vmem>> -> memref<1x128xi32, #tpu.memory_space<vmem>>
        %dma_start3A_57 = arith.constant 0 : i32
        %dma_start3A_58 = tpu.memref_slice %arg2[%run_scoped3A_52, %add3A_51, %dma_start3A_57] : memref<2x2500x128xi32, #tpu.memory_space<hbm>> -> memref<1x1x128xi32, #tpu.memory_space<hbm>>
        %dma_start3A_59 = tpu.memref_squeeze %dma_start3A_58 : memref<1x1x128xi32, #tpu.memory_space<hbm>> -> memref<1x128xi32, #tpu.memory_space<hbm>>
        %dma_start3A_60 = arith.constant 78 : i32
        %dma_start3A_61 = arith.constant 0 : i32
        %dma_start3A_62 = tpu.memref_slice %arg6[%dma_start3A_60, %dma_start3A_61] : memref<79x128xi32, #tpu.memory_space<vmem>> -> memref<1x128xi32, #tpu.memory_space<vmem>>
        %dma_start3A_63 = arith.constant 0 : i32
        %dma_start3A_64 = tpu.memref_slice %arg2[%run_scoped3A_52, %add3A_51, %dma_start3A_63] : memref<2x2500x128xi32, #tpu.memory_space<hbm>> -> memref<1x1x128xi32, #tpu.memory_space<hbm>>
        %dma_start3A_65 = tpu.memref_squeeze %dma_start3A_64 : memref<1x1x128xi32, #tpu.memory_space<hbm>> -> memref<1x128xi32, #tpu.memory_space<hbm>>
        tpu.enqueue_dma source(%dma_start3A_65 : memref<1x128xi32, #tpu.memory_space<hbm>>) target(%dma_start3A_62 : memref<1x128xi32, #tpu.memory_space<vmem>>) target_semaphore(%run_scoped3A_53 : memref<!tpu.dma_semaphore, #tpu.memory_space<semaphore_mem>>)
        %dma_wait3A = arith.constant 78 : i32
        %dma_wait3A_66 = arith.constant 0 : i32
        %dma_wait3A_67 = tpu.memref_slice %arg6[%dma_wait3A, %dma_wait3A_66] : memref<79x128xi32, #tpu.memory_space<vmem>> -> memref<1x128xi32, #tpu.memory_space<vmem>>
        %dma_wait3A_68 = arith.constant 0 : i32
        %dma_wait3A_69 = tpu.memref_slice %arg2[%run_scoped3A_52, %add3A_51, %dma_wait3A_68] : memref<2x2500x128xi32, #tpu.memory_space<hbm>> -> memref<1x1x128xi32, #tpu.memory_space<hbm>>
        %dma_wait3A_70 = tpu.memref_squeeze %dma_wait3A_69 : memref<1x1x128xi32, #tpu.memory_space<hbm>> -> memref<1x128xi32, #tpu.memory_space<hbm>>
        %dma_wait3A_71 = arith.constant 78 : i32
        %dma_wait3A_72 = arith.constant 0 : i32
        %dma_wait3A_73 = tpu.memref_slice %arg6[%dma_wait3A_71, %dma_wait3A_72] : memref<79x128xi32, #tpu.memory_space<vmem>> -> memref<1x128xi32, #tpu.memory_space<vmem>>
        %dma_wait3A_74 = arith.constant 0 : i32
        %dma_wait3A_75 = tpu.memref_slice %arg2[%run_scoped3A_52, %add3A_51, %dma_wait3A_74] : memref<2x2500x128xi32, #tpu.memory_space<hbm>> -> memref<1x1x128xi32, #tpu.memory_space<hbm>>
        %dma_wait3A_76 = tpu.memref_squeeze %dma_wait3A_75 : memref<1x1x128xi32, #tpu.memory_space<hbm>> -> memref<1x128xi32, #tpu.memory_space<hbm>>
        tpu.wait_dma2 semaphore(%run_scoped3A_53 : memref<!tpu.dma_semaphore, #tpu.memory_space<semaphore_mem>>) src(%dma_wait3A_76 : memref<1x128xi32, #tpu.memory_space<hbm>>) dst(%dma_wait3A_73 : memref<1x128xi32, #tpu.memory_space<vmem>>)
        tpu.yield
      }) : () -> ()
    } else {
    }
    %mul3A_23 = arith.constant 632 : i32
    %mul3A_24 = arith.muli %arg1, %mul3A_23 : i32
    "tpu.region"() ({
      %run_scoped3A_50 = tpu.sem_alloc : memref<!tpu.dma_semaphore, #tpu.memory_space<semaphore_mem>>
      %dma_start3A_51 = arith.constant 0 : i32
      %dma_start3A_52 = tpu.memref_slice %arg12[%mul3A_24, %dma_start3A_51] : memref<10112x16xf32, #tpu.memory_space<vmem_shared>> -> memref<632x16xf32, #tpu.memory_space<vmem_shared>>
      %dma_start3A_53 = arith.constant 0 : i32
      %dma_start3A_54 = tpu.memref_slice %arg12[%mul3A_24, %dma_start3A_53] : memref<10112x16xf32, #tpu.memory_space<vmem_shared>> -> memref<632x16xf32, #tpu.memory_space<vmem_shared>>
      tpu.enqueue_dma source(%arg11 : memref<632x16xf32, #tpu.memory_space<vmem>>) target(%dma_start3A_54 : memref<632x16xf32, #tpu.memory_space<vmem_shared>>) target_semaphore(%run_scoped3A_50 : memref<!tpu.dma_semaphore, #tpu.memory_space<semaphore_mem>>)
      %dma_wait3A = arith.constant 0 : i32
      %dma_wait3A_55 = tpu.memref_slice %arg12[%mul3A_24, %dma_wait3A] : memref<10112x16xf32, #tpu.memory_space<vmem_shared>> -> memref<632x16xf32, #tpu.memory_space<vmem_shared>>
      %dma_wait3A_56 = arith.constant 0 : i32
      %dma_wait3A_57 = tpu.memref_slice %arg12[%mul3A_24, %dma_wait3A_56] : memref<10112x16xf32, #tpu.memory_space<vmem_shared>> -> memref<632x16xf32, #tpu.memory_space<vmem_shared>>
      tpu.wait_dma2 semaphore(%run_scoped3A_50 : memref<!tpu.dma_semaphore, #tpu.memory_space<semaphore_mem>>) src(%arg11 : memref<632x16xf32, #tpu.memory_space<vmem>>) dst(%dma_wait3A_57 : memref<632x16xf32, #tpu.memory_space<vmem_shared>>)
      tpu.yield
    }) : () -> ()
    %mul3A_25 = arith.constant 625 : i32
    %mul3A_26 = arith.muli %arg1, %mul3A_25 : i32
    "tpu.region"() ({
      %run_scoped3A_50 = tpu.sem_alloc : memref<!tpu.dma_semaphore, #tpu.memory_space<semaphore_mem>>
      %dma_start3A_51 = arith.constant 0 : i32
      %dma_start3A_52 = arith.constant 0 : i32
      %dma_start3A_53 = tpu.memref_slice %arg11[%dma_start3A_51, %dma_start3A_52] : memref<632x16xf32, #tpu.memory_space<vmem>> -> memref<625x16xf32, #tpu.memory_space<vmem>>
      %dma_start3A_54 = arith.constant 0 : i32
      %dma_start3A_55 = tpu.memref_slice %arg3[%mul3A_26, %dma_start3A_54] : memref<10000x16xf32, #tpu.memory_space<hbm>> -> memref<625x16xf32, #tpu.memory_space<hbm>>
      %dma_start3A_56 = arith.constant 0 : i32
      %dma_start3A_57 = arith.constant 0 : i32
      %dma_start3A_58 = tpu.memref_slice %arg11[%dma_start3A_56, %dma_start3A_57] : memref<632x16xf32, #tpu.memory_space<vmem>> -> memref<625x16xf32, #tpu.memory_space<vmem>>
      %dma_start3A_59 = arith.constant 0 : i32
      %dma_start3A_60 = tpu.memref_slice %arg3[%mul3A_26, %dma_start3A_59] : memref<10000x16xf32, #tpu.memory_space<hbm>> -> memref<625x16xf32, #tpu.memory_space<hbm>>
      tpu.enqueue_dma source(%dma_start3A_60 : memref<625x16xf32, #tpu.memory_space<hbm>>) target(%dma_start3A_58 : memref<625x16xf32, #tpu.memory_space<vmem>>) target_semaphore(%run_scoped3A_50 : memref<!tpu.dma_semaphore, #tpu.memory_space<semaphore_mem>>)
      %dma_wait3A = arith.constant 0 : i32
      %dma_wait3A_61 = arith.constant 0 : i32
      %dma_wait3A_62 = tpu.memref_slice %arg11[%dma_wait3A, %dma_wait3A_61] : memref<632x16xf32, #tpu.memory_space<vmem>> -> memref<625x16xf32, #tpu.memory_space<vmem>>
      %dma_wait3A_63 = arith.constant 0 : i32
      %dma_wait3A_64 = tpu.memref_slice %arg3[%mul3A_26, %dma_wait3A_63] : memref<10000x16xf32, #tpu.memory_space<hbm>> -> memref<625x16xf32, #tpu.memory_space<hbm>>
      %dma_wait3A_65 = arith.constant 0 : i32
      %dma_wait3A_66 = arith.constant 0 : i32
      %dma_wait3A_67 = tpu.memref_slice %arg11[%dma_wait3A_65, %dma_wait3A_66] : memref<632x16xf32, #tpu.memory_space<vmem>> -> memref<625x16xf32, #tpu.memory_space<vmem>>
      %dma_wait3A_68 = arith.constant 0 : i32
      %dma_wait3A_69 = tpu.memref_slice %arg3[%mul3A_26, %dma_wait3A_68] : memref<10000x16xf32, #tpu.memory_space<hbm>> -> memref<625x16xf32, #tpu.memory_space<hbm>>
      tpu.wait_dma2 semaphore(%run_scoped3A_50 : memref<!tpu.dma_semaphore, #tpu.memory_space<semaphore_mem>>) src(%dma_wait3A_69 : memref<625x16xf32, #tpu.memory_space<hbm>>) dst(%dma_wait3A_67 : memref<625x16xf32, #tpu.memory_space<vmem>>)
      tpu.yield
    }) : () -> ()
    %mul3A_27 = arith.constant 625 : i32
    %mul3A_28 = arith.muli %arg1, %mul3A_27 : i32
    "tpu.region"() ({
      %run_scoped3A_50 = tpu.sem_alloc : memref<!tpu.dma_semaphore, #tpu.memory_space<semaphore_mem>>
      %dma_start3A_51 = arith.constant 0 : i32
      %dma_start3A_52 = arith.constant 0 : i32
      %dma_start3A_53 = tpu.memref_slice %arg11[%dma_start3A_51, %dma_start3A_52] : memref<632x16xf32, #tpu.memory_space<vmem>> -> memref<625x16xf32, #tpu.memory_space<vmem>>
      %dma_start3A_54 = arith.constant 0 : i32
      %dma_start3A_55 = tpu.memref_slice %arg13[%mul3A_28, %dma_start3A_54] : memref<10000x16xf32, #tpu.memory_space<vmem_shared>> -> memref<625x16xf32, #tpu.memory_space<vmem_shared>>
      %dma_start3A_56 = arith.constant 0 : i32
      %dma_start3A_57 = tpu.memref_slice %arg13[%mul3A_28, %dma_start3A_56] : memref<10000x16xf32, #tpu.memory_space<vmem_shared>> -> memref<625x16xf32, #tpu.memory_space<vmem_shared>>
      %dma_start3A_58 = arith.constant 0 : i32
      %dma_start3A_59 = arith.constant 0 : i32
      %dma_start3A_60 = tpu.memref_slice %arg11[%dma_start3A_58, %dma_start3A_59] : memref<632x16xf32, #tpu.memory_space<vmem>> -> memref<625x16xf32, #tpu.memory_space<vmem>>
      tpu.enqueue_dma source(%dma_start3A_60 : memref<625x16xf32, #tpu.memory_space<vmem>>) target(%dma_start3A_57 : memref<625x16xf32, #tpu.memory_space<vmem_shared>>) target_semaphore(%run_scoped3A_50 : memref<!tpu.dma_semaphore, #tpu.memory_space<semaphore_mem>>)
      %dma_wait3A = arith.constant 0 : i32
      %dma_wait3A_61 = arith.constant 0 : i32
      %dma_wait3A_62 = tpu.memref_slice %arg11[%dma_wait3A, %dma_wait3A_61] : memref<632x16xf32, #tpu.memory_space<vmem>> -> memref<625x16xf32, #tpu.memory_space<vmem>>
      %dma_wait3A_63 = arith.constant 0 : i32
      %dma_wait3A_64 = tpu.memref_slice %arg13[%mul3A_28, %dma_wait3A_63] : memref<10000x16xf32, #tpu.memory_space<vmem_shared>> -> memref<625x16xf32, #tpu.memory_space<vmem_shared>>
      %dma_wait3A_65 = arith.constant 0 : i32
      %dma_wait3A_66 = tpu.memref_slice %arg13[%mul3A_28, %dma_wait3A_65] : memref<10000x16xf32, #tpu.memory_space<vmem_shared>> -> memref<625x16xf32, #tpu.memory_space<vmem_shared>>
      %dma_wait3A_67 = arith.constant 0 : i32
      %dma_wait3A_68 = arith.constant 0 : i32
      %dma_wait3A_69 = tpu.memref_slice %arg11[%dma_wait3A_67, %dma_wait3A_68] : memref<632x16xf32, #tpu.memory_space<vmem>> -> memref<625x16xf32, #tpu.memory_space<vmem>>
      tpu.wait_dma2 semaphore(%run_scoped3A_50 : memref<!tpu.dma_semaphore, #tpu.memory_space<semaphore_mem>>) src(%dma_wait3A_69 : memref<625x16xf32, #tpu.memory_space<vmem>>) dst(%dma_wait3A_66 : memref<625x16xf32, #tpu.memory_space<vmem_shared>>)
      tpu.yield
    }) : () -> ()
    %barrier3A = arith.constant 0 : index
    tpu.barrier barrier_id(%barrier3A)
    %dma_start3A = arith.constant 0 : i32
    %dma_start3A_29 = arith.constant 0 : i32
    %dma_start3A_30 = tpu.memref_slice %arg5[%dma_start3A, %dma_start3A_29] : memref<79x128xi32, #tpu.memory_space<vmem>> -> memref<1x128xi32, #tpu.memory_space<vmem>>
    %dma_start3A_31 = tpu.memref_squeeze %dma_start3A_30 : memref<1x128xi32, #tpu.memory_space<vmem>> -> memref<128xi32, #tpu.memory_space<vmem>>
    %dma_start3A_32 = arith.constant 0 : i32
    %dma_start3A_33 = arith.constant 0 : i32
    %dma_start3A_34 = tpu.memref_slice %arg13[%dma_start3A_32, %dma_start3A_33] : memref<10000x16xf32, #tpu.memory_space<vmem_shared>> -> memref<10000x16xf32, #tpu.memory_space<vmem_shared>>
    tpu.enqueue_indirect_dma source(%dma_start3A_34 : memref<10000x16xf32, #tpu.memory_space<vmem_shared>>) target(%arg7 : memref<128x16xf32, #tpu.memory_space<vmem>>) offsets(%dma_start3A_31 : memref<128xi32, #tpu.memory_space<vmem>>) semaphore(%arg14 : memref<!tpu.dma_semaphore, #tpu.memory_space<semaphore_mem>>)
    %scan3A_35 = arith.constant 0 : i32
    %scan3A_36 = arith.constant 0 : i32
    %scan3A_37 = arith.constant 39 : i32
    %scan3A_38 = arith.addi %scan3A_36, %scan3A_37 : i32
    %scan3A_39 = arith.constant 1 : i32
    scf.for %scan3A_50 = %scan3A_36 to %scan3A_38 step %scan3A_39  : i32 {
      %mul3A_51 = arith.constant 2 : i32
      %mul3A_52 = arith.muli %mul3A_51, %scan3A_50 : i32
      %add3A_53 = arith.constant 1 : i32
      %add3A_54 = arith.addi %mul3A_52, %add3A_53 : i32
      %dma_start3A_55 = arith.constant 0 : i32
      %dma_start3A_56 = tpu.memref_slice %arg5[%add3A_54, %dma_start3A_55] : memref<79x128xi32, #tpu.memory_space<vmem>> -> memref<1x128xi32, #tpu.memory_space<vmem>>
      %dma_start3A_57 = tpu.memref_squeeze %dma_start3A_56 : memref<1x128xi32, #tpu.memory_space<vmem>> -> memref<128xi32, #tpu.memory_space<vmem>>
      %dma_start3A_58 = arith.constant 0 : i32
      %dma_start3A_59 = arith.constant 0 : i32
      %dma_start3A_60 = tpu.memref_slice %arg13[%dma_start3A_58, %dma_start3A_59] : memref<10000x16xf32, #tpu.memory_space<vmem_shared>> -> memref<10000x16xf32, #tpu.memory_space<vmem_shared>>
      tpu.enqueue_indirect_dma source(%dma_start3A_60 : memref<10000x16xf32, #tpu.memory_space<vmem_shared>>) target(%arg8 : memref<128x16xf32, #tpu.memory_space<vmem>>) offsets(%dma_start3A_57 : memref<128xi32, #tpu.memory_space<vmem>>) semaphore(%arg15 : memref<!tpu.dma_semaphore, #tpu.memory_space<semaphore_mem>>)
      %dma_wait3A = arith.constant 0 : i32
      %dma_wait3A_61 = tpu.memref_slice %arg5[%mul3A_52, %dma_wait3A] : memref<79x128xi32, #tpu.memory_space<vmem>> -> memref<1x128xi32, #tpu.memory_space<vmem>>
      %dma_wait3A_62 = tpu.memref_squeeze %dma_wait3A_61 : memref<1x128xi32, #tpu.memory_space<vmem>> -> memref<128xi32, #tpu.memory_space<vmem>>
      %dma_wait3A_63 = arith.constant 0 : i32
      %dma_wait3A_64 = arith.constant 0 : i32
      %dma_wait3A_65 = tpu.memref_slice %arg13[%dma_wait3A_63, %dma_wait3A_64] : memref<10000x16xf32, #tpu.memory_space<vmem_shared>> -> memref<10000x16xf32, #tpu.memory_space<vmem_shared>>
      tpu.wait_indirect_dma semaphore(%arg14 : memref<!tpu.dma_semaphore, #tpu.memory_space<semaphore_mem>>) src(%dma_wait3A_65 : memref<10000x16xf32, #tpu.memory_space<vmem_shared>>) dst(%arg7 : memref<128x16xf32, #tpu.memory_space<vmem>>)
      "tpu.region"() ({
        %run_scoped3A_82 = tpu.sem_alloc : memref<!tpu.dma_semaphore, #tpu.memory_space<semaphore_mem>>
        %dma_start3A_83 = arith.constant 0 : i32
        %dma_start3A_84 = tpu.memref_slice %arg6[%mul3A_52, %dma_start3A_83] : memref<79x128xi32, #tpu.memory_space<vmem>> -> memref<1x128xi32, #tpu.memory_space<vmem>>
        %dma_start3A_85 = tpu.memref_squeeze %dma_start3A_84 : memref<1x128xi32, #tpu.memory_space<vmem>> -> memref<128xi32, #tpu.memory_space<vmem>>
        %dma_start3A_86 = arith.constant 0 : i32
        %dma_start3A_87 = arith.constant 0 : i32
        %dma_start3A_88 = tpu.memref_slice %arg12[%dma_start3A_86, %dma_start3A_87] : memref<10112x16xf32, #tpu.memory_space<vmem_shared>> -> memref<10112x16xf32, #tpu.memory_space<vmem_shared>>
        tpu.enqueue_indirect_dma source(%arg7 : memref<128x16xf32, #tpu.memory_space<vmem>>) target(%dma_start3A_88 : memref<10112x16xf32, #tpu.memory_space<vmem_shared>>) offsets(%dma_start3A_85 : memref<128xi32, #tpu.memory_space<vmem>>) semaphore(%run_scoped3A_82 : memref<!tpu.dma_semaphore, #tpu.memory_space<semaphore_mem>>) {add = true}
        %dma_wait3A_89 = arith.constant 0 : i32
        %dma_wait3A_90 = tpu.memref_slice %arg6[%mul3A_52, %dma_wait3A_89] : memref<79x128xi32, #tpu.memory_space<vmem>> -> memref<1x128xi32, #tpu.memory_space<vmem>>
        %dma_wait3A_91 = tpu.memref_squeeze %dma_wait3A_90 : memref<1x128xi32, #tpu.memory_space<vmem>> -> memref<128xi32, #tpu.memory_space<vmem>>
        %dma_wait3A_92 = arith.constant 0 : i32
        %dma_wait3A_93 = arith.constant 0 : i32
        %dma_wait3A_94 = tpu.memref_slice %arg12[%dma_wait3A_92, %dma_wait3A_93] : memref<10112x16xf32, #tpu.memory_space<vmem_shared>> -> memref<10112x16xf32, #tpu.memory_space<vmem_shared>>
        tpu.wait_indirect_dma semaphore(%run_scoped3A_82 : memref<!tpu.dma_semaphore, #tpu.memory_space<semaphore_mem>>) src(%arg7 : memref<128x16xf32, #tpu.memory_space<vmem>>) dst(%dma_wait3A_94 : memref<10112x16xf32, #tpu.memory_space<vmem_shared>>)
        tpu.yield
      }) : () -> ()
      %add3A_66 = arith.constant 2 : i32
      %add3A_67 = arith.addi %mul3A_52, %add3A_66 : i32
      %lt3A_68 = arith.cmpi slt, %add3A_67, %add3A_8 : i32
      %convert_element_type3A_69 = arith.extui %lt3A_68 : i1 to i32
      %cond3A_70 = arith.constant 0 : i32
      %cond3A_71 = arith.cmpi ne, %convert_element_type3A_69, %cond3A_70 : i32
      scf.if %cond3A_71 {
        %add3A_82 = arith.constant 2 : i32
        %add3A_83 = arith.addi %mul3A_52, %add3A_82 : i32
        %dma_start3A_84 = arith.constant 0 : i32
        %dma_start3A_85 = tpu.memref_slice %arg5[%add3A_83, %dma_start3A_84] : memref<79x128xi32, #tpu.memory_space<vmem>> -> memref<1x128xi32, #tpu.memory_space<vmem>>
        %dma_start3A_86 = tpu.memref_squeeze %dma_start3A_85 : memref<1x128xi32, #tpu.memory_space<vmem>> -> memref<128xi32, #tpu.memory_space<vmem>>
        %dma_start3A_87 = arith.constant 0 : i32
        %dma_start3A_88 = arith.constant 0 : i32
        %dma_start3A_89 = tpu.memref_slice %arg13[%dma_start3A_87, %dma_start3A_88] : memref<10000x16xf32, #tpu.memory_space<vmem_shared>> -> memref<10000x16xf32, #tpu.memory_space<vmem_shared>>
        tpu.enqueue_indirect_dma source(%dma_start3A_89 : memref<10000x16xf32, #tpu.memory_space<vmem_shared>>) target(%arg7 : memref<128x16xf32, #tpu.memory_space<vmem>>) offsets(%dma_start3A_86 : memref<128xi32, #tpu.memory_space<vmem>>) semaphore(%arg14 : memref<!tpu.dma_semaphore, #tpu.memory_space<semaphore_mem>>)
      } else {
      }
      %add3A_72 = arith.constant 1 : i32
      %add3A_73 = arith.addi %mul3A_52, %add3A_72 : i32
      %dma_wait3A_74 = arith.constant 0 : i32
      %dma_wait3A_75 = tpu.memref_slice %arg5[%add3A_73, %dma_wait3A_74] : memref<79x128xi32, #tpu.memory_space<vmem>> -> memref<1x128xi32, #tpu.memory_space<vmem>>
      %dma_wait3A_76 = tpu.memref_squeeze %dma_wait3A_75 : memref<1x128xi32, #tpu.memory_space<vmem>> -> memref<128xi32, #tpu.memory_space<vmem>>
      %dma_wait3A_77 = arith.constant 0 : i32
      %dma_wait3A_78 = arith.constant 0 : i32
      %dma_wait3A_79 = tpu.memref_slice %arg13[%dma_wait3A_77, %dma_wait3A_78] : memref<10000x16xf32, #tpu.memory_space<vmem_shared>> -> memref<10000x16xf32, #tpu.memory_space<vmem_shared>>
      tpu.wait_indirect_dma semaphore(%arg15 : memref<!tpu.dma_semaphore, #tpu.memory_space<semaphore_mem>>) src(%dma_wait3A_79 : memref<10000x16xf32, #tpu.memory_space<vmem_shared>>) dst(%arg8 : memref<128x16xf32, #tpu.memory_space<vmem>>)
      %add3A_80 = arith.constant 1 : i32
      %add3A_81 = arith.addi %mul3A_52, %add3A_80 : i32
      "tpu.region"() ({
        %run_scoped3A_82 = tpu.sem_alloc : memref<!tpu.dma_semaphore, #tpu.memory_space<semaphore_mem>>
        %dma_start3A_83 = arith.constant 0 : i32
        %dma_start3A_84 = tpu.memref_slice %arg6[%add3A_81, %dma_start3A_83] : memref<79x128xi32, #tpu.memory_space<vmem>> -> memref<1x128xi32, #tpu.memory_space<vmem>>
        %dma_start3A_85 = tpu.memref_squeeze %dma_start3A_84 : memref<1x128xi32, #tpu.memory_space<vmem>> -> memref<128xi32, #tpu.memory_space<vmem>>
        %dma_start3A_86 = arith.constant 0 : i32
        %dma_start3A_87 = arith.constant 0 : i32
        %dma_start3A_88 = tpu.memref_slice %arg12[%dma_start3A_86, %dma_start3A_87] : memref<10112x16xf32, #tpu.memory_space<vmem_shared>> -> memref<10112x16xf32, #tpu.memory_space<vmem_shared>>
        tpu.enqueue_indirect_dma source(%arg8 : memref<128x16xf32, #tpu.memory_space<vmem>>) target(%dma_start3A_88 : memref<10112x16xf32, #tpu.memory_space<vmem_shared>>) offsets(%dma_start3A_85 : memref<128xi32, #tpu.memory_space<vmem>>) semaphore(%run_scoped3A_82 : memref<!tpu.dma_semaphore, #tpu.memory_space<semaphore_mem>>) {add = true}
        %dma_wait3A_89 = arith.constant 0 : i32
        %dma_wait3A_90 = tpu.memref_slice %arg6[%add3A_81, %dma_wait3A_89] : memref<79x128xi32, #tpu.memory_space<vmem>> -> memref<1x128xi32, #tpu.memory_space<vmem>>
        %dma_wait3A_91 = tpu.memref_squeeze %dma_wait3A_90 : memref<1x128xi32, #tpu.memory_space<vmem>> -> memref<128xi32, #tpu.memory_space<vmem>>
        %dma_wait3A_92 = arith.constant 0 : i32
        %dma_wait3A_93 = arith.constant 0 : i32
        %dma_wait3A_94 = tpu.memref_slice %arg12[%dma_wait3A_92, %dma_wait3A_93] : memref<10112x16xf32, #tpu.memory_space<vmem_shared>> -> memref<10112x16xf32, #tpu.memory_space<vmem_shared>>
        tpu.wait_indirect_dma semaphore(%run_scoped3A_82 : memref<!tpu.dma_semaphore, #tpu.memory_space<semaphore_mem>>) src(%arg8 : memref<128x16xf32, #tpu.memory_space<vmem>>) dst(%dma_wait3A_94 : memref<10112x16xf32, #tpu.memory_space<vmem_shared>>)
        tpu.yield
      }) : () -> ()
    }
    %scan3A_40 = arith.constant 39 : i32
    %gt3A = arith.constant 78 : i32
    %gt3A_41 = arith.cmpi sgt, %add3A_8, %gt3A : i32
    %convert_element_type3A_42 = arith.extui %gt3A_41 : i1 to i32
    %cond3A_43 = arith.constant 0 : i32
    %cond3A_44 = arith.cmpi ne, %convert_element_type3A_42, %cond3A_43 : i32
    scf.if %cond3A_44 {
      %dma_wait3A = arith.constant 78 : i32
      %dma_wait3A_50 = arith.constant 0 : i32
      %dma_wait3A_51 = tpu.memref_slice %arg5[%dma_wait3A, %dma_wait3A_50] : memref<79x128xi32, #tpu.memory_space<vmem>> -> memref<1x128xi32, #tpu.memory_space<vmem>>
      %dma_wait3A_52 = tpu.memref_squeeze %dma_wait3A_51 : memref<1x128xi32, #tpu.memory_space<vmem>> -> memref<128xi32, #tpu.memory_space<vmem>>
      %dma_wait3A_53 = arith.constant 0 : i32
      %dma_wait3A_54 = arith.constant 0 : i32
      %dma_wait3A_55 = tpu.memref_slice %arg13[%dma_wait3A_53, %dma_wait3A_54] : memref<10000x16xf32, #tpu.memory_space<vmem_shared>> -> memref<10000x16xf32, #tpu.memory_space<vmem_shared>>
      tpu.wait_indirect_dma semaphore(%arg14 : memref<!tpu.dma_semaphore, #tpu.memory_space<semaphore_mem>>) src(%dma_wait3A_55 : memref<10000x16xf32, #tpu.memory_space<vmem_shared>>) dst(%arg7 : memref<128x16xf32, #tpu.memory_space<vmem>>)
      %run_scoped3A_56 = arith.constant 78 : i32
      "tpu.region"() ({
        %run_scoped3A_57 = tpu.sem_alloc : memref<!tpu.dma_semaphore, #tpu.memory_space<semaphore_mem>>
        %dma_start3A_58 = arith.constant 0 : i32
        %dma_start3A_59 = tpu.memref_slice %arg6[%run_scoped3A_56, %dma_start3A_58] : memref<79x128xi32, #tpu.memory_space<vmem>> -> memref<1x128xi32, #tpu.memory_space<vmem>>
        %dma_start3A_60 = tpu.memref_squeeze %dma_start3A_59 : memref<1x128xi32, #tpu.memory_space<vmem>> -> memref<128xi32, #tpu.memory_space<vmem>>
        %dma_start3A_61 = arith.constant 0 : i32
        %dma_start3A_62 = arith.constant 0 : i32
        %dma_start3A_63 = tpu.memref_slice %arg12[%dma_start3A_61, %dma_start3A_62] : memref<10112x16xf32, #tpu.memory_space<vmem_shared>> -> memref<10112x16xf32, #tpu.memory_space<vmem_shared>>
        tpu.enqueue_indirect_dma source(%arg7 : memref<128x16xf32, #tpu.memory_space<vmem>>) target(%dma_start3A_63 : memref<10112x16xf32, #tpu.memory_space<vmem_shared>>) offsets(%dma_start3A_60 : memref<128xi32, #tpu.memory_space<vmem>>) semaphore(%run_scoped3A_57 : memref<!tpu.dma_semaphore, #tpu.memory_space<semaphore_mem>>) {add = true}
        %dma_wait3A_64 = arith.constant 0 : i32
        %dma_wait3A_65 = tpu.memref_slice %arg6[%run_scoped3A_56, %dma_wait3A_64] : memref<79x128xi32, #tpu.memory_space<vmem>> -> memref<1x128xi32, #tpu.memory_space<vmem>>
        %dma_wait3A_66 = tpu.memref_squeeze %dma_wait3A_65 : memref<1x128xi32, #tpu.memory_space<vmem>> -> memref<128xi32, #tpu.memory_space<vmem>>
        %dma_wait3A_67 = arith.constant 0 : i32
        %dma_wait3A_68 = arith.constant 0 : i32
        %dma_wait3A_69 = tpu.memref_slice %arg12[%dma_wait3A_67, %dma_wait3A_68] : memref<10112x16xf32, #tpu.memory_space<vmem_shared>> -> memref<10112x16xf32, #tpu.memory_space<vmem_shared>>
        tpu.wait_indirect_dma semaphore(%run_scoped3A_57 : memref<!tpu.dma_semaphore, #tpu.memory_space<semaphore_mem>>) src(%arg7 : memref<128x16xf32, #tpu.memory_space<vmem>>) dst(%dma_wait3A_69 : memref<10112x16xf32, #tpu.memory_space<vmem_shared>>)
        tpu.yield
      }) : () -> ()
    } else {
    }
    %barrier3A_45 = arith.constant 0 : index
    tpu.barrier barrier_id(%barrier3A_45)
    %mul3A_46 = arith.constant 632 : i32
    %mul3A_47 = arith.muli %arg1, %mul3A_46 : i32
    "tpu.region"() ({
      %run_scoped3A_50 = tpu.sem_alloc : memref<!tpu.dma_semaphore, #tpu.memory_space<semaphore_mem>>
      %dma_start3A_51 = arith.constant 0 : i32
      %dma_start3A_52 = tpu.memref_slice %arg12[%mul3A_47, %dma_start3A_51] : memref<10112x16xf32, #tpu.memory_space<vmem_shared>> -> memref<632x16xf32, #tpu.memory_space<vmem_shared>>
      %dma_start3A_53 = arith.constant 0 : i32
      %dma_start3A_54 = tpu.memref_slice %arg12[%mul3A_47, %dma_start3A_53] : memref<10112x16xf32, #tpu.memory_space<vmem_shared>> -> memref<632x16xf32, #tpu.memory_space<vmem_shared>>
      tpu.enqueue_dma source(%dma_start3A_54 : memref<632x16xf32, #tpu.memory_space<vmem_shared>>) target(%arg11 : memref<632x16xf32, #tpu.memory_space<vmem>>) target_semaphore(%run_scoped3A_50 : memref<!tpu.dma_semaphore, #tpu.memory_space<semaphore_mem>>)
      %dma_wait3A = arith.constant 0 : i32
      %dma_wait3A_55 = tpu.memref_slice %arg12[%mul3A_47, %dma_wait3A] : memref<10112x16xf32, #tpu.memory_space<vmem_shared>> -> memref<632x16xf32, #tpu.memory_space<vmem_shared>>
      %dma_wait3A_56 = arith.constant 0 : i32
      %dma_wait3A_57 = tpu.memref_slice %arg12[%mul3A_47, %dma_wait3A_56] : memref<10112x16xf32, #tpu.memory_space<vmem_shared>> -> memref<632x16xf32, #tpu.memory_space<vmem_shared>>
      tpu.wait_dma2 semaphore(%run_scoped3A_50 : memref<!tpu.dma_semaphore, #tpu.memory_space<semaphore_mem>>) src(%dma_wait3A_57 : memref<632x16xf32, #tpu.memory_space<vmem_shared>>) dst(%arg11 : memref<632x16xf32, #tpu.memory_space<vmem>>)
      tpu.yield
    }) : () -> ()
    %mul3A_48 = arith.constant 632 : i32
    %mul3A_49 = arith.muli %arg1, %mul3A_48 : i32
    "tpu.region"() ({
      %run_scoped3A_50 = tpu.sem_alloc : memref<!tpu.dma_semaphore, #tpu.memory_space<semaphore_mem>>
      %dma_start3A_51 = arith.constant 0 : i32
      %dma_start3A_52 = tpu.memref_slice %arg4[%arg0, %mul3A_49, %dma_start3A_51] : memref<2x10112x16xf32, #tpu.memory_space<hbm>> -> memref<1x632x16xf32, #tpu.memory_space<hbm>>
      %dma_start3A_53 = tpu.memref_squeeze %dma_start3A_52 : memref<1x632x16xf32, #tpu.memory_space<hbm>> -> memref<632x16xf32, #tpu.memory_space<hbm>>
      %dma_start3A_54 = arith.constant 0 : i32
      %dma_start3A_55 = tpu.memref_slice %arg4[%arg0, %mul3A_49, %dma_start3A_54] : memref<2x10112x16xf32, #tpu.memory_space<hbm>> -> memref<1x632x16xf32, #tpu.memory_space<hbm>>
      %dma_start3A_56 = tpu.memref_squeeze %dma_start3A_55 : memref<1x632x16xf32, #tpu.memory_space<hbm>> -> memref<632x16xf32, #tpu.memory_space<hbm>>
      tpu.enqueue_dma source(%arg11 : memref<632x16xf32, #tpu.memory_space<vmem>>) target(%dma_start3A_56 : memref<632x16xf32, #tpu.memory_space<hbm>>) target_semaphore(%run_scoped3A_50 : memref<!tpu.dma_semaphore, #tpu.memory_space<semaphore_mem>>)
      %dma_wait3A = arith.constant 0 : i32
      %dma_wait3A_57 = tpu.memref_slice %arg4[%arg0, %mul3A_49, %dma_wait3A] : memref<2x10112x16xf32, #tpu.memory_space<hbm>> -> memref<1x632x16xf32, #tpu.memory_space<hbm>>
      %dma_wait3A_58 = tpu.memref_squeeze %dma_wait3A_57 : memref<1x632x16xf32, #tpu.memory_space<hbm>> -> memref<632x16xf32, #tpu.memory_space<hbm>>
      %dma_wait3A_59 = arith.constant 0 : i32
      %dma_wait3A_60 = tpu.memref_slice %arg4[%arg0, %mul3A_49, %dma_wait3A_59] : memref<2x10112x16xf32, #tpu.memory_space<hbm>> -> memref<1x632x16xf32, #tpu.memory_space<hbm>>
      %dma_wait3A_61 = tpu.memref_squeeze %dma_wait3A_60 : memref<1x632x16xf32, #tpu.memory_space<hbm>> -> memref<632x16xf32, #tpu.memory_space<hbm>>
      tpu.wait_dma2 semaphore(%run_scoped3A_50 : memref<!tpu.dma_semaphore, #tpu.memory_space<semaphore_mem>>) src(%arg11 : memref<632x16xf32, #tpu.memory_space<vmem>>) dst(%dma_wait3A_61 : memref<632x16xf32, #tpu.memory_space<hbm>>)
      tpu.yield
    }) : () -> ()
    return
  }
}

module attributes {stable_mosaic.version = 14 : i64} {
  func.func @_tcmm_body(%arg0: i32, %arg1: memref<2000x128xf32, #tpu.memory_space<vmem>>, %arg2: memref<128x64xf32, #tpu.memory_space<vmem>>, %arg3: memref<2000x64xf32, #tpu.memory_space<vmem>>) attributes {dimension_semantics = [#tpu.dimension_semantics<arbitrary>], iteration_bounds = array<i64: 5>, scalar_prefetch = 0 : i64, scratch_operands = 0 : i64, tpu.core_type = #tpu.core_type<tc>, window_params = [{transform_indices = @transform_0, window_bounds = array<i64: 2000, 128>}, {pipeline_mode = #tpu.pipeline_mode<synchronous>, transform_indices = @transform_1, window_bounds = array<i64: 128, 64>}, {transform_indices = @transform_2, window_bounds = array<i64: 2000, 64>}]} {
    %get3A = arith.constant 0 : index
    %get3A_0 = arith.constant 0 : index
    %get3A_1 = vector.load %arg1[%get3A, %get3A_0] : memref<2000x128xf32, #tpu.memory_space<vmem>>, vector<2000x128xf32>
    %get3A_2 = arith.constant 0 : index
    %get3A_3 = arith.constant 0 : index
    %get3A_4 = vector.load %arg2[%get3A_2, %get3A_3] : memref<128x64xf32, #tpu.memory_space<vmem>>, vector<128x64xf32>
    %dot_general3A = arith.constant dense<0.000000e+00> : vector<2000x64xf32>
    %dot_general3A_5 = tpu.matmul %get3A_1, %get3A_4, %dot_general3A {dimension_numbers = #tpu.dot_dimension_numbers<[1], [0], [0], [1], [0, 0, 1, 1], [], []>, transpose_lhs_hint = false} : vector<2000x128xf32>, vector<128x64xf32>, vector<2000x64xf32> -> vector<2000x64xf32>
    %swap3A = arith.constant 0 : index
    %swap3A_6 = arith.constant 0 : index
    %swap3A_7 = vector.load %arg3[%swap3A, %swap3A_6] : memref<2000x64xf32, #tpu.memory_space<vmem>>, vector<2000x64xf32>
    tpu.vector_store %arg3[%swap3A, %swap3A_6], %dot_general3A_5 {strides = array<i32>} : memref<2000x64xf32, #tpu.memory_space<vmem>>, vector<2000x64xf32>,
    return
  }
  func.func @transform_0(%arg0: i32) -> (i32, i32) {
    %c0_i32 = arith.constant 0 : i32
    %c0_i32_0 = arith.constant 0 : i32
    return %arg0, %c0_i32 : i32, i32
  }
  func.func @transform_1(%arg0: i32) -> (i32, i32) {
    %c0_i32 = arith.constant 0 : i32
    %c0_i32_0 = arith.constant 0 : i32
    %c0_i32_1 = arith.constant 0 : i32
    return %c0_i32, %c0_i32_0 : i32, i32
  }
  func.func @transform_2(%arg0: i32) -> (i32, i32) {
    %c0_i32 = arith.constant 0 : i32
    %c0_i32_0 = arith.constant 0 : i32
    return %arg0, %c0_i32 : i32, i32
  }
}

module attributes {stable_mosaic.version = 14 : i64} {
  func.func @_tca_body(%arg0: i32, %arg1: memref<2x2000x16xf32, #tpu.memory_space<vmem>>, %arg2: memref<2000x64xf32, #tpu.memory_space<vmem>>, %arg3: memref<2000x32xf32, #tpu.memory_space<vmem>>, %arg4: memref<2000x32xf32, #tpu.memory_space<vmem>>, %arg5: memref<2000x16xf32, #tpu.memory_space<vmem>>) attributes {dimension_semantics = [#tpu.dimension_semantics<arbitrary>], iteration_bounds = array<i64: 5>, scalar_prefetch = 0 : i64, scratch_operands = 0 : i64, tpu.core_type = #tpu.core_type<tc>, window_params = [{transform_indices = @transform_0, window_bounds = array<i64: 2, 2000, 16>}, {transform_indices = @transform_1, window_bounds = array<i64: 2000, 64>}, {transform_indices = @transform_2, window_bounds = array<i64: 2000, 32>}, {transform_indices = @transform_3, window_bounds = array<i64: 2000, 32>}, {transform_indices = @transform_4, window_bounds = array<i64: 2000, 16>}]} {
    %get3A = arith.constant 0 : index
    %get3A_0 = arith.constant 0 : index
    %get3A_1 = arith.constant 0 : index
    %get3A_2 = vector.load %arg1[%get3A, %get3A_0, %get3A_1] : memref<2x2000x16xf32, #tpu.memory_space<vmem>>, vector<1x2000x16xf32>
    %get3A_3 = vector.shape_cast %get3A_2 : vector<1x2000x16xf32> to vector<2000x16xf32>
    %get3A_4 = arith.constant 1 : index
    %get3A_5 = arith.constant 0 : index
    %get3A_6 = arith.constant 0 : index
    %get3A_7 = vector.load %arg1[%get3A_4, %get3A_5, %get3A_6] : memref<2x2000x16xf32, #tpu.memory_space<vmem>>, vector<1x2000x16xf32>
    %get3A_8 = vector.shape_cast %get3A_7 : vector<1x2000x16xf32> to vector<2000x16xf32>
    %add3A = arith.addf %get3A_3, %get3A_8 : vector<2000x16xf32>
    %add3A_9 = arith.constant 1.000000e+00 : f32
    %add3A_10 = vector.broadcast %add3A_9 : f32 to vector<2000x16xf32>
    %add3A_11 = arith.addf %add3A, %add3A_10 : vector<2000x16xf32>
    %rsqrt3A = math.rsqrt %add3A_11 : vector<2000x16xf32>
    %get3A_12 = arith.constant 0 : index
    %get3A_13 = arith.constant 0 : index
    %get3A_14 = vector.load %arg2[%get3A_12, %get3A_13] : memref<2000x64xf32, #tpu.memory_space<vmem>>, vector<2000x64xf32>
    %slice3A = vector.extract_strided_slice %rsqrt3A {offsets = [0, 0], sizes = [2000, 1], strides = [1, 1]} : vector<2000x16xf32> to vector<2000x1xf32>
    %mul3A = vector.broadcast %slice3A : vector<2000x1xf32> to vector<2000x64xf32>
    %mul3A_15 = arith.mulf %get3A_14, %mul3A : vector<2000x64xf32>
    %slice3A_16 = vector.extract_strided_slice %mul3A_15 {offsets = [0, 0], sizes = [2000, 32], strides = [1, 1]} : vector<2000x64xf32> to vector<2000x32xf32>
    %swap3A = arith.constant 0 : index
    %swap3A_17 = arith.constant 0 : index
    %swap3A_18 = vector.load %arg3[%swap3A, %swap3A_17] : memref<2000x32xf32, #tpu.memory_space<vmem>>, vector<2000x32xf32>
    tpu.vector_store %arg3[%swap3A, %swap3A_17], %slice3A_16 {strides = array<i32>} : memref<2000x32xf32, #tpu.memory_space<vmem>>, vector<2000x32xf32>,
    %slice3A_19 = vector.extract_strided_slice %mul3A_15 {offsets = [0, 32], sizes = [2000, 32], strides = [1, 1]} : vector<2000x64xf32> to vector<2000x32xf32>
    %swap3A_20 = arith.constant 0 : index
    %swap3A_21 = arith.constant 0 : index
    %swap3A_22 = vector.load %arg4[%swap3A_20, %swap3A_21] : memref<2000x32xf32, #tpu.memory_space<vmem>>, vector<2000x32xf32>
    tpu.vector_store %arg4[%swap3A_20, %swap3A_21], %slice3A_19 {strides = array<i32>} : memref<2000x32xf32, #tpu.memory_space<vmem>>, vector<2000x32xf32>,
    %swap3A_23 = arith.constant 0 : index
    %swap3A_24 = arith.constant 0 : index
    %swap3A_25 = vector.load %arg5[%swap3A_23, %swap3A_24] : memref<2000x16xf32, #tpu.memory_space<vmem>>, vector<2000x16xf32>
    tpu.vector_store %arg5[%swap3A_23, %swap3A_24], %rsqrt3A {strides = array<i32>} : memref<2000x16xf32, #tpu.memory_space<vmem>>, vector<2000x16xf32>,
    return
  }
  func.func @transform_0(%arg0: i32) -> (i32, i32, i32) {
    %c0_i32 = arith.constant 0 : i32
    %c0_i32_0 = arith.constant 0 : i32
    %c0_i32_1 = arith.constant 0 : i32
    return %c0_i32, %arg0, %c0_i32_0 : i32, i32, i32
  }
  func.func @transform_1(%arg0: i32) -> (i32, i32) {
    %c0_i32 = arith.constant 0 : i32
    %c0_i32_0 = arith.constant 0 : i32
    return %arg0, %c0_i32 : i32, i32
  }
  func.func @transform_2(%arg0: i32) -> (i32, i32) {
    %c0_i32 = arith.constant 0 : i32
    %c0_i32_0 = arith.constant 0 : i32
    return %arg0, %c0_i32 : i32, i32
  }
  func.func @transform_3(%arg0: i32) -> (i32, i32) {
    %c0_i32 = arith.constant 0 : i32
    %c0_i32_0 = arith.constant 0 : i32
    return %arg0, %c0_i32 : i32, i32
  }
  func.func @transform_4(%arg0: i32) -> (i32, i32) {
    %c0_i32 = arith.constant 0 : i32
    %c0_i32_0 = arith.constant 0 : i32
    return %arg0, %c0_i32 : i32, i32
  }
}

module attributes {stable_mosaic.version = 14 : i64} {
  func.func @_tcb_body(%arg0: i32, %arg1: memref<2x2000x32xf32, #tpu.memory_space<vmem>>, %arg2: memref<2x2000x32xf32, #tpu.memory_space<vmem>>, %arg3: memref<2000x32xf32, #tpu.memory_space<vmem>>, %arg4: memref<2000x32xf32, #tpu.memory_space<vmem>>, %arg5: memref<2000x16xf32, #tpu.memory_space<vmem>>, %arg6: memref<64x7xf32, #tpu.memory_space<vmem>>, %arg7: memref<1x64xf32, #tpu.memory_space<vmem>>, %arg8: memref<2000x16xf32, #tpu.memory_space<vmem>>) attributes {dimension_semantics = [#tpu.dimension_semantics<arbitrary>], iteration_bounds = array<i64: 5>, scalar_prefetch = 0 : i64, scratch_operands = 0 : i64, tpu.core_type = #tpu.core_type<tc>, window_params = [{transform_indices = @transform_0, window_bounds = array<i64: 2, 2000, 32>}, {transform_indices = @transform_1, window_bounds = array<i64: 2, 2000, 32>}, {transform_indices = @transform_2, window_bounds = array<i64: 2000, 32>}, {transform_indices = @transform_3, window_bounds = array<i64: 2000, 32>}, {transform_indices = @transform_4, window_bounds = array<i64: 2000, 16>}, {pipeline_mode = #tpu.pipeline_mode<synchronous>, transform_indices = @transform_5, window_bounds = array<i64: 64, 7>}, {pipeline_mode = #tpu.pipeline_mode<synchronous>, transform_indices = @transform_6, window_bounds = array<i64: 1, 64>}, {transform_indices = @transform_7, window_bounds = array<i64: 2000, 16>}]} {
    %get3A = arith.constant 0 : index
    %get3A_0 = arith.constant 0 : index
    %get3A_1 = arith.constant 0 : index
    %get3A_2 = vector.load %arg1[%get3A, %get3A_0, %get3A_1] : memref<2x2000x32xf32, #tpu.memory_space<vmem>>, vector<1x2000x32xf32>
    %get3A_3 = vector.shape_cast %get3A_2 : vector<1x2000x32xf32> to vector<2000x32xf32>
    %get3A_4 = arith.constant 1 : index
    %get3A_5 = arith.constant 0 : index
    %get3A_6 = arith.constant 0 : index
    %get3A_7 = vector.load %arg1[%get3A_4, %get3A_5, %get3A_6] : memref<2x2000x32xf32, #tpu.memory_space<vmem>>, vector<1x2000x32xf32>
    %get3A_8 = vector.shape_cast %get3A_7 : vector<1x2000x32xf32> to vector<2000x32xf32>
    %add3A = arith.addf %get3A_3, %get3A_8 : vector<2000x32xf32>
    %get3A_9 = arith.constant 0 : index
    %get3A_10 = arith.constant 0 : index
    %get3A_11 = vector.load %arg3[%get3A_9, %get3A_10] : memref<2000x32xf32, #tpu.memory_space<vmem>>, vector<2000x32xf32>
    %add3A_12 = arith.addf %add3A, %get3A_11 : vector<2000x32xf32>
    %get3A_13 = arith.constant 0 : index
    %get3A_14 = arith.constant 0 : index
    %get3A_15 = arith.constant 0 : index
    %get3A_16 = vector.load %arg2[%get3A_13, %get3A_14, %get3A_15] : memref<2x2000x32xf32, #tpu.memory_space<vmem>>, vector<1x2000x32xf32>
    %get3A_17 = vector.shape_cast %get3A_16 : vector<1x2000x32xf32> to vector<2000x32xf32>
    %get3A_18 = arith.constant 1 : index
    %get3A_19 = arith.constant 0 : index
    %get3A_20 = arith.constant 0 : index
    %get3A_21 = vector.load %arg2[%get3A_18, %get3A_19, %get3A_20] : memref<2x2000x32xf32, #tpu.memory_space<vmem>>, vector<1x2000x32xf32>
    %get3A_22 = vector.shape_cast %get3A_21 : vector<1x2000x32xf32> to vector<2000x32xf32>
    %add3A_23 = arith.addf %get3A_17, %get3A_22 : vector<2000x32xf32>
    %get3A_24 = arith.constant 0 : index
    %get3A_25 = arith.constant 0 : index
    %get3A_26 = vector.load %arg4[%get3A_24, %get3A_25] : memref<2000x32xf32, #tpu.memory_space<vmem>>, vector<2000x32xf32>
    %add3A_27 = arith.addf %add3A_23, %get3A_26 : vector<2000x32xf32>
    %concatenate3A = tpu.concatenate %add3A_12, %add3A_27 in 1 : vector<2000x32xf32>, vector<2000x32xf32> -> vector<2000x64xf32>
    %get3A_28 = arith.constant 0 : index
    %get3A_29 = arith.constant 0 : index
    %get3A_30 = vector.load %arg5[%get3A_28, %get3A_29] : memref<2000x16xf32, #tpu.memory_space<vmem>>, vector<2000x1xf32>
    %mul3A = vector.broadcast %get3A_30 : vector<2000x1xf32> to vector<2000x64xf32>
    %mul3A_31 = arith.mulf %concatenate3A, %mul3A : vector<2000x64xf32>
    %get3A_32 = arith.constant 0 : index
    %get3A_33 = arith.constant 0 : index
    %get3A_34 = vector.load %arg7[%get3A_32, %get3A_33] : memref<1x64xf32, #tpu.memory_space<vmem>>, vector<1x64xf32>
    %add3A_35 = vector.broadcast %get3A_34 : vector<1x64xf32> to vector<2000x64xf32>
    %add3A_36 = arith.addf %mul3A_31, %add3A_35 : vector<2000x64xf32>
    %get3A_37 = arith.constant 0 : index
    %get3A_38 = arith.constant 0 : index
    %get3A_39 = vector.load %arg6[%get3A_37, %get3A_38] : memref<64x7xf32, #tpu.memory_space<vmem>>, vector<64x7xf32>
    %dot_general3A = arith.constant dense<0.000000e+00> : vector<2000x7xf32>
    %dot_general3A_40 = tpu.matmul %add3A_36, %get3A_39, %dot_general3A {dimension_numbers = #tpu.dot_dimension_numbers<[1], [0], [0], [1], [0, 0, 1, 1], [], []>, transpose_lhs_hint = false} : vector<2000x64xf32>, vector<64x7xf32>, vector<2000x7xf32> -> vector<2000x7xf32>
    %get3A_41 = arith.constant 0 : index
    %get3A_42 = arith.constant 0 : index
    %get3A_43 = vector.load %arg5[%get3A_41, %get3A_42] : memref<2000x16xf32, #tpu.memory_space<vmem>>, vector<2000x1xf32>
    %mul3A_44 = vector.broadcast %get3A_43 : vector<2000x1xf32> to vector<2000x7xf32>
    %mul3A_45 = arith.mulf %dot_general3A_40, %mul3A_44 : vector<2000x7xf32>
    %broadcast_in_dim3A = arith.constant 0.000000e+00 : f32
    %broadcast_in_dim3A_46 = vector.broadcast %broadcast_in_dim3A : f32 to vector<2000x9xf32>
    %concatenate3A_47 = tpu.concatenate %mul3A_45, %broadcast_in_dim3A_46 in 1 : vector<2000x7xf32>, vector<2000x9xf32> -> vector<2000x16xf32>
    %swap3A = arith.constant 0 : index
    %swap3A_48 = arith.constant 0 : index
    %swap3A_49 = vector.load %arg8[%swap3A, %swap3A_48] : memref<2000x16xf32, #tpu.memory_space<vmem>>, vector<2000x16xf32>
    tpu.vector_store %arg8[%swap3A, %swap3A_48], %concatenate3A_47 {strides = array<i32>} : memref<2000x16xf32, #tpu.memory_space<vmem>>, vector<2000x16xf32>,
    return
  }
  func.func @transform_0(%arg0: i32) -> (i32, i32, i32) {
    %c0_i32 = arith.constant 0 : i32
    %c0_i32_0 = arith.constant 0 : i32
    %c0_i32_1 = arith.constant 0 : i32
    return %c0_i32, %arg0, %c0_i32_0 : i32, i32, i32
  }
  func.func @transform_1(%arg0: i32) -> (i32, i32, i32) {
    %c0_i32 = arith.constant 0 : i32
    %c0_i32_0 = arith.constant 0 : i32
    %c0_i32_1 = arith.constant 0 : i32
    return %c0_i32, %arg0, %c0_i32_0 : i32, i32, i32
  }
  func.func @transform_2(%arg0: i32) -> (i32, i32) {
    %c0_i32 = arith.constant 0 : i32
    %c0_i32_0 = arith.constant 0 : i32
    return %arg0, %c0_i32 : i32, i32
  }
  func.func @transform_3(%arg0: i32) -> (i32, i32) {
    %c0_i32 = arith.constant 0 : i32
    %c0_i32_0 = arith.constant 0 : i32
    return %arg0, %c0_i32 : i32, i32
  }
  func.func @transform_4(%arg0: i32) -> (i32, i32) {
    %c0_i32 = arith.constant 0 : i32
    %c0_i32_0 = arith.constant 0 : i32
    return %arg0, %c0_i32 : i32, i32
  }
  func.func @transform_5(%arg0: i32) -> (i32, i32) {
    %c0_i32 = arith.constant 0 : i32
    %c0_i32_0 = arith.constant 0 : i32
    %c0_i32_1 = arith.constant 0 : i32
    return %c0_i32, %c0_i32_0 : i32, i32
  }
  func.func @transform_6(%arg0: i32) -> (i32, i32) {
    %c0_i32 = arith.constant 0 : i32
    %c0_i32_0 = arith.constant 0 : i32
    %c0_i32_1 = arith.constant 0 : i32
    return %c0_i32, %c0_i32_0 : i32, i32
  }
  func.func @transform_7(%arg0: i32) -> (i32, i32) {
    %c0_i32 = arith.constant 0 : i32
    %c0_i32_0 = arith.constant 0 : i32
    return %arg0, %c0_i32 : i32, i32
  }
}

module attributes {stable_mosaic.version = 14 : i64} {
  func.func @_tcc_body(%arg0: i32, %arg1: memref<2x2000x16xf32, #tpu.memory_space<vmem>>, %arg2: memref<2000x16xf32, #tpu.memory_space<vmem>>, %arg3: memref<2000x16xf32, #tpu.memory_space<vmem>>, %arg4: memref<1x7xf32, #tpu.memory_space<vmem>>, %arg5: memref<2000x7xf32, #tpu.memory_space<vmem>>) attributes {dimension_semantics = [#tpu.dimension_semantics<arbitrary>], iteration_bounds = array<i64: 5>, scalar_prefetch = 0 : i64, scratch_operands = 0 : i64, tpu.core_type = #tpu.core_type<tc>, window_params = [{transform_indices = @transform_0, window_bounds = array<i64: 2, 2000, 16>}, {transform_indices = @transform_1, window_bounds = array<i64: 2000, 16>}, {transform_indices = @transform_2, window_bounds = array<i64: 2000, 16>}, {pipeline_mode = #tpu.pipeline_mode<synchronous>, transform_indices = @transform_3, window_bounds = array<i64: 1, 7>}, {transform_indices = @transform_4, window_bounds = array<i64: 2000, 7>}]} {
    %get3A = arith.constant 0 : index
    %get3A_0 = arith.constant 0 : index
    %get3A_1 = arith.constant 0 : index
    %get3A_2 = vector.load %arg1[%get3A, %get3A_0, %get3A_1] : memref<2x2000x16xf32, #tpu.memory_space<vmem>>, vector<1x2000x16xf32>
    %get3A_3 = vector.shape_cast %get3A_2 : vector<1x2000x16xf32> to vector<2000x16xf32>
    %get3A_4 = arith.constant 1 : index
    %get3A_5 = arith.constant 0 : index
    %get3A_6 = arith.constant 0 : index
    %get3A_7 = vector.load %arg1[%get3A_4, %get3A_5, %get3A_6] : memref<2x2000x16xf32, #tpu.memory_space<vmem>>, vector<1x2000x16xf32>
    %get3A_8 = vector.shape_cast %get3A_7 : vector<1x2000x16xf32> to vector<2000x16xf32>
    %add3A = arith.addf %get3A_3, %get3A_8 : vector<2000x16xf32>
    %get3A_9 = arith.constant 0 : index
    %get3A_10 = arith.constant 0 : index
    %get3A_11 = vector.load %arg2[%get3A_9, %get3A_10] : memref<2000x16xf32, #tpu.memory_space<vmem>>, vector<2000x16xf32>
    %add3A_12 = arith.addf %add3A, %get3A_11 : vector<2000x16xf32>
    %get3A_13 = arith.constant 0 : index
    %get3A_14 = arith.constant 0 : index
    %get3A_15 = vector.load %arg3[%get3A_13, %get3A_14] : memref<2000x16xf32, #tpu.memory_space<vmem>>, vector<2000x1xf32>
    %mul3A = vector.broadcast %get3A_15 : vector<2000x1xf32> to vector<2000x16xf32>
    %mul3A_16 = arith.mulf %add3A_12, %mul3A : vector<2000x16xf32>
    %slice3A = vector.extract_strided_slice %mul3A_16 {offsets = [0, 0], sizes = [2000, 7], strides = [1, 1]} : vector<2000x16xf32> to vector<2000x7xf32>
    %get3A_17 = arith.constant 0 : index
    %get3A_18 = arith.constant 0 : index
    %get3A_19 = vector.load %arg4[%get3A_17, %get3A_18] : memref<1x7xf32, #tpu.memory_space<vmem>>, vector<1x7xf32>
    %add3A_20 = vector.broadcast %get3A_19 : vector<1x7xf32> to vector<2000x7xf32>
    %add3A_21 = arith.addf %slice3A, %add3A_20 : vector<2000x7xf32>
    %swap3A = arith.constant 0 : index
    %swap3A_22 = arith.constant 0 : index
    %swap3A_23 = vector.load %arg5[%swap3A, %swap3A_22] : memref<2000x7xf32, #tpu.memory_space<vmem>>, vector<2000x7xf32>
    tpu.vector_store %arg5[%swap3A, %swap3A_22], %add3A_21 {strides = array<i32>} : memref<2000x7xf32, #tpu.memory_space<vmem>>, vector<2000x7xf32>,
    return
  }
  func.func @transform_0(%arg0: i32) -> (i32, i32, i32) {
    %c0_i32 = arith.constant 0 : i32
    %c0_i32_0 = arith.constant 0 : i32
    %c0_i32_1 = arith.constant 0 : i32
    return %c0_i32, %arg0, %c0_i32_0 : i32, i32, i32
  }
  func.func @transform_1(%arg0: i32) -> (i32, i32) {
    %c0_i32 = arith.constant 0 : i32
    %c0_i32_0 = arith.constant 0 : i32
    return %arg0, %c0_i32 : i32, i32
  }
  func.func @transform_2(%arg0: i32) -> (i32, i32) {
    %c0_i32 = arith.constant 0 : i32
    %c0_i32_0 = arith.constant 0 : i32
    return %arg0, %c0_i32 : i32, i32
  }
  func.func @transform_3(%arg0: i32) -> (i32, i32) {
    %c0_i32 = arith.constant 0 : i32
    %c0_i32_0 = arith.constant 0 : i32
    %c0_i32_1 = arith.constant 0 : i32
    return %c0_i32, %c0_i32_0 : i32, i32
  }
  func.func @transform_4(%arg0: i32) -> (i32, i32) {
    %c0_i32 = arith.constant 0 : i32
    %c0_i32_0 = arith.constant 0 : i32
    return %arg0, %c0_i32 : i32, i32
  }
}

</mosaic_0001>

<sc_bundles>
// kernel: kernel.12.cloned.1.call-start
scs
__scs_entry_jumppad:
0x0: {  	(pc) =	sbr.rel $0x88, $3  }
0x1: {  	(tag) =	ssettag $0x0;
	lr =	simm.s32 $0x1  }
0x2: {  	[smem:$0x3F9B] =	sst lr;
	_ =	strace $0xD0000000  }
0x3: {  	_ = 	snop  }
0x4: {  	_ = 	snop  }
0x5: {  	_ = 	snop  }
0x6: {  	_ = 	snop  }
0x7: {  	_ = 	snop  }
__scs_overlays_trampoline_lowered:
0x8: {  	[smem:$0x3FAA] =	sst s0  }
0x9: {  	[smem:$0x3FAB] =	sst s1  }
0xa: {  	[smem:$0x3FAC] =	sst s2  }
0xb: {  	[smem:$0x3FAD] =	sst s3  }
0xc: {  	[smem:$0x3FAE] =	sst s4  }
0xd: {  	[smem:$0x3FAF] =	sst s5  }
0xe: {  	[smem:$0x3FB0] =	sst s6  }
0xf: {  	[smem:$0x3FB1] =	sst s7  }
0x10: {  	[smem:$0x3FB2] =	sst s8  }
0x11: {  	[smem:$0x3FB3] =	sst s9;
	s0 =	simm.s32 @!p0 $0x0  }
0x12: {  	s1 =	sld [smem:$0x3F99];
	s0 =	simm.s32 @p0 $0x1  }
0x13: {  	[smem:$0x3FB4] =	sst s0;
	s0 =	simm.s32 @!p1 $0x0  }
0x14: {  	s2 =	sld [smem:$0x3F98];
	s0 =	simm.s32 @p1 $0x1  }
0x15: {  	[smem:$0x3FB5] =	sst s0;
	s0 =	simm.s32 @!p2 $0x0  }
0x16: {  	s3 =	sld [smem:$0x3FDB];
	s0 =	simm.s32 @p2 $0x1  }
0x17: {  	s4 =	simm.s32 $0x1BF5;
	[smem:$0x3FB7] =	sst s0  }
0x18: {  	s0 =	sld [smem:$0x3F9A];
	_ =	swait.ge [sflag:s4], $0x0  }
0x19: {  	s7 =	sld [smem:$0x3F9B]  }
0x1a: {  	s8 =	sadd.s32 $0xFFFFE003, lr  }
0x1b: {  	s9 =	sadd.s32 $0xFFFFFEF7, lr;
	s5 =	simm.s32 $0xFFFFFFFF;
	p2 =	slt.u32 s8, $0xFFFFF086  }
0x1c: {  	p1 =	slt.u32 s9, $0xF7A;
	s5 =	simm.s32 @!p2 $0x0  }
0x1d: {  	s5 =	simm.s32 @p1 $0x1;
	p0 =	seq.s32 s7, s2  }
0x1e: {  	s7 =	smul.u32 @!p0 $0xF7A, s2;
	p2 =	seq.s32 @!p0 s5, $0x0  }
0x1f: {  	s9 =	smul.u32 $0xF7A, s1;
	s8 =	simm.s32 @!p0 $0x1BF5;
	p2 =	por !p2, p0  }
0x20: {  	[sflag:s8] =	ssyncset.s32 @!p0 $0xFFFFF086;
	s6 =	sadd.s32 @!p0 s3, s7;
	s7 =	simm.s32 @!p0 $0x108  }
0x21: {  	s3 =	sadd.s32 s3, s9;
	s6 =	sadd.s32 @!p0 $0x88, s6;
	s7 =	simm.s32 @p2 $0x1082  }
0x22: {  	[simem:s7], [sflag:s8] =	dma.local @!p0 [hbm:s6], $0xF7A  }
0x23: {  	s9 =	sor.u32 $0xD0000000, s2;
	s6 =	simm.s32 $0x108;
	_ =	swait.ge @!p0 [sflag:s8], $0x0  }
0x24: {  	s3 =	sadd.s32 $0x88, s3;
	s6 =	simm.s32 @!p1 $0x1082;
	[sflag:s4] =	ssyncset.s32 $0xFFFFF086  }
0x25: {  	[simem:s6], [sflag:s4] =	dma.local [hbm:s3], $0xF7A  }
0x26: {  	[smem:$0x3F9B] =	sst s1;
	(tag) =	ssettag s2;
	_ =	strace s9  }
0x27: {  	s1 =	sld [smem:$0x3FAB]  }
0x28: {  	s2 =	sld [smem:$0x3FAC]  }
0x29: {  	s4 =	sld [smem:$0x3FAE]  }
0x2a: {  	p0 =	seq.s32 s5, $0x0;
	s5 =	sld [smem:$0x3FAF]  }
0x2b: {  	s6 =	sld [smem:$0x3FB0]  }
0x2c: {  	s7 =	sld [smem:$0x3FB1]  }
0x2d: {  	s3 =	simm.s32 $0x108;
	s8 =	sld [smem:$0x3FB2]  }
0x2e: {  	s3 =	simm.s32 @!p0 $0x1082;
	s9 =	sld [smem:$0x3FB3]  }
0x2f: {  	lr =	sadd.s32 s0, s3;
	s0 =	sld [smem:$0x3FAA]  }
0x30: {  	s3 =	sld [smem:$0x3FAD]  }
0x31: {  	[smem:$0x3FB6] =	sst s10  }
0x32: {  	s10 =	sld [smem:$0x3FB4];
	_ =	sdelay $0x3  }
0x33: {  	p0 =	seq.s32 s10, $0x1;
	s10 =	sld [smem:$0x3FB6];
	_ =	sdelay $0x3  }
0x34: {  	[smem:$0x3FB6] =	sst s10  }
0x35: {  	s10 =	sld [smem:$0x3FB5];
	_ =	sdelay $0x3  }
0x36: {  	p1 =	seq.s32 s10, $0x1;
	s10 =	sld [smem:$0x3FB6];
	_ =	sdelay $0x3  }
0x37: {  	[smem:$0x3FB6] =	sst s10  }
0x38: {  	s10 =	sld [smem:$0x3FB7]  }
0x39: {  	_ = 	snop;
	(pc) =	sbr.ind lr, $3  }
0x3a: {  	_ = 	snop  }
0x3b: {  	_ = 	snop  }
0x3c: {  	p2 =	seq.s32 s10, $0x1;
	s10 =	sld [smem:$0x3FB6]  }
0x3d: {  	_ =	shalt  }
0x3e: {  	_ =	shalt  }
0x3f: {  	_ =	shalt  }
0x40: {  	_ =	shalt  }
0x41: {  	_ =	shalt  }
0x42: {  	_ =	shalt  }
0x43: {  	_ =	shalt  }
0x44: {  	_ =	shalt  }
0x45: {  	_ =	shalt  }
0x46: {  	_ =	shalt  }
0x47: {  	_ =	shalt  }
0x48: {  	_ =	shalt  }
0x49: {  	_ =	shalt  }
0x4a: {  	_ =	shalt  }
0x4b: {  	_ =	shalt  }
0x4c: {  	_ =	shalt  }
0x4d: {  	_ =	shalt  }
0x4e: {  	_ =	shalt  }
0x4f: {  	_ =	shalt  }
0x50: {  	_ =	shalt  }
0x51: {  	_ =	shalt  }
0x52: {  	_ =	shalt  }
0x53: {  	_ =	shalt  }
0x54: {  	_ =	shalt  }
0x55: {  	_ =	shalt  }
0x56: {  	_ =	shalt  }
0x57: {  	_ =	shalt  }
0x58: {  	_ =	shalt  }
0x59: {  	_ =	shalt  }
0x5a: {  	_ =	shalt  }
0x5b: {  	_ =	shalt  }
0x5c: {  	_ =	shalt  }
0x5d: {  	_ =	shalt  }
0x5e: {  	_ =	shalt  }
0x5f: {  	_ =	shalt  }
0x60: {  	_ =	shalt  }
0x61: {  	_ =	shalt  }
0x62: {  	_ =	shalt  }
0x63: {  	_ =	shalt  }
0x64: {  	_ =	shalt  }
0x65: {  	_ =	shalt  }
0x66: {  	_ =	shalt  }
0x67: {  	_ =	shalt  }
0x68: {  	_ =	shalt  }
0x69: {  	_ =	shalt  }
0x6a: {  	_ =	shalt  }
0x6b: {  	_ =	shalt  }
0x6c: {  	_ =	shalt  }
0x6d: {  	_ =	shalt  }
0x6e: {  	_ =	shalt  }
0x6f: {  	_ =	shalt  }
0x70: {  	_ =	shalt  }
0x71: {  	_ =	shalt  }
0x72: {  	_ =	shalt  }
0x73: {  	_ =	shalt  }
0x74: {  	_ =	shalt  }
0x75: {  	_ =	shalt  }
0x76: {  	_ =	shalt  }
0x77: {  	_ =	shalt  }
0x78: {  	_ =	shalt  }
0x79: {  	_ =	shalt  }
0x7a: {  	_ =	shalt  }
0x7b: {  	_ =	shalt  }
0x7c: {  	_ =	shalt  }
0x7d: {  	_ =	shalt  }
0x7e: {  	_ =	shalt  }
0x7f: {  	_ =	shalt  }
0x80: {  	_ =	shalt  }
0x81: {  	_ =	shalt  }
0x82: {  	_ =	shalt  }
0x83: {  	_ =	shalt  }
0x84: {  	_ =	shalt  }
0x85: {  	_ =	shalt  }
0x86: {  	_ =	shalt  }
0x87: {  	_ =	shalt  }
.Lfunc_end0:
.L_simem_size_0:
called_computation.1_lowered:
.L_overlay_start_0:
0x88: {  	s2 =	sld [smem:$0x3FD9]  }
0x89: {  	s3 =	sld [smem:$0x3FFE];
	_ =	sdelay $0x1  }
0x8a: {  	s1 =	srdreg.scid  }
0x8b: {  	s0 =	sand.u32 $0x1, s1  }
0x8c: {  	s16 =	sshll.u32 s0, $0xA;
	s2 =	sadd.s32 s3, s2  }
0x8d: {  	s2 =	sadd.s32 s2, s16  }
0x8e: {  	[smem:$0x3FC2] =	sst s2  }
0x8f: {  	_ = 	snop  }
0x90: {  	(tm) =	ssettm $0x1  }
0x91: {  	s17 =	sld [smem:$0x3FFB];
	_ =	sdelay $0x3  }
0x92: {  	_ =	strace s17  }
0x93: {  	s2 =	sld [smem:$0x3FFC];
	_ =	sdelay $0x3  }
0x94: {  	_ =	strace s2  }
0x95: {  	s2 =	sld [smem:$0x3FFD];
	_ =	sdelay $0x3  }
0x96: {  	_ =	strace s2  }
0x97: {  	_ =	strace $0x8FFFFFFF  }
0x98: {  	s18 =	sld [smem:$0x3FDB];
	_ =	sdelay $0x1  }
0x99: {  	s19 =	simm.s32 $_scs_section_size  }
0x9a: {  	s4 =	simm.s32 $_size__tile_overlayer_lowered;
	s5 =	simm.s32 $_tile_overlayer_lowered  }
0x9b: {  	s22 =	simm.s32 $0x1BFF;
	s21 =	sshll.u32 s5, $0x1;
	s2 =	sadd.s32 s19, s18  }
0x9c: {  	s6 =	simm.s32 $0x0;
	s20 =	sshll.u32 s4, $0x1;
	s4 =	sadd.s32 s21, s2  }
0x9d: {  	[timem:s6], [sflag:s22] =	dma.local [hbm:s4], s20  }
0x9e: {  	_ =	swait.ge [sflag:s22], s20  }
0x9f: {  	s3 =	ssub.s32 $0x0, s20;
	[sflag:s22] =	ssyncset.done $0x0  }
0xa0: {  	[sflag:s22] =	ssyncadd.s32 s3;
	_ =	sdelay $0x1  }
0xa1: {  	s23 =	simm.s32 $0x1B8B  }
0xa2: {  	_ =	swait.ge [sflag:s23], $0x1  }
0xa3: {  	[sflag:s23] =	ssyncset.done $0x0  }
0xa4: {  	s25 =	simm.s32 $0x1B8E;
	s24 =	sld [smem:$0x3FFE];
	[sflag:s23] =	ssyncadd.s32 $0xFFFFFFFF  }
0xa5: {  	s26 =	simm.s32 $execute0_lowered;
	[smem:$0x3FD2] =	sst s25  }
0xa6: {  	s4 =	sshll.u32 s26, $0x1;
	_ =	strace $0x80000049;
	[dreg:$0x1] =	wrdreg $0xFFFFFFFF  }
0xa7: {  	s28 =	simm.s32 $_size_execute0_lowered;
	s2 =	sadd.s32 s2, s4;
	[dreg:$0x0] =	wrdreg $0x0  }
0xa8: {  	s4 =	sshll.u32 s28, $0x1;
	[dreg:$0x2] =	wrdreg s2  }
0xa9: {  	[dreg:$0x3] =	wrdreg s4  }
0xaa: {  	[dreg:$0x4] =	wrdreg $0xC0  }
0xab: {  	_ =	task [dreg:s6], $0x5FFFF  }
0xac: {  	[dreg:$0x1] =	wrdreg $0xFFFFFFFF  }
0xad: {  	[dreg:$0x0] =	wrdreg $0x60  }
0xae: {  	[dreg:$0x2] =	wrdreg s24  }
0xaf: {  	[dreg:$0x3] =	wrdreg $0xBE000  }
0xb0: {  	[dreg:$0x4] =	wrdreg $0x10D000  }
0xb1: {  	[dreg:$0x5] =	wrdreg $0x9  }
0xb2: {  	_ =	task.clear_ibuf [dreg:s6], $0x6FFFF;
	_ =	strace $0x90000049  }
0xb3: {  	s29 =	simm.s32 $0x9;
	_ =	strace $0x8000004B  }
0xb4: {  	_ =	swait.ge [sflag:s29], $0x1  }
0xb5: {  	[sflag:s29] =	ssyncadd.s32 $0xFFFFFFFF  }
0xb6: {  	_ =	strace $0x9000004B  }
0xb7: {  	_ =	sfence  }
0xb8: {  	s30 =	sld [smem:$0x0];
	_ =	sdelay $0x2  }
0xb9: {  	s31 =	sshll.u32 s1, $0xD;
	s1 =	sshrl.u32 s1, $0x2  }
0xba: {  	s3 =	sand.u32 $0x4000, s31;
	s1 =	sadd.s32 s1, s30  }
0xbb: {  	s0 =	sor.u32 s3, s0;
	s1 =	sshll.u32 s1, $0x11  }
0xbc: {  	s0 =	sor.u32 s1, s0  }
0xbd: {  	s0 =	sadd.s32 $0x8F2B, s0  }
0xbe: {  	[sflag:s0] =	ssyncadd.remote.s32 $0x1  }
0xbf: {  	_ =	sfence.sel $0xFFFF  }
0xc0: {  	[dreg:$0x0] =	wrdreg $0xFFFFFFFF;
	(pc) =	sbr.abs _section_cstart, $3  }
0xc1: {  	[dreg:$0x1] =	wrdreg $0xFFFFFFFF  }
0xc2: {  	_ =	task.clear_ibuf [dreg:s6], $0x2FFFF;
	_ =	strace $0x9FFFFFFF  }
0xc3: {  	(tm) =	ssettm $0x7FFFFFFF  }
tec
execute0_lowered:
.L_overlay_start_1:
0x0: {  	(tag) =	ssettag $0x1  }
0x1: {  	s5 =	rddreg [dreg:$0x0]  }
0x2: {  	s1 =	srdreg.scid;
	s2 =	rddreg [dreg:$0x1]  }
0x3: {  	s0 =	stileid.u32;
	s3 =	rddreg [dreg:$0x2];
	s17 =	simm.s32 $0x3  }
0x4: {  	s18 =	simm.s32 $0x6F00;
	s19 =	simm.s32 $0x4F00;
	s20 =	simm.s32 $0x80  }
0x5: {  	s21 =	simm.s32 $0x5F00;
	s22 =	simm.s32 $0x1;
	s23 =	simm.s32 $0x2  }
0x6: {  	s24 =	simm.s32 $0x0;
	s6 =	sand.u32 $0x1, s1;
	s10 =	smul.u32 $0x4F00, s0  }
0x7: {  	s26 =	sshll.u32 s0, $0x1;
	s1 =	rddreg [dreg:$0x3];
	s12 =	smul.u32 $0x4E20, s0  }
0x8: {  	p0 =	slt.u32 s0, $0x2;
	s4 =	sor.u32 s6, s26;
	s28 =	smul.u32 $0x4F000, s6  }
0x9: {  	s6 =	ssub.s32 $0x2, s6;
	s7 =	smul.u32 $0x4E, s4;
	s8 =	smin.u32 s4, $0x4  }
0xa: {  	s4 =	simm.s32 $0x0;
	s30 =	sshrl.u32 s12, $0x3;
	s31 =	sshrl.u32 s6, $0x1  }
0xb: {  	s12 =	sadd.s32 s12, s3;
	[smem:$0x7FF] =	sst s4;
	s29 =	sadd.s32 s10, s28  }
0xc: {  	s14 =	sadd.s32 s30, s5;
	s16 =	ssub.s32 s6, s31;
	s7 =	sadd.s32 s8, s7  }
0xd: {  	s10 =	sadd.s32 s10, s2;
	_ =	strace $0x8000004A;
	s7 =	sshll.u32 s7, $0x4  }
0xe: {  	s11 =	sadd.s32 $0x1FC00, s14;
	s9 =	sadd.s32 s7, s5;
	s7 =	sshrl.u32 s29, $0x3  }
0xf: {  	s14 =	sadd.s32 $0x15E00, s14;
	s16 =	smax.u32 s16, $0x1;
	s15 =	sadd.s32 s7, s5  }
0x10: {  	s5 =	simm.s32 $0x4F;
	s6 =	sadd.s32 $0x2400, s9;
	s7 =	sadd.s32 $0xC040, s9  }
0x11: {  	s8 =	sadd.s32 $0x28E0, s9;
	s9 =	sadd.s32 $0xC520, s9;
	s5 =	simm.s32 @!p0 $0x4E  }
0x12: {  	v0 =	vimm.f32 $0.0e+00;
	s13 =	sadd.s32 $0x3D600, s15;
	s15 =	sadd.s32 $0x29A00, s15;
	p0 =	sgt.u32 s0, $0x1  }
.LBB2_1:
0x13: {  	[tilespmem:s4], [sflag:$0x3] =	stream.linear.gather [hbm4b:s6+s4], $0x2700, $0x38;
	[tilespmem:$0x15B20] =	vst v63  }
0x14: {  	_ =	swait.ge [sflag:s17], $0x2700  }
0x15: {  	[sflag:s17] =	ssyncset.done $0x0  }
0x16: {  	s25 =	simm.s32 @p0 $0x0;
	s26 =	simm.s32 @p0 $0x2780;
	[sflag:s17] =	ssyncadd.s32 $0xFFFFD900  }
0x17: {  	[tilespmem:s26], [sflag:$0x3] =	stream.linear.gather @p0 [hbm4b:s7+s25], $0x2700, $0x38;
	[tilespmem:$0x15B20] =	vst v63  }
0x18: {  	s25 =	simm.s32 @p0 $0x3  }
0x19: {  	_ =	swait.ge @p0 [sflag:s25], $0x2700  }
0x1a: {  	[sflag:s25] =	ssyncset.done @p0 $0x0  }
0x1b: {  	s26 =	simm.s32 @!p0 $0x2700;
	[sflag:s25] =	ssyncadd.s32 @p0 $0xFFFFD900;
	s25 =	simm.s32 @!p0 $0x0  }
0x1c: {  	[tilespmem:s26], [sflag:$0x3] =	stream.linear.gather @!p0 [hbm4b:s8+s25], $0x80, $0x38;
	[tilespmem:$0x15B20] =	vst v63  }
0x1d: {  	s26 =	simm.s32 @!p0 $0x3  }
0x1e: {  	_ =	swait.ge @!p0 [sflag:s26], $0x80  }
0x1f: {  	[sflag:s26] =	ssyncset.done @!p0 $0x0  }
0x20: {  	s28 =	simm.s32 @!p0 $0x2780;
	[sflag:s26] =	ssyncadd.s32 @!p0 $0xFFFFFF80  }
0x21: {  	[tilespmem:s28], [sflag:$0x3] =	stream.linear.gather @!p0 [hbm4b:s7+s25], $0x2700, $0x38;
	[tilespmem:$0x15B20] =	vst v63  }
0x22: {  	_ =	swait.ge @!p0 [sflag:s26], $0x2700  }
0x23: {  	[sflag:s26] =	ssyncset.done @!p0 $0x0  }
0x24: {  	s28 =	simm.s32 @!p0 $0x4E80;
	[sflag:s26] =	ssyncadd.s32 @!p0 $0xFFFFD900  }
0x25: {  	[tilespmem:s28], [sflag:$0x3] =	stream.linear.gather @!p0 [hbm4b:s9+s25], $0x80, $0x38;
	[tilespmem:$0x15B20] =	vst v63  }
0x26: {  	_ =	swait.ge @!p0 [sflag:s26], $0x80  }
0x27: {  	[sflag:s26] =	ssyncset.done @!p0 $0x0  }
0x28: {  	s25 =	simm.s32 $0x80;
	[sflag:s26] =	ssyncadd.s32 @!p0 $0xFFFFFF80;
	s26 =	simm.s32 $0x0  }
.LBB2_2:
0x29: {  	p1 =	sne.s32 s25, $0x13B80;
	[tilespmem:s26+$0x6F00] =	vst v0;
	s28 =	smov.u32 s25;
	s25 =	sadd.s32 $0x80, s25  }
.Ltmp0:
0x2a: {  	[tilespmem:s26+$0x6F10] =	vst v0;
	(pc) =	sbr.rel @p1 .LBB2_2-.Ltmp0, $2  }
0x2b: {  	_ =	sdelay $0x2  }
0x2c: {  	s26 =	sshra.s32 s28, $0x2  }
0x2d: {  	[tilespmem:s26+$0x6F00] =	vst v0  }
0x2e: {  	[tilespmem:s26+$0x6F10] =	vst v0  }
0x2f: {  	[spmem:s10] =	stream.linear.scatter [tilespmem:s18], [sflag:$0x3], $0x4F00, $0x38;
	[tilespmem:$0x15B20] =	vst v63  }
0x30: {  	_ =	swait.ge [sflag:s17], $0x4F00  }
0x31: {  	[sflag:s17] =	ssyncset.done $0x0  }
0x32: {  	[sflag:s17] =	ssyncadd.s32 $0xFFFFB100  }
0x33: {  	[tilespmem:s18], [sflag:$0x3] =	stream.linear.gather [hbm4b:s11+s4], $0x4E20, $0x38;
	[tilespmem:$0x15B20] =	vst v63  }
0x34: {  	_ =	swait.ge [sflag:s17], $0x4E20  }
0x35: {  	[sflag:s17] =	ssyncset.done $0x0  }
0x36: {  	[sflag:s17] =	ssyncadd.s32 $0xFFFFB1E0  }
0x37: {  	[spmem:s12] =	stream.linear.scatter [tilespmem:s18], [sflag:$0x3], $0x4E20, $0x38;
	[tilespmem:$0x15B20] =	vst v63  }
0x38: {  	_ =	swait.ge [sflag:s17], $0x4E20  }
0x39: {  	[sflag:s17] =	ssyncset.done $0x0  }
0x3a: {  	[sflag:s17] =	ssyncadd.s32 $0xFFFFB1E0  }
0x3b: {  	s25 =	simm.s32 $0x80;
	[bflag:$0x0] =	sbarrier.arrive $0xFFFF  }
0x3c: {  	[tilespmem:s19], [sflag:$0x1] =	stream.indirect.gather [spmem:s3], $0x20, s4, s25, $0xb8;
	[tilespmem:$0x15B20] =	vst v63  }
0x3d: {  	_ = 	snop  }
0x3e: {  	[tilespmem:s21], [sflag:$0x2] =	stream.indirect.gather [spmem:s3], $0x20, s25, s20, $0xb8;
	[tilespmem:$0x15B20] =	vst v63  }
0x3f: {  	_ =	swait.ge [sflag:s22], $0x1000  }
0x40: {  	[sflag:s22] =	ssyncset.done $0x0  }
0x41: {  	s25 =	simm.s32 $0x2780;
	[sflag:s22] =	ssyncadd.s32 $0xFFFFF000  }
0x42: {  	[spmem:s2] =	stream.indirect.scatter.add.f32 [tilespmem:s19], [sflag:$0x3], $0x20, s25, s20, $0xb8;
	[tilespmem:$0x15B20] =	vst v63  }
0x43: {  	p1 =	sle.u32 s5, $0x2;
	_ =	swait.ge [sflag:s17], $0x1000  }
0x44: {  	s26 =	simm.s32 @!p1 $0x100;
	[sflag:s17] =	ssyncset.done $0x0  }
0x45: {  	s28 =	simm.s32 @!p1 $0x80;
	s29 =	simm.s32 @!p1 $0x4F00;
	[sflag:s17] =	ssyncadd.s32 $0xFFFFF000  }
0x46: {  	[tilespmem:s29], [sflag:$0x1] =	stream.indirect.gather @!p1 [spmem:s3], $0x20, s26, s28, $0xb8;
	[tilespmem:$0x15B20] =	vst v63  }
0x47: {  	_ =	swait.ge [sflag:s23], $0x1000  }
0x48: {  	[sflag:s23] =	ssyncset.done $0x0  }
0x49: {  	s31 =	simm.s32 $0x2800;
	[sflag:s23] =	ssyncadd.s32 $0xFFFFF000  }
0x4a: {  	[spmem:s2] =	stream.indirect.scatter.add.f32 [tilespmem:s21], [sflag:$0x3], $0x20, s31, s20, $0xb8;
	[tilespmem:$0x15B20] =	vst v63  }
0x4b: {  	s26 =	simm.s32 $0x4;
	s28 =	simm.s32 $0x180;
	_ =	swait.ge [sflag:s17], $0x1000  }
.LBB2_4:
0x4c: {  	[sflag:s17] =	ssyncset.done $0x0  }
0x4d: {  	s25 =	sadd.s32 $0x100, s25;
	s29 =	smov.u32 s26;
	s26 =	sadd.s32 $0x2, s26  }
0x4e: {  	p1 =	sne.s32 s26, $0x50;
	[sflag:s17] =	ssyncadd.s32 $0xFFFFF000  }
0x4f: {  	[tilespmem:s21], [sflag:$0x2] =	stream.indirect.gather [spmem:s3], $0x20, s28, s20, $0xb8;
	[tilespmem:$0x15B20] =	vst v63  }
0x50: {  	_ =	swait.ge [sflag:s22], $0x1000  }
0x51: {  	[sflag:s22] =	ssyncset.done $0x0  }
0x52: {  	[sflag:s22] =	ssyncadd.s32 $0xFFFFF000  }
0x53: {  	[spmem:s2] =	stream.indirect.scatter.add.f32 [tilespmem:s19], [sflag:$0x3], $0x20, s25, s20, $0xb8;
	[tilespmem:$0x15B20] =	vst v63  }
0x54: {  	p2 =	sge.u32 s29, s5;
	_ =	swait.ge [sflag:s17], $0x1000  }
0x55: {  	s29 =	sadd.s32 @!p2 $0x80, s28;
	s30 =	simm.s32 @!p2 $0x80;
	[sflag:s17] =	ssyncset.done $0x0  }
0x56: {  	s31 =	simm.s32 @!p2 $0x4F00;
	[sflag:s17] =	ssyncadd.s32 $0xFFFFF000  }
0x57: {  	[tilespmem:s31], [sflag:$0x1] =	stream.indirect.gather @!p2 [spmem:s3], $0x20, s29, s30, $0xb8;
	[tilespmem:$0x15B20] =	vst v63  }
.Ltmp1:
0x58: {  	_ =	swait.ge [sflag:s23], $0x1000;
	(pc) =	sbr.rel @p1 .LBB2_4-.Ltmp1, $4  }
0x59: {  	s29 =	sadd.s32 $0x80, s25;
	[sflag:s23] =	ssyncset.done $0x0  }
0x5a: {  	[sflag:s23] =	ssyncadd.s32 $0xFFFFF000  }
0x5b: {  	[spmem:s2] =	stream.indirect.scatter.add.f32 [tilespmem:s21], [sflag:$0x3], $0x20, s29, s20, $0xb8;
	[tilespmem:$0x15B20] =	vst v63  }
0x5c: {  	s28 =	sadd.s32 $0x100, s28;
	_ =	swait.ge [sflag:s17], $0x1000  }
0x5d: {  	[sflag:s17] =	ssyncset.done $0x0  }
0x5e: {  	s25 =	simm.s32 @!p0 $0x1;
	[sflag:s17] =	ssyncadd.s32 $0xFFFFF000  }
0x5f: {  	_ =	swait.ge @!p0 [sflag:s25], $0x1000  }
0x60: {  	s26 =	simm.s32 @!p0 $0x4E80;
	[sflag:s25] =	ssyncset.done @!p0 $0x0  }
0x61: {  	s28 =	simm.s32 @!p0 $0x4F00;
	[sflag:s25] =	ssyncadd.s32 @!p0 $0xFFFFF000;
	s25 =	simm.s32 @!p0 $0x80  }
0x62: {  	[spmem:s2] =	stream.indirect.scatter.add.f32 @!p0 [tilespmem:s28], [sflag:$0x3], $0x20, s26, s25, $0xb8;
	[tilespmem:$0x15B20] =	vst v63  }
0x63: {  	s25 =	simm.s32 @!p0 $0x3  }
0x64: {  	_ =	swait.ge @!p0 [sflag:s25], $0x1000  }
0x65: {  	[sflag:s25] =	ssyncset.done @!p0 $0x0  }
0x66: {  	[sflag:s25] =	ssyncadd.s32 @!p0 $0xFFFFF000  }
0x67: {  	[bflag:$0x0] =	sbarrier.arrive $0xFFFF  }
0x68: {  	[tilespmem:s18], [sflag:$0x3] =	stream.linear.gather [spmem:s10], $0x4F00, $0x38;
	[tilespmem:$0x15B20] =	vst v63  }
0x69: {  	_ =	swait.ge [sflag:s17], $0x4F00  }
0x6a: {  	[sflag:s17] =	ssyncset.done $0x0  }
0x6b: {  	s31 =	simm.s32 $0x0;
	[sflag:s17] =	ssyncadd.s32 $0xFFFFB100  }
0x6c: {  	[hbm4b:s13+s31] =	stream.linear.scatter [tilespmem:s18], [sflag:$0x3], $0x4F00, $0x38;
	[tilespmem:$0x15B20] =	vst v63  }
0x6d: {  	_ =	swait.ge [sflag:s17], $0x4F00  }
0x6e: {  	[sflag:s17] =	ssyncset.done $0x0  }
0x6f: {  	s26 =	simm.s32 $0x0;
	s25 =	simm.s32 $0x80;
	[sflag:s17] =	ssyncadd.s32 $0xFFFFB100  }
.LBB2_6:
0x70: {  	p1 =	sne.s32 s25, $0x13B80;
	[tilespmem:s26+$0x6F00] =	vst v0;
	s28 =	smov.u32 s25;
	s25 =	sadd.s32 $0x80, s25  }
.Ltmp2:
0x71: {  	[tilespmem:s26+$0x6F10] =	vst v0;
	(pc) =	sbr.rel @p1 .LBB2_6-.Ltmp2, $2  }
0x72: {  	_ =	sdelay $0x2  }
0x73: {  	s26 =	sshra.s32 s28, $0x2  }
0x74: {  	[tilespmem:s26+$0x6F00] =	vst v0  }
0x75: {  	[tilespmem:s26+$0x6F10] =	vst v0  }
0x76: {  	[spmem:s10] =	stream.linear.scatter [tilespmem:s18], [sflag:$0x3], $0x4F00, $0x38;
	[tilespmem:$0x15B20] =	vst v63  }
0x77: {  	_ =	swait.ge [sflag:s17], $0x4F00  }
0x78: {  	[sflag:s17] =	ssyncset.done $0x0  }
0x79: {  	[sflag:s17] =	ssyncadd.s32 $0xFFFFB100  }
0x7a: {  	[tilespmem:s18], [sflag:$0x3] =	stream.linear.gather [hbm4b:s14+s4], $0x4E20, $0x38;
	[tilespmem:$0x15B20] =	vst v63  }
0x7b: {  	_ =	swait.ge [sflag:s17], $0x4E20  }
0x7c: {  	[sflag:s17] =	ssyncset.done $0x0  }
0x7d: {  	[sflag:s17] =	ssyncadd.s32 $0xFFFFB1E0  }
0x7e: {  	[spmem:s12] =	stream.linear.scatter [tilespmem:s18], [sflag:$0x3], $0x4E20, $0x38;
	[tilespmem:$0x15B20] =	vst v63  }
0x7f: {  	_ =	swait.ge [sflag:s17], $0x4E20  }
0x80: {  	[sflag:s17] =	ssyncset.done $0x0  }
0x81: {  	[sflag:s17] =	ssyncadd.s32 $0xFFFFB1E0  }
0x82: {  	s25 =	simm.s32 $0x80;
	[bflag:$0x0] =	sbarrier.arrive $0xFFFF  }
0x83: {  	[tilespmem:s19], [sflag:$0x1] =	stream.indirect.gather [spmem:s3], $0x20, s4, s25, $0xb8;
	[tilespmem:$0x15B20] =	vst v63  }
0x84: {  	_ = 	snop  }
0x85: {  	[tilespmem:s21], [sflag:$0x2] =	stream.indirect.gather [spmem:s3], $0x20, s25, s20, $0xb8;
	[tilespmem:$0x15B20] =	vst v63  }
0x86: {  	_ =	swait.ge [sflag:s22], $0x1000  }
0x87: {  	[sflag:s22] =	ssyncset.done $0x0  }
0x88: {  	s25 =	simm.s32 $0x2780;
	[sflag:s22] =	ssyncadd.s32 $0xFFFFF000  }
0x89: {  	[spmem:s2] =	stream.indirect.scatter.add.f32 [tilespmem:s19], [sflag:$0x3], $0x20, s25, s20, $0xb8;
	[tilespmem:$0x15B20] =	vst v63  }
0x8a: {  	p1 =	sle.u32 s5, $0x2;
	_ =	swait.ge [sflag:s17], $0x1000  }
0x8b: {  	s26 =	simm.s32 @!p1 $0x100;
	[sflag:s17] =	ssyncset.done $0x0  }
0x8c: {  	s28 =	simm.s32 @!p1 $0x80;
	s29 =	simm.s32 @!p1 $0x4F00;
	[sflag:s17] =	ssyncadd.s32 $0xFFFFF000  }
0x8d: {  	[tilespmem:s29], [sflag:$0x1] =	stream.indirect.gather @!p1 [spmem:s3], $0x20, s26, s28, $0xb8;
	[tilespmem:$0x15B20] =	vst v63  }
0x8e: {  	_ =	swait.ge [sflag:s23], $0x1000  }
0x8f: {  	[sflag:s23] =	ssyncset.done $0x0  }
0x90: {  	s31 =	simm.s32 $0x2800;
	[sflag:s23] =	ssyncadd.s32 $0xFFFFF000  }
0x91: {  	[spmem:s2] =	stream.indirect.scatter.add.f32 [tilespmem:s21], [sflag:$0x3], $0x20, s31, s20, $0xb8;
	[tilespmem:$0x15B20] =	vst v63  }
0x92: {  	s26 =	simm.s32 $0x4;
	s28 =	simm.s32 $0x180;
	_ =	swait.ge [sflag:s17], $0x1000  }
.LBB2_8:
0x93: {  	[sflag:s17] =	ssyncset.done $0x0  }
0x94: {  	s25 =	sadd.s32 $0x100, s25;
	s29 =	smov.u32 s26;
	s26 =	sadd.s32 $0x2, s26  }
0x95: {  	p1 =	sne.s32 s26, $0x50;
	[sflag:s17] =	ssyncadd.s32 $0xFFFFF000  }
0x96: {  	[tilespmem:s21], [sflag:$0x2] =	stream.indirect.gather [spmem:s3], $0x20, s28, s20, $0xb8;
	[tilespmem:$0x15B20] =	vst v63  }
0x97: {  	_ =	swait.ge [sflag:s22], $0x1000  }
0x98: {  	[sflag:s22] =	ssyncset.done $0x0  }
0x99: {  	[sflag:s22] =	ssyncadd.s32 $0xFFFFF000  }
0x9a: {  	[spmem:s2] =	stream.indirect.scatter.add.f32 [tilespmem:s19], [sflag:$0x3], $0x20, s25, s20, $0xb8;
	[tilespmem:$0x15B20] =	vst v63  }
0x9b: {  	p2 =	sge.u32 s29, s5;
	_ =	swait.ge [sflag:s17], $0x1000  }
0x9c: {  	s29 =	sadd.s32 @!p2 $0x80, s28;
	s30 =	simm.s32 @!p2 $0x80;
	[sflag:s17] =	ssyncset.done $0x0  }
0x9d: {  	s31 =	simm.s32 @!p2 $0x4F00;
	[sflag:s17] =	ssyncadd.s32 $0xFFFFF000  }
0x9e: {  	[tilespmem:s31], [sflag:$0x1] =	stream.indirect.gather @!p2 [spmem:s3], $0x20, s29, s30, $0xb8;
	[tilespmem:$0x15B20] =	vst v63  }
.Ltmp3:
0x9f: {  	_ =	swait.ge [sflag:s23], $0x1000;
	(pc) =	sbr.rel @p1 .LBB2_8-.Ltmp3, $4  }
0xa0: {  	s29 =	sadd.s32 $0x80, s25;
	[sflag:s23] =	ssyncset.done $0x0  }
0xa1: {  	[sflag:s23] =	ssyncadd.s32 $0xFFFFF000  }
0xa2: {  	[spmem:s2] =	stream.indirect.scatter.add.f32 [tilespmem:s21], [sflag:$0x3], $0x20, s29, s20, $0xb8;
	[tilespmem:$0x15B20] =	vst v63  }
0xa3: {  	s28 =	sadd.s32 $0x100, s28;
	_ =	swait.ge [sflag:s17], $0x1000  }
0xa4: {  	[sflag:s17] =	ssyncset.done $0x0  }
0xa5: {  	s25 =	simm.s32 @!p0 $0x1;
	[sflag:s17] =	ssyncadd.s32 $0xFFFFF000  }
0xa6: {  	_ =	swait.ge @!p0 [sflag:s25], $0x1000  }
0xa7: {  	s26 =	simm.s32 @!p0 $0x4E80;
	[sflag:s25] =	ssyncset.done @!p0 $0x0  }
0xa8: {  	s28 =	simm.s32 @!p0 $0x4F00;
	[sflag:s25] =	ssyncadd.s32 @!p0 $0xFFFFF000;
	s25 =	simm.s32 @!p0 $0x80  }
0xa9: {  	[spmem:s2] =	stream.indirect.scatter.add.f32 @!p0 [tilespmem:s28], [sflag:$0x3], $0x20, s26, s25, $0xb8;
	[tilespmem:$0x15B20] =	vst v63  }
0xaa: {  	s25 =	simm.s32 @!p0 $0x3  }
0xab: {  	_ =	swait.ge @!p0 [sflag:s25], $0x1000  }
0xac: {  	[sflag:s25] =	ssyncset.done @!p0 $0x0  }
0xad: {  	[sflag:s25] =	ssyncadd.s32 @!p0 $0xFFFFF000  }
0xae: {  	[bflag:$0x0] =	sbarrier.arrive $0xFFFF  }
0xaf: {  	[tilespmem:s18], [sflag:$0x3] =	stream.linear.gather [spmem:s10], $0x4F00, $0x38;
	[tilespmem:$0x15B20] =	vst v63  }
0xb0: {  	s24 =	sadd.s32 $0x1, s24;
	_ =	swait.ge [sflag:s17], $0x4F00  }
0xb1: {  	p1 =	sne.s32 s24, s16;
	[sflag:s17] =	ssyncset.done $0x0  }
.Ltmp4:
0xb2: {  	[sflag:s17] =	ssyncadd.s32 $0xFFFFB100;
	(pc) =	sbr.rel @p1 .LBB2_1-.Ltmp4, $4  }
0xb3: {  	[hbm4b:s15+s4] =	stream.linear.scatter [tilespmem:s18], [sflag:$0x3], $0x4F00, $0x38;
	[tilespmem:$0x15B20] =	vst v63  }
0xb4: {  	_ =	swait.ge [sflag:s17], $0x4F00  }
0xb5: {  	[sflag:s17] =	ssyncset.done $0x0  }
0xb6: {  	[sflag:s17] =	ssyncadd.s32 $0xFFFFB100  }
0xb7: {  	_ =	sfence.sel $0x180000  }
0xb8: {  	[bflag:$0x0] =	sbarrier.arrive $0xFFFF  }
0xb9: {  	p0 =	sne.s32 s0, $0x0;
	_ =	strace $0x9000004A  }
0xba: {  	s0 =	sadd.s32 @!p0 $0x100000, s1;
	[bflag:$0x2] =	sbarrier.arrive $0xFFFF  }
0xbb: {  	[sflag:s0] =	ssyncadd.tile.s32 @!p0 $0x1;
	_ =	shalt  }
.Lfunc_end2:
_tile_overlayer_lowered:
.L_overlay_start_2:
0xbc: {  	(tag) =	ssettag $0x2  }
0xbd: {  	s0 =	rddreg [dreg:$0x0];
	s2 =	stileid.u32  }
0xbe: {  	s1 =	rddreg [dreg:$0x1];
	p0 =	sne.s32 s2, $0x0  }
0xbf: {  	s3 =	rddreg [dreg:$0x2];
	[bflag:$0x3] =	sbarrier.arrive $0xFFFF;
	s2 =	simm.s32 @!p0 $0x1C03  }
0xc0: {  	[timem:s3], [sflag:s2] =	dma.local @!p0 [hbm:s0], s1  }
0xc1: {  	s0 =	simm.s32 @!p0 $0x3  }
0xc2: {  	_ =	swait.ge @!p0 [sflag:s0], s1  }
0xc3: {  	s1 =	ssub.s32 @!p0 $0x0, s1;
	[sflag:s0] =	ssyncset.done @!p0 $0x0  }
0xc4: {  	[sflag:s0] =	ssyncadd.s32 @!p0 s1  }
0xc5: {  	[bflag:$0x3] =	sbarrier.arrive $0xFFFF  }
0xc6: {  	_ =	shalt  }

// kernel: kernel.15.cloned.1.call-start
scs
__scs_entry_jumppad:
0x0: {  	(pc) =	sbr.rel $0x88, $3  }
0x1: {  	(tag) =	ssettag $0x0;
	lr =	simm.s32 $0x1  }
0x2: {  	[smem:$0x3F9B] =	sst lr;
	_ =	strace $0xD0000000  }
0x3: {  	_ = 	snop  }
0x4: {  	_ = 	snop  }
0x5: {  	_ = 	snop  }
0x6: {  	_ = 	snop  }
0x7: {  	_ = 	snop  }
__scs_overlays_trampoline_lowered:
0x8: {  	[smem:$0x3FAA] =	sst s0  }
0x9: {  	[smem:$0x3FAB] =	sst s1  }
0xa: {  	[smem:$0x3FAC] =	sst s2  }
0xb: {  	[smem:$0x3FAD] =	sst s3  }
0xc: {  	[smem:$0x3FAE] =	sst s4  }
0xd: {  	[smem:$0x3FAF] =	sst s5  }
0xe: {  	[smem:$0x3FB0] =	sst s6  }
0xf: {  	[smem:$0x3FB1] =	sst s7  }
0x10: {  	[smem:$0x3FB2] =	sst s8  }
0x11: {  	[smem:$0x3FB3] =	sst s9;
	s0 =	simm.s32 @!p0 $0x0  }
0x12: {  	s1 =	sld [smem:$0x3F99];
	s0 =	simm.s32 @p0 $0x1  }
0x13: {  	[smem:$0x3FB4] =	sst s0;
	s0 =	simm.s32 @!p1 $0x0  }
0x14: {  	s2 =	sld [smem:$0x3F98];
	s0 =	simm.s32 @p1 $0x1  }
0x15: {  	[smem:$0x3FB5] =	sst s0;
	s0 =	simm.s32 @!p2 $0x0  }
0x16: {  	s3 =	sld [smem:$0x3FDB];
	s0 =	simm.s32 @p2 $0x1  }
0x17: {  	s4 =	simm.s32 $0x1BF5;
	[smem:$0x3FB7] =	sst s0  }
0x18: {  	s0 =	sld [smem:$0x3F9A];
	_ =	swait.ge [sflag:s4], $0x0  }
0x19: {  	s7 =	sld [smem:$0x3F9B]  }
0x1a: {  	s8 =	sadd.s32 $0xFFFFE003, lr  }
0x1b: {  	s9 =	sadd.s32 $0xFFFFFEF7, lr;
	s5 =	simm.s32 $0xFFFFFFFF;
	p2 =	slt.u32 s8, $0xFFFFF086  }
0x1c: {  	p1 =	slt.u32 s9, $0xF7A;
	s5 =	simm.s32 @!p2 $0x0  }
0x1d: {  	s5 =	simm.s32 @p1 $0x1;
	p0 =	seq.s32 s7, s2  }
0x1e: {  	s7 =	smul.u32 @!p0 $0xF7A, s2;
	p2 =	seq.s32 @!p0 s5, $0x0  }
0x1f: {  	s9 =	smul.u32 $0xF7A, s1;
	s8 =	simm.s32 @!p0 $0x1BF5;
	p2 =	por !p2, p0  }
0x20: {  	[sflag:s8] =	ssyncset.s32 @!p0 $0xFFFFF086;
	s6 =	sadd.s32 @!p0 s3, s7;
	s7 =	simm.s32 @!p0 $0x108  }
0x21: {  	s3 =	sadd.s32 s3, s9;
	s6 =	sadd.s32 @!p0 $0x88, s6;
	s7 =	simm.s32 @p2 $0x1082  }
0x22: {  	[simem:s7], [sflag:s8] =	dma.local @!p0 [hbm:s6], $0xF7A  }
0x23: {  	s9 =	sor.u32 $0xD0000000, s2;
	s6 =	simm.s32 $0x108;
	_ =	swait.ge @!p0 [sflag:s8], $0x0  }
0x24: {  	s3 =	sadd.s32 $0x88, s3;
	s6 =	simm.s32 @!p1 $0x1082;
	[sflag:s4] =	ssyncset.s32 $0xFFFFF086  }
0x25: {  	[simem:s6], [sflag:s4] =	dma.local [hbm:s3], $0xF7A  }
0x26: {  	[smem:$0x3F9B] =	sst s1;
	(tag) =	ssettag s2;
	_ =	strace s9  }
0x27: {  	s1 =	sld [smem:$0x3FAB]  }
0x28: {  	s2 =	sld [smem:$0x3FAC]  }
0x29: {  	s4 =	sld [smem:$0x3FAE]  }
0x2a: {  	p0 =	seq.s32 s5, $0x0;
	s5 =	sld [smem:$0x3FAF]  }
0x2b: {  	s6 =	sld [smem:$0x3FB0]  }
0x2c: {  	s7 =	sld [smem:$0x3FB1]  }
0x2d: {  	s3 =	simm.s32 $0x108;
	s8 =	sld [smem:$0x3FB2]  }
0x2e: {  	s3 =	simm.s32 @!p0 $0x1082;
	s9 =	sld [smem:$0x3FB3]  }
0x2f: {  	lr =	sadd.s32 s0, s3;
	s0 =	sld [smem:$0x3FAA]  }
0x30: {  	s3 =	sld [smem:$0x3FAD]  }
0x31: {  	[smem:$0x3FB6] =	sst s10  }
0x32: {  	s10 =	sld [smem:$0x3FB4];
	_ =	sdelay $0x3  }
0x33: {  	p0 =	seq.s32 s10, $0x1;
	s10 =	sld [smem:$0x3FB6];
	_ =	sdelay $0x3  }
0x34: {  	[smem:$0x3FB6] =	sst s10  }
0x35: {  	s10 =	sld [smem:$0x3FB5];
	_ =	sdelay $0x3  }
0x36: {  	p1 =	seq.s32 s10, $0x1;
	s10 =	sld [smem:$0x3FB6];
	_ =	sdelay $0x3  }
0x37: {  	[smem:$0x3FB6] =	sst s10  }
0x38: {  	s10 =	sld [smem:$0x3FB7]  }
0x39: {  	_ = 	snop;
	(pc) =	sbr.ind lr, $3  }
0x3a: {  	_ = 	snop  }
0x3b: {  	_ = 	snop  }
0x3c: {  	p2 =	seq.s32 s10, $0x1;
	s10 =	sld [smem:$0x3FB6]  }
0x3d: {  	_ =	shalt  }
0x3e: {  	_ =	shalt  }
0x3f: {  	_ =	shalt  }
0x40: {  	_ =	shalt  }
0x41: {  	_ =	shalt  }
0x42: {  	_ =	shalt  }
0x43: {  	_ =	shalt  }
0x44: {  	_ =	shalt  }
0x45: {  	_ =	shalt  }
0x46: {  	_ =	shalt  }
0x47: {  	_ =	shalt  }
0x48: {  	_ =	shalt  }
0x49: {  	_ =	shalt  }
0x4a: {  	_ =	shalt  }
0x4b: {  	_ =	shalt  }
0x4c: {  	_ =	shalt  }
0x4d: {  	_ =	shalt  }
0x4e: {  	_ =	shalt  }
0x4f: {  	_ =	shalt  }
0x50: {  	_ =	shalt  }
0x51: {  	_ =	shalt  }
0x52: {  	_ =	shalt  }
0x53: {  	_ =	shalt  }
0x54: {  	_ =	shalt  }
0x55: {  	_ =	shalt  }
0x56: {  	_ =	shalt  }
0x57: {  	_ =	shalt  }
0x58: {  	_ =	shalt  }
0x59: {  	_ =	shalt  }
0x5a: {  	_ =	shalt  }
0x5b: {  	_ =	shalt  }
0x5c: {  	_ =	shalt  }
0x5d: {  	_ =	shalt  }
0x5e: {  	_ =	shalt  }
0x5f: {  	_ =	shalt  }
0x60: {  	_ =	shalt  }
0x61: {  	_ =	shalt  }
0x62: {  	_ =	shalt  }
0x63: {  	_ =	shalt  }
0x64: {  	_ =	shalt  }
0x65: {  	_ =	shalt  }
0x66: {  	_ =	shalt  }
0x67: {  	_ =	shalt  }
0x68: {  	_ =	shalt  }
0x69: {  	_ =	shalt  }
0x6a: {  	_ =	shalt  }
0x6b: {  	_ =	shalt  }
0x6c: {  	_ =	shalt  }
0x6d: {  	_ =	shalt  }
0x6e: {  	_ =	shalt  }
0x6f: {  	_ =	shalt  }
0x70: {  	_ =	shalt  }
0x71: {  	_ =	shalt  }
0x72: {  	_ =	shalt  }
0x73: {  	_ =	shalt  }
0x74: {  	_ =	shalt  }
0x75: {  	_ =	shalt  }
0x76: {  	_ =	shalt  }
0x77: {  	_ =	shalt  }
0x78: {  	_ =	shalt  }
0x79: {  	_ =	shalt  }
0x7a: {  	_ =	shalt  }
0x7b: {  	_ =	shalt  }
0x7c: {  	_ =	shalt  }
0x7d: {  	_ =	shalt  }
0x7e: {  	_ =	shalt  }
0x7f: {  	_ =	shalt  }
0x80: {  	_ =	shalt  }
0x81: {  	_ =	shalt  }
0x82: {  	_ =	shalt  }
0x83: {  	_ =	shalt  }
0x84: {  	_ =	shalt  }
0x85: {  	_ =	shalt  }
0x86: {  	_ =	shalt  }
0x87: {  	_ =	shalt  }
.Lfunc_end0:
.L_simem_size_0:
called_computation.2_lowered:
.L_overlay_start_0:
0x88: {  	s2 =	sld [smem:$0x3FD9]  }
0x89: {  	s3 =	sld [smem:$0x3FFE];
	_ =	sdelay $0x1  }
0x8a: {  	s1 =	srdreg.scid  }
0x8b: {  	s0 =	sand.u32 $0x1, s1  }
0x8c: {  	s16 =	sshll.u32 s0, $0xA;
	s2 =	sadd.s32 s3, s2  }
0x8d: {  	s2 =	sadd.s32 s2, s16  }
0x8e: {  	[smem:$0x3FC2] =	sst s2  }
0x8f: {  	_ = 	snop  }
0x90: {  	(tm) =	ssettm $0x1  }
0x91: {  	s17 =	sld [smem:$0x3FFB];
	_ =	sdelay $0x3  }
0x92: {  	_ =	strace s17  }
0x93: {  	s2 =	sld [smem:$0x3FFC];
	_ =	sdelay $0x3  }
0x94: {  	_ =	strace s2  }
0x95: {  	s2 =	sld [smem:$0x3FFD];
	_ =	sdelay $0x3  }
0x96: {  	_ =	strace s2  }
0x97: {  	_ =	strace $0x8FFFFFFF  }
0x98: {  	s18 =	sld [smem:$0x3FDB];
	_ =	sdelay $0x1  }
0x99: {  	s19 =	simm.s32 $_scs_section_size  }
0x9a: {  	s4 =	simm.s32 $_size__tile_overlayer_lowered;
	s5 =	simm.s32 $_tile_overlayer_lowered  }
0x9b: {  	s22 =	simm.s32 $0x1BFF;
	s21 =	sshll.u32 s5, $0x1;
	s2 =	sadd.s32 s19, s18  }
0x9c: {  	s6 =	simm.s32 $0x0;
	s20 =	sshll.u32 s4, $0x1;
	s4 =	sadd.s32 s21, s2  }
0x9d: {  	[timem:s6], [sflag:s22] =	dma.local [hbm:s4], s20  }
0x9e: {  	_ =	swait.ge [sflag:s22], s20  }
0x9f: {  	s3 =	ssub.s32 $0x0, s20;
	[sflag:s22] =	ssyncset.done $0x0  }
0xa0: {  	[sflag:s22] =	ssyncadd.s32 s3;
	_ =	sdelay $0x1  }
0xa1: {  	s23 =	simm.s32 $0x1B8B  }
0xa2: {  	_ =	swait.ge [sflag:s23], $0x1  }
0xa3: {  	[sflag:s23] =	ssyncset.done $0x0  }
0xa4: {  	s25 =	simm.s32 $0x1B8E;
	s24 =	sld [smem:$0x3FFE];
	[sflag:s23] =	ssyncadd.s32 $0xFFFFFFFF  }
0xa5: {  	s26 =	simm.s32 $execute0_lowered;
	[smem:$0x3FD2] =	sst s25  }
0xa6: {  	s4 =	sshll.u32 s26, $0x1;
	_ =	strace $0x8000004C;
	[dreg:$0x1] =	wrdreg $0xFFFFFFFF  }
0xa7: {  	s28 =	simm.s32 $_size_execute0_lowered;
	s2 =	sadd.s32 s2, s4;
	[dreg:$0x0] =	wrdreg $0x0  }
0xa8: {  	s4 =	sshll.u32 s28, $0x1;
	[dreg:$0x2] =	wrdreg s2  }
0xa9: {  	[dreg:$0x3] =	wrdreg s4  }
0xaa: {  	[dreg:$0x4] =	wrdreg $0xC0  }
0xab: {  	_ =	task [dreg:s6], $0x5FFFF  }
0xac: {  	[dreg:$0x1] =	wrdreg $0xFFFFFFFF  }
0xad: {  	[dreg:$0x0] =	wrdreg $0x60  }
0xae: {  	[dreg:$0x2] =	wrdreg s24  }
0xaf: {  	[dreg:$0x3] =	wrdreg $0x86800  }
0xb0: {  	[dreg:$0x4] =	wrdreg $0xAE000  }
0xb1: {  	[dreg:$0x5] =	wrdreg $0x9  }
0xb2: {  	_ =	task.clear_ibuf [dreg:s6], $0x6FFFF;
	_ =	strace $0x9000004C  }
0xb3: {  	s29 =	simm.s32 $0x9;
	_ =	strace $0x8000004E  }
0xb4: {  	_ =	swait.ge [sflag:s29], $0x1  }
0xb5: {  	[sflag:s29] =	ssyncadd.s32 $0xFFFFFFFF  }
0xb6: {  	_ =	strace $0x9000004E  }
0xb7: {  	_ =	sfence  }
0xb8: {  	s30 =	sld [smem:$0x0];
	_ =	sdelay $0x2  }
0xb9: {  	s31 =	sshll.u32 s1, $0xD;
	s1 =	sshrl.u32 s1, $0x2  }
0xba: {  	s3 =	sand.u32 $0x4000, s31;
	s1 =	sadd.s32 s1, s30  }
0xbb: {  	s0 =	sor.u32 s3, s0;
	s1 =	sshll.u32 s1, $0x11  }
0xbc: {  	s0 =	sor.u32 s1, s0  }
0xbd: {  	s0 =	sadd.s32 $0x8F2B, s0  }
0xbe: {  	[sflag:s0] =	ssyncadd.remote.s32 $0x1  }
0xbf: {  	_ =	sfence.sel $0xFFFF  }
0xc0: {  	[dreg:$0x0] =	wrdreg $0xFFFFFFFF;
	(pc) =	sbr.abs _section_cstart, $3  }
0xc1: {  	[dreg:$0x1] =	wrdreg $0xFFFFFFFF  }
0xc2: {  	_ =	task.clear_ibuf [dreg:s6], $0x2FFFF;
	_ =	strace $0x9FFFFFFF  }
0xc3: {  	(tm) =	ssettm $0x7FFFFFFF  }
tec
execute0_lowered:
.L_overlay_start_1:
0x0: {  	(tag) =	ssettag $0x1  }
0x1: {  	s1 =	srdreg.scid;
	s6 =	rddreg [dreg:$0x0]  }
0x2: {  	s0 =	stileid.u32;
	s2 =	rddreg [dreg:$0x1]  }
0x3: {  	s3 =	rddreg [dreg:$0x2];
	s4 =	simm.s32 $0x0;
	s16 =	simm.s32 $0x5F00  }
0x4: {  	s17 =	simm.s32 $0x4F00;
	s18 =	simm.s32 $0x80;
	s19 =	simm.s32 $0x5700  }
0x5: {  	s20 =	simm.s32 $0x1;
	s21 =	simm.s32 $0x2;
	s22 =	simm.s32 $0x0  }
0x6: {  	s5 =	sand.u32 $0x1, s1;
	s1 =	rddreg [dreg:$0x3];
	s12 =	smul.u32 $0x2710, s0  }
0x7: {  	s26 =	sshll.u32 s0, $0x1;
	s10 =	smul.u32 $0x2780, s0;
	[smem:$0x7FF] =	sst s4  }
0x8: {  	p0 =	slt.u32 s0, $0x2;
	s7 =	sor.u32 s5, s26;
	s28 =	smul.u32 $0x27800, s5  }
0x9: {  	_ =	strace $0x8000004D;
	s31 =	ssub.s32 $0x2, s5;
	s5 =	simm.s32 $0x4F  }
0xa: {  	s8 =	smul.u32 $0x4E, s7;
	s7 =	smin.u32 s7, $0x4;
	s29 =	sshrl.u32 s12, $0x3  }
0xb: {  	s13 =	sshrl.u32 s31, $0x1;
	s5 =	simm.s32 @!p0 $0x4E;
	s12 =	sadd.s32 s12, s3  }
0xc: {  	p0 =	sgt.u32 s0, $0x1;
	s11 =	sadd.s32 s29, s6;
	s7 =	sadd.s32 s7, s8  }
0xd: {  	s15 =	ssub.s32 s31, s13;
	s8 =	sadd.s32 s10, s28;
	s7 =	sshll.u32 s7, $0x4  }
0xe: {  	s10 =	sadd.s32 s10, s2;
	s30 =	sshrl.u32 s8, $0x3;
	s9 =	sadd.s32 s7, s6  }
0xf: {  	s11 =	sadd.s32 $0x15E00, s11;
	s14 =	sadd.s32 s30, s6;
	s6 =	sadd.s32 $0x2400, s9  }
0x10: {  	s7 =	sadd.s32 $0xC040, s9;
	s8 =	sadd.s32 $0x28E0, s9;
	s9 =	sadd.s32 $0xC520, s9  }
0x11: {  	v0 =	vimm.f32 $0.0e+00;
	s13 =	sadd.s32 $0x1AE00, s14;
	s14 =	smax.u32 s15, $0x1;
	s15 =	simm.s32 $0x3  }
.LBB2_1:
0x12: {  	s23 =	simm.s32 $0x40;
	s24 =	simm.s32 $0x0  }
.LBB2_2:
0x13: {  	p1 =	sne.s32 s23, $0x9DC0;
	[tilespmem:s24+$0x5F00] =	vst v0;
	s24 =	smov.u32 s23;
	s23 =	sadd.s32 $0x40, s23  }
.Ltmp0:
0x14: {  	(pc) =	sbr.rel @p1 .LBB2_2-.Ltmp0, $2  }
0x15: {  	_ =	sdelay $0x2  }
0x16: {  	s24 =	sshra.s32 s24, $0x2  }
0x17: {  	[tilespmem:s24+$0x5F00] =	vst v0  }
0x18: {  	[tilespmem:s4], [sflag:$0x3] =	stream.linear.gather [hbm4b:s6+s4], $0x2700, $0x38;
	[tilespmem:$0xD510] =	vst v63  }
0x19: {  	_ =	swait.ge [sflag:s15], $0x2700  }
0x1a: {  	[sflag:s15] =	ssyncset.done $0x0  }
0x1b: {  	s23 =	simm.s32 @p0 $0x0;
	s24 =	simm.s32 @p0 $0x2780;
	[sflag:s15] =	ssyncadd.s32 $0xFFFFD900  }
0x1c: {  	[tilespmem:s24], [sflag:$0x3] =	stream.linear.gather @p0 [hbm4b:s7+s23], $0x2700, $0x38;
	[tilespmem:$0xD510] =	vst v63  }
0x1d: {  	s23 =	simm.s32 @p0 $0x3  }
0x1e: {  	_ =	swait.ge @p0 [sflag:s23], $0x2700  }
0x1f: {  	[sflag:s23] =	ssyncset.done @p0 $0x0  }
0x20: {  	s24 =	simm.s32 @!p0 $0x2700;
	[sflag:s23] =	ssyncadd.s32 @p0 $0xFFFFD900;
	s23 =	simm.s32 @!p0 $0x0  }
0x21: {  	[tilespmem:s24], [sflag:$0x3] =	stream.linear.gather @!p0 [hbm4b:s8+s23], $0x80, $0x38;
	[tilespmem:$0xD510] =	vst v63  }
0x22: {  	s24 =	simm.s32 @!p0 $0x3  }
0x23: {  	_ =	swait.ge @!p0 [sflag:s24], $0x80  }
0x24: {  	[sflag:s24] =	ssyncset.done @!p0 $0x0  }
0x25: {  	s25 =	simm.s32 @!p0 $0x2780;
	[sflag:s24] =	ssyncadd.s32 @!p0 $0xFFFFFF80  }
0x26: {  	[tilespmem:s25], [sflag:$0x3] =	stream.linear.gather @!p0 [hbm4b:s7+s23], $0x2700, $0x38;
	[tilespmem:$0xD510] =	vst v63  }
0x27: {  	_ =	swait.ge @!p0 [sflag:s24], $0x2700  }
0x28: {  	[sflag:s24] =	ssyncset.done @!p0 $0x0  }
0x29: {  	s25 =	simm.s32 @!p0 $0x4E80;
	[sflag:s24] =	ssyncadd.s32 @!p0 $0xFFFFD900  }
0x2a: {  	[tilespmem:s25], [sflag:$0x3] =	stream.linear.gather @!p0 [hbm4b:s9+s23], $0x80, $0x38;
	[tilespmem:$0xD510] =	vst v63  }
0x2b: {  	_ =	swait.ge @!p0 [sflag:s24], $0x80  }
0x2c: {  	[sflag:s24] =	ssyncset.done @!p0 $0x0  }
0x2d: {  	[sflag:s24] =	ssyncadd.s32 @!p0 $0xFFFFFF80  }
0x2e: {  	[spmem:s10] =	stream.linear.scatter [tilespmem:s16], [sflag:$0x3], $0x2780, $0x38;
	[tilespmem:$0xD510] =	vst v63  }
0x2f: {  	_ =	swait.ge [sflag:s15], $0x2780  }
0x30: {  	[sflag:s15] =	ssyncset.done $0x0  }
0x31: {  	[sflag:s15] =	ssyncadd.s32 $0xFFFFD880  }
0x32: {  	[tilespmem:s16], [sflag:$0x3] =	stream.linear.gather [hbm4b:s11+s4], $0x2710, $0x38;
	[tilespmem:$0xD510] =	vst v63  }
0x33: {  	_ =	swait.ge [sflag:s15], $0x2710  }
0x34: {  	[sflag:s15] =	ssyncset.done $0x0  }
0x35: {  	[sflag:s15] =	ssyncadd.s32 $0xFFFFD8F0  }
0x36: {  	[spmem:s12] =	stream.linear.scatter [tilespmem:s16], [sflag:$0x3], $0x2710, $0x38;
	[tilespmem:$0xD510] =	vst v63  }
0x37: {  	_ =	swait.ge [sflag:s15], $0x2710  }
0x38: {  	[sflag:s15] =	ssyncset.done $0x0  }
0x39: {  	[sflag:s15] =	ssyncadd.s32 $0xFFFFD8F0  }
0x3a: {  	s30 =	simm.s32 $0x80;
	[bflag:$0x0] =	sbarrier.arrive $0xFFFF  }
0x3b: {  	[tilespmem:s17], [sflag:$0x1] =	stream.indirect.gather [spmem:s3], $0x10, s4, s30, $0xb8;
	[tilespmem:$0xD510] =	vst v63  }
0x3c: {  	_ = 	snop  }
0x3d: {  	[tilespmem:s19], [sflag:$0x2] =	stream.indirect.gather [spmem:s3], $0x10, s30, s18, $0xb8;
	[tilespmem:$0xD510] =	vst v63  }
0x3e: {  	_ =	swait.ge [sflag:s20], $0x800  }
0x3f: {  	[sflag:s20] =	ssyncset.done $0x0  }
0x40: {  	s23 =	simm.s32 $0x2780;
	[sflag:s20] =	ssyncadd.s32 $0xFFFFF800  }
0x41: {  	[spmem:s2] =	stream.indirect.scatter.add.f32 [tilespmem:s17], [sflag:$0x3], $0x10, s23, s18, $0xb8;
	[tilespmem:$0xD510] =	vst v63  }
0x42: {  	p1 =	sle.u32 s5, $0x2;
	_ =	swait.ge [sflag:s15], $0x800  }
0x43: {  	s26 =	simm.s32 @!p1 $0x4F00;
	[sflag:s15] =	ssyncset.done $0x0  }
0x44: {  	s25 =	simm.s32 @!p1 $0x80;
	s24 =	simm.s32 @!p1 $0x100;
	[sflag:s15] =	ssyncadd.s32 $0xFFFFF800  }
0x45: {  	[tilespmem:s26], [sflag:$0x1] =	stream.indirect.gather @!p1 [spmem:s3], $0x10, s24, s25, $0xb8;
	[tilespmem:$0xD510] =	vst v63  }
0x46: {  	_ =	swait.ge [sflag:s21], $0x800  }
0x47: {  	[sflag:s21] =	ssyncset.done $0x0  }
0x48: {  	s31 =	simm.s32 $0x2800;
	[sflag:s21] =	ssyncadd.s32 $0xFFFFF800  }
0x49: {  	[spmem:s2] =	stream.indirect.scatter.add.f32 [tilespmem:s19], [sflag:$0x3], $0x10, s31, s18, $0xb8;
	[tilespmem:$0xD510] =	vst v63  }
0x4a: {  	s24 =	simm.s32 $0x4;
	s25 =	simm.s32 $0x180;
	_ =	swait.ge [sflag:s15], $0x800  }
.LBB2_4:
0x4b: {  	[sflag:s15] =	ssyncset.done $0x0  }
0x4c: {  	s23 =	sadd.s32 $0x100, s23;
	s26 =	smov.u32 s24;
	s24 =	sadd.s32 $0x2, s24  }
0x4d: {  	p1 =	sne.s32 s24, $0x50;
	[sflag:s15] =	ssyncadd.s32 $0xFFFFF800  }
0x4e: {  	[tilespmem:s19], [sflag:$0x2] =	stream.indirect.gather [spmem:s3], $0x10, s25, s18, $0xb8;
	[tilespmem:$0xD510] =	vst v63  }
0x4f: {  	_ =	swait.ge [sflag:s20], $0x800  }
0x50: {  	[sflag:s20] =	ssyncset.done $0x0  }
0x51: {  	[sflag:s20] =	ssyncadd.s32 $0xFFFFF800  }
0x52: {  	[spmem:s2] =	stream.indirect.scatter.add.f32 [tilespmem:s17], [sflag:$0x3], $0x10, s23, s18, $0xb8;
	[tilespmem:$0xD510] =	vst v63  }
0x53: {  	p2 =	sge.u32 s26, s5;
	_ =	swait.ge [sflag:s15], $0x800  }
0x54: {  	s26 =	sadd.s32 @!p2 $0x80, s25;
	s28 =	simm.s32 @!p2 $0x80;
	[sflag:s15] =	ssyncset.done $0x0  }
0x55: {  	s29 =	simm.s32 @!p2 $0x4F00;
	[sflag:s15] =	ssyncadd.s32 $0xFFFFF800  }
0x56: {  	[tilespmem:s29], [sflag:$0x1] =	stream.indirect.gather @!p2 [spmem:s3], $0x10, s26, s28, $0xb8;
	[tilespmem:$0xD510] =	vst v63  }
.Ltmp1:
0x57: {  	_ =	swait.ge [sflag:s21], $0x800;
	(pc) =	sbr.rel @p1 .LBB2_4-.Ltmp1, $4  }
0x58: {  	s26 =	sadd.s32 $0x80, s23;
	[sflag:s21] =	ssyncset.done $0x0  }
0x59: {  	[sflag:s21] =	ssyncadd.s32 $0xFFFFF800  }
0x5a: {  	[spmem:s2] =	stream.indirect.scatter.add.f32 [tilespmem:s19], [sflag:$0x3], $0x10, s26, s18, $0xb8;
	[tilespmem:$0xD510] =	vst v63  }
0x5b: {  	s25 =	sadd.s32 $0x100, s25;
	_ =	swait.ge [sflag:s15], $0x800  }
0x5c: {  	[sflag:s15] =	ssyncset.done $0x0  }
0x5d: {  	s23 =	simm.s32 @!p0 $0x1;
	[sflag:s15] =	ssyncadd.s32 $0xFFFFF800  }
0x5e: {  	_ =	swait.ge @!p0 [sflag:s23], $0x800  }
0x5f: {  	s24 =	simm.s32 @!p0 $0x4E80;
	[sflag:s23] =	ssyncset.done @!p0 $0x0  }
0x60: {  	s25 =	simm.s32 @!p0 $0x4F00;
	[sflag:s23] =	ssyncadd.s32 @!p0 $0xFFFFF800;
	s23 =	simm.s32 @!p0 $0x80  }
0x61: {  	[spmem:s2] =	stream.indirect.scatter.add.f32 @!p0 [tilespmem:s25], [sflag:$0x3], $0x10, s24, s23, $0xb8;
	[tilespmem:$0xD510] =	vst v63  }
0x62: {  	s23 =	simm.s32 @!p0 $0x3  }
0x63: {  	_ =	swait.ge @!p0 [sflag:s23], $0x800  }
0x64: {  	[sflag:s23] =	ssyncset.done @!p0 $0x0  }
0x65: {  	[sflag:s23] =	ssyncadd.s32 @!p0 $0xFFFFF800  }
0x66: {  	[bflag:$0x0] =	sbarrier.arrive $0xFFFF  }
0x67: {  	[tilespmem:s16], [sflag:$0x3] =	stream.linear.gather [spmem:s10], $0x2780, $0x38;
	[tilespmem:$0xD510] =	vst v63  }
0x68: {  	s22 =	sadd.s32 $0x1, s22;
	_ =	swait.ge [sflag:s15], $0x2780  }
0x69: {  	p1 =	sne.s32 s22, s14;
	[sflag:s15] =	ssyncset.done $0x0  }
.Ltmp2:
0x6a: {  	[sflag:s15] =	ssyncadd.s32 $0xFFFFD880;
	(pc) =	sbr.rel @p1 .LBB2_1-.Ltmp2, $4  }
0x6b: {  	[hbm4b:s13+s4] =	stream.linear.scatter [tilespmem:s16], [sflag:$0x3], $0x2780, $0x38;
	[tilespmem:$0xD510] =	vst v63  }
0x6c: {  	_ =	swait.ge [sflag:s15], $0x2780  }
0x6d: {  	[sflag:s15] =	ssyncset.done $0x0  }
0x6e: {  	[sflag:s15] =	ssyncadd.s32 $0xFFFFD880  }
0x6f: {  	_ =	sfence.sel $0x180000  }
0x70: {  	[bflag:$0x0] =	sbarrier.arrive $0xFFFF  }
0x71: {  	p0 =	sne.s32 s0, $0x0;
	_ =	strace $0x9000004D  }
0x72: {  	s0 =	sadd.s32 @!p0 $0x100000, s1;
	[bflag:$0x2] =	sbarrier.arrive $0xFFFF  }
0x73: {  	[sflag:s0] =	ssyncadd.tile.s32 @!p0 $0x1;
	_ =	shalt  }
.Lfunc_end2:
_tile_overlayer_lowered:
.L_overlay_start_2:
0x74: {  	(tag) =	ssettag $0x2  }
0x75: {  	s0 =	rddreg [dreg:$0x0];
	s2 =	stileid.u32  }
0x76: {  	s1 =	rddreg [dreg:$0x1];
	p0 =	sne.s32 s2, $0x0  }
0x77: {  	s3 =	rddreg [dreg:$0x2];
	[bflag:$0x3] =	sbarrier.arrive $0xFFFF;
	s2 =	simm.s32 @!p0 $0x1C03  }
0x78: {  	[timem:s3], [sflag:s2] =	dma.local @!p0 [hbm:s0], s1  }
0x79: {  	s0 =	simm.s32 @!p0 $0x3  }
0x7a: {  	_ =	swait.ge @!p0 [sflag:s0], s1  }
0x7b: {  	s1 =	ssub.s32 @!p0 $0x0, s1;
	[sflag:s0] =	ssyncset.done @!p0 $0x0  }
0x7c: {  	[sflag:s0] =	ssyncadd.s32 @!p0 s1  }
0x7d: {  	[bflag:$0x3] =	sbarrier.arrive $0xFFFF  }
0x7e: {  	_ =	shalt  }

// kernel: kernel.9.cloned.1.call-start
scs
__scs_entry_jumppad:
0x0: {  	(pc) =	sbr.rel $0x88, $3  }
0x1: {  	(tag) =	ssettag $0x0;
	lr =	simm.s32 $0x1  }
0x2: {  	[smem:$0x3F9B] =	sst lr;
	_ =	strace $0xD0000000  }
0x3: {  	_ = 	snop  }
0x4: {  	_ = 	snop  }
0x5: {  	_ = 	snop  }
0x6: {  	_ = 	snop  }
0x7: {  	_ = 	snop  }
__scs_overlays_trampoline_lowered:
0x8: {  	[smem:$0x3FAA] =	sst s0  }
0x9: {  	[smem:$0x3FAB] =	sst s1  }
0xa: {  	[smem:$0x3FAC] =	sst s2  }
0xb: {  	[smem:$0x3FAD] =	sst s3  }
0xc: {  	[smem:$0x3FAE] =	sst s4  }
0xd: {  	[smem:$0x3FAF] =	sst s5  }
0xe: {  	[smem:$0x3FB0] =	sst s6  }
0xf: {  	[smem:$0x3FB1] =	sst s7  }
0x10: {  	[smem:$0x3FB2] =	sst s8  }
0x11: {  	[smem:$0x3FB3] =	sst s9;
	s0 =	simm.s32 @!p0 $0x0  }
0x12: {  	s1 =	sld [smem:$0x3F99];
	s0 =	simm.s32 @p0 $0x1  }
0x13: {  	[smem:$0x3FB4] =	sst s0;
	s0 =	simm.s32 @!p1 $0x0  }
0x14: {  	s2 =	sld [smem:$0x3F98];
	s0 =	simm.s32 @p1 $0x1  }
0x15: {  	[smem:$0x3FB5] =	sst s0;
	s0 =	simm.s32 @!p2 $0x0  }
0x16: {  	s3 =	sld [smem:$0x3FDB];
	s0 =	simm.s32 @p2 $0x1  }
0x17: {  	s4 =	simm.s32 $0x1BF5;
	[smem:$0x3FB7] =	sst s0  }
0x18: {  	s0 =	sld [smem:$0x3F9A];
	_ =	swait.ge [sflag:s4], $0x0  }
0x19: {  	s7 =	sld [smem:$0x3F9B]  }
0x1a: {  	s8 =	sadd.s32 $0xFFFFE003, lr  }
0x1b: {  	s9 =	sadd.s32 $0xFFFFFEF7, lr;
	s5 =	simm.s32 $0xFFFFFFFF;
	p2 =	slt.u32 s8, $0xFFFFF086  }
0x1c: {  	p1 =	slt.u32 s9, $0xF7A;
	s5 =	simm.s32 @!p2 $0x0  }
0x1d: {  	s5 =	simm.s32 @p1 $0x1;
	p0 =	seq.s32 s7, s2  }
0x1e: {  	s7 =	smul.u32 @!p0 $0xF7A, s2;
	p2 =	seq.s32 @!p0 s5, $0x0  }
0x1f: {  	s9 =	smul.u32 $0xF7A, s1;
	s8 =	simm.s32 @!p0 $0x1BF5;
	p2 =	por !p2, p0  }
0x20: {  	[sflag:s8] =	ssyncset.s32 @!p0 $0xFFFFF086;
	s6 =	sadd.s32 @!p0 s3, s7;
	s7 =	simm.s32 @!p0 $0x108  }
0x21: {  	s3 =	sadd.s32 s3, s9;
	s6 =	sadd.s32 @!p0 $0x88, s6;
	s7 =	simm.s32 @p2 $0x1082  }
0x22: {  	[simem:s7], [sflag:s8] =	dma.local @!p0 [hbm:s6], $0xF7A  }
0x23: {  	s9 =	sor.u32 $0xD0000000, s2;
	s6 =	simm.s32 $0x108;
	_ =	swait.ge @!p0 [sflag:s8], $0x0  }
0x24: {  	s3 =	sadd.s32 $0x88, s3;
	s6 =	simm.s32 @!p1 $0x1082;
	[sflag:s4] =	ssyncset.s32 $0xFFFFF086  }
0x25: {  	[simem:s6], [sflag:s4] =	dma.local [hbm:s3], $0xF7A  }
0x26: {  	[smem:$0x3F9B] =	sst s1;
	(tag) =	ssettag s2;
	_ =	strace s9  }
0x27: {  	s1 =	sld [smem:$0x3FAB]  }
0x28: {  	s2 =	sld [smem:$0x3FAC]  }
0x29: {  	s4 =	sld [smem:$0x3FAE]  }
0x2a: {  	p0 =	seq.s32 s5, $0x0;
	s5 =	sld [smem:$0x3FAF]  }
0x2b: {  	s6 =	sld [smem:$0x3FB0]  }
0x2c: {  	s7 =	sld [smem:$0x3FB1]  }
0x2d: {  	s3 =	simm.s32 $0x108;
	s8 =	sld [smem:$0x3FB2]  }
0x2e: {  	s3 =	simm.s32 @!p0 $0x1082;
	s9 =	sld [smem:$0x3FB3]  }
0x2f: {  	lr =	sadd.s32 s0, s3;
	s0 =	sld [smem:$0x3FAA]  }
0x30: {  	s3 =	sld [smem:$0x3FAD]  }
0x31: {  	[smem:$0x3FB6] =	sst s10  }
0x32: {  	s10 =	sld [smem:$0x3FB4];
	_ =	sdelay $0x3  }
0x33: {  	p0 =	seq.s32 s10, $0x1;
	s10 =	sld [smem:$0x3FB6];
	_ =	sdelay $0x3  }
0x34: {  	[smem:$0x3FB6] =	sst s10  }
0x35: {  	s10 =	sld [smem:$0x3FB5];
	_ =	sdelay $0x3  }
0x36: {  	p1 =	seq.s32 s10, $0x1;
	s10 =	sld [smem:$0x3FB6];
	_ =	sdelay $0x3  }
0x37: {  	[smem:$0x3FB6] =	sst s10  }
0x38: {  	s10 =	sld [smem:$0x3FB7]  }
0x39: {  	_ = 	snop;
	(pc) =	sbr.ind lr, $3  }
0x3a: {  	_ = 	snop  }
0x3b: {  	_ = 	snop  }
0x3c: {  	p2 =	seq.s32 s10, $0x1;
	s10 =	sld [smem:$0x3FB6]  }
0x3d: {  	_ =	shalt  }
0x3e: {  	_ =	shalt  }
0x3f: {  	_ =	shalt  }
0x40: {  	_ =	shalt  }
0x41: {  	_ =	shalt  }
0x42: {  	_ =	shalt  }
0x43: {  	_ =	shalt  }
0x44: {  	_ =	shalt  }
0x45: {  	_ =	shalt  }
0x46: {  	_ =	shalt  }
0x47: {  	_ =	shalt  }
0x48: {  	_ =	shalt  }
0x49: {  	_ =	shalt  }
0x4a: {  	_ =	shalt  }
0x4b: {  	_ =	shalt  }
0x4c: {  	_ =	shalt  }
0x4d: {  	_ =	shalt  }
0x4e: {  	_ =	shalt  }
0x4f: {  	_ =	shalt  }
0x50: {  	_ =	shalt  }
0x51: {  	_ =	shalt  }
0x52: {  	_ =	shalt  }
0x53: {  	_ =	shalt  }
0x54: {  	_ =	shalt  }
0x55: {  	_ =	shalt  }
0x56: {  	_ =	shalt  }
0x57: {  	_ =	shalt  }
0x58: {  	_ =	shalt  }
0x59: {  	_ =	shalt  }
0x5a: {  	_ =	shalt  }
0x5b: {  	_ =	shalt  }
0x5c: {  	_ =	shalt  }
0x5d: {  	_ =	shalt  }
0x5e: {  	_ =	shalt  }
0x5f: {  	_ =	shalt  }
0x60: {  	_ =	shalt  }
0x61: {  	_ =	shalt  }
0x62: {  	_ =	shalt  }
0x63: {  	_ =	shalt  }
0x64: {  	_ =	shalt  }
0x65: {  	_ =	shalt  }
0x66: {  	_ =	shalt  }
0x67: {  	_ =	shalt  }
0x68: {  	_ =	shalt  }
0x69: {  	_ =	shalt  }
0x6a: {  	_ =	shalt  }
0x6b: {  	_ =	shalt  }
0x6c: {  	_ =	shalt  }
0x6d: {  	_ =	shalt  }
0x6e: {  	_ =	shalt  }
0x6f: {  	_ =	shalt  }
0x70: {  	_ =	shalt  }
0x71: {  	_ =	shalt  }
0x72: {  	_ =	shalt  }
0x73: {  	_ =	shalt  }
0x74: {  	_ =	shalt  }
0x75: {  	_ =	shalt  }
0x76: {  	_ =	shalt  }
0x77: {  	_ =	shalt  }
0x78: {  	_ =	shalt  }
0x79: {  	_ =	shalt  }
0x7a: {  	_ =	shalt  }
0x7b: {  	_ =	shalt  }
0x7c: {  	_ =	shalt  }
0x7d: {  	_ =	shalt  }
0x7e: {  	_ =	shalt  }
0x7f: {  	_ =	shalt  }
0x80: {  	_ =	shalt  }
0x81: {  	_ =	shalt  }
0x82: {  	_ =	shalt  }
0x83: {  	_ =	shalt  }
0x84: {  	_ =	shalt  }
0x85: {  	_ =	shalt  }
0x86: {  	_ =	shalt  }
0x87: {  	_ =	shalt  }
.Lfunc_end0:
.L_simem_size_0:
called_computation_lowered:
.L_overlay_start_0:
0x88: {  	s2 =	sld [smem:$0x3FD9]  }
0x89: {  	s3 =	sld [smem:$0x3FFE];
	_ =	sdelay $0x1  }
0x8a: {  	s1 =	srdreg.scid  }
0x8b: {  	s0 =	sand.u32 $0x1, s1  }
0x8c: {  	s16 =	sshll.u32 s0, $0xA;
	s2 =	sadd.s32 s3, s2  }
0x8d: {  	s2 =	sadd.s32 s2, s16  }
0x8e: {  	[smem:$0x3FC2] =	sst s2  }
0x8f: {  	_ = 	snop  }
0x90: {  	(tm) =	ssettm $0x1  }
0x91: {  	s17 =	sld [smem:$0x3FFB];
	_ =	sdelay $0x3  }
0x92: {  	_ =	strace s17  }
0x93: {  	s2 =	sld [smem:$0x3FFC];
	_ =	sdelay $0x3  }
0x94: {  	_ =	strace s2  }
0x95: {  	s2 =	sld [smem:$0x3FFD];
	_ =	sdelay $0x3  }
0x96: {  	_ =	strace s2  }
0x97: {  	_ =	strace $0x8FFFFFFF  }
0x98: {  	s18 =	sld [smem:$0x3FDB];
	_ =	sdelay $0x1  }
0x99: {  	s19 =	simm.s32 $_scs_section_size  }
0x9a: {  	s4 =	simm.s32 $_size__tile_overlayer_lowered;
	s5 =	simm.s32 $_tile_overlayer_lowered  }
0x9b: {  	s22 =	simm.s32 $0x1BFF;
	s21 =	sshll.u32 s5, $0x1;
	s2 =	sadd.s32 s19, s18  }
0x9c: {  	s6 =	simm.s32 $0x0;
	s20 =	sshll.u32 s4, $0x1;
	s4 =	sadd.s32 s21, s2  }
0x9d: {  	[timem:s6], [sflag:s22] =	dma.local [hbm:s4], s20  }
0x9e: {  	_ =	swait.ge [sflag:s22], s20  }
0x9f: {  	s3 =	ssub.s32 $0x0, s20;
	[sflag:s22] =	ssyncset.done $0x0  }
0xa0: {  	[sflag:s22] =	ssyncadd.s32 s3;
	_ =	sdelay $0x1  }
0xa1: {  	s23 =	simm.s32 $0x1B8B  }
0xa2: {  	_ =	swait.ge [sflag:s23], $0x1  }
0xa3: {  	[sflag:s23] =	ssyncset.done $0x0  }
0xa4: {  	s25 =	simm.s32 $0x1B8E;
	s24 =	sld [smem:$0x3FFE];
	[sflag:s23] =	ssyncadd.s32 $0xFFFFFFFF  }
0xa5: {  	s26 =	simm.s32 $execute0_lowered;
	[smem:$0x3FD2] =	sst s25  }
0xa6: {  	s4 =	sshll.u32 s26, $0x1;
	_ =	strace $0x80000046;
	[dreg:$0x1] =	wrdreg $0xFFFFFFFF  }
0xa7: {  	s28 =	simm.s32 $_size_execute0_lowered;
	s2 =	sadd.s32 s2, s4;
	[dreg:$0x0] =	wrdreg $0x0  }
0xa8: {  	s4 =	sshll.u32 s28, $0x1;
	[dreg:$0x2] =	wrdreg s2  }
0xa9: {  	[dreg:$0x3] =	wrdreg s4  }
0xaa: {  	[dreg:$0x4] =	wrdreg $0xC0  }
0xab: {  	_ =	task [dreg:s6], $0x5FFFF  }
0xac: {  	[dreg:$0x1] =	wrdreg $0xFFFFFFFF  }
0xad: {  	[dreg:$0x0] =	wrdreg $0x60  }
0xae: {  	[dreg:$0x2] =	wrdreg s24  }
0xaf: {  	[dreg:$0x3] =	wrdreg $0x57000  }
0xb0: {  	[dreg:$0x4] =	wrdreg $0x9  }
0xb1: {  	_ =	task.clear_ibuf [dreg:s6], $0x5FFFF;
	_ =	strace $0x90000046  }
0xb2: {  	s29 =	simm.s32 $0x9;
	_ =	strace $0x80000048  }
0xb3: {  	_ =	swait.ge [sflag:s29], $0x1  }
0xb4: {  	[sflag:s29] =	ssyncadd.s32 $0xFFFFFFFF  }
0xb5: {  	_ =	strace $0x90000048  }
0xb6: {  	_ =	sfence  }
0xb7: {  	s30 =	sld [smem:$0x0];
	_ =	sdelay $0x2  }
0xb8: {  	s31 =	sshll.u32 s1, $0xD;
	s1 =	sshrl.u32 s1, $0x2  }
0xb9: {  	s3 =	sand.u32 $0x4000, s31;
	s1 =	sadd.s32 s1, s30  }
0xba: {  	s0 =	sor.u32 s3, s0;
	s1 =	sshll.u32 s1, $0x11  }
0xbb: {  	s0 =	sor.u32 s1, s0  }
0xbc: {  	s0 =	sadd.s32 $0x8F2B, s0  }
0xbd: {  	[sflag:s0] =	ssyncadd.remote.s32 $0x1  }
0xbe: {  	_ =	sfence.sel $0xFFFF  }
0xbf: {  	[dreg:$0x0] =	wrdreg $0xFFFFFFFF;
	(pc) =	sbr.abs _section_cstart, $3  }
0xc0: {  	[dreg:$0x1] =	wrdreg $0xFFFFFFFF  }
0xc1: {  	_ =	task.clear_ibuf [dreg:s6], $0x2FFFF;
	_ =	strace $0x9FFFFFFF  }
0xc2: {  	(tm) =	ssettm $0x7FFFFFFF  }
0xc3: {  	_ =	shalt  }
tec
execute0_lowered:
.L_overlay_start_1:
0x0: {  	(tag) =	ssettag $0x1  }
0x1: {  	s1 =	srdreg.scid  }
0x2: {  	s0 =	stileid.u32;
	s5 =	rddreg [dreg:$0x0]  }
0x3: {  	s2 =	rddreg [dreg:$0x1];
	s3 =	simm.s32 $0x0;
	s12 =	simm.s32 $0x80  }
0x4: {  	s13 =	simm.s32 $0x2780;
	s14 =	simm.s32 $0x1;
	s15 =	simm.s32 $0x0  }
0x5: {  	s4 =	sand.u32 $0x1, s1;
	s29 =	sshll.u32 s0, $0x1;
	s1 =	rddreg [dreg:$0x2]  }
0x6: {  	s8 =	smul.u32 $0x2780, s0;
	[smem:$0x7FF] =	sst s3;
	p0 =	slt.u32 s0, $0x2  }
0x7: {  	s6 =	sor.u32 s4, s29;
	s9 =	smul.u32 $0x27800, s4;
	_ =	strace $0x80000047  }
0x8: {  	s31 =	ssub.s32 $0x2, s4;
	s4 =	simm.s32 $0x4F;
	s7 =	smul.u32 $0x4E, s6  }
0x9: {  	s6 =	smin.u32 s6, $0x4;
	s10 =	sshrl.u32 s31, $0x1;
	s4 =	simm.s32 @!p0 $0x4E  }
0xa: {  	p0 =	sgt.u32 s0, $0x1;
	s30 =	sadd.s32 s8, s9;
	s9 =	ssub.s32 s31, s10  }
0xb: {  	s10 =	simm.s32 $0x2;
	s6 =	sadd.s32 s6, s7;
	s7 =	sshrl.u32 s30, $0x3  }
0xc: {  	s9 =	smax.u32 s9, $0x1;
	s6 =	sshll.u32 s6, $0x4;
	s11 =	sadd.s32 s7, s5  }
0xd: {  	s7 =	sadd.s32 s8, s2;
	s6 =	sadd.s32 s6, s5;
	s8 =	sadd.s32 $0x15E00, s11  }
0xe: {  	v0 =	vimm.f32 $1.000000000e+00;
	v1 =	vimm.f32 $0.0e+00;
	s11 =	simm.s32 $0x2F80;
	s5 =	sadd.s32 $0xC040, s6;
	s6 =	sadd.s32 $0xC520, s6  }
.LBB2_1:
0xf: {  	s16 =	simm.s32 $0x0  }
.LBB2_2:
0x10: {  	p1 =	sne.s32 s16, $0x1FC0  }
.Ltmp0:
0x11: {  	_ = 	snop;
	(pc) =	sbr.rel @p1 .LBB2_2-.Ltmp0, $3  }
0x12: {  	_ =	sdelay $0x1  }
0x13: {  	s17 =	sshra.s32 s16, $0x2  }
0x14: {  	s16 =	sadd.s32 $0x40, s16;
	[tilespmem:s17+$0x2780] =	vst v0  }
0x15: {  	s16 =	simm.s32 $0x40;
	s17 =	simm.s32 $0x0  }
.LBB2_4:
0x16: {  	p1 =	sne.s32 s16, $0x9DC0;
	[tilespmem:s17+$0x2F80] =	vst v1;
	s17 =	smov.u32 s16;
	s16 =	sadd.s32 $0x40, s16  }
.Ltmp1:
0x17: {  	(pc) =	sbr.rel @p1 .LBB2_4-.Ltmp1, $2  }
0x18: {  	_ =	sdelay $0x2  }
0x19: {  	s17 =	sshra.s32 s17, $0x2  }
0x1a: {  	[tilespmem:s17+$0x2F80] =	vst v1  }
0x1b: {  	[tilespmem:s3], [sflag:$0x2] =	stream.linear.gather [hbm4b:s5+s3], $0x2700, $0x38;
	[tilespmem:$0x7E80] =	vst v63  }
0x1c: {  	_ =	swait.ge [sflag:s10], $0x2700  }
0x1d: {  	[sflag:s10] =	ssyncset.done $0x0  }
0x1e: {  	s16 =	simm.s32 @!p0 $0x0;
	s17 =	simm.s32 @!p0 $0x2700;
	[sflag:s10] =	ssyncadd.s32 $0xFFFFD900  }
0x1f: {  	[tilespmem:s17], [sflag:$0x2] =	stream.linear.gather @!p0 [hbm4b:s6+s16], $0x80, $0x38;
	[tilespmem:$0x7E80] =	vst v63  }
0x20: {  	s16 =	simm.s32 @!p0 $0x2  }
0x21: {  	_ =	swait.ge @!p0 [sflag:s16], $0x80  }
0x22: {  	[sflag:s16] =	ssyncset.done @!p0 $0x0  }
0x23: {  	p1 =	sne.s32 s4, $0x1;
	[sflag:s16] =	ssyncadd.s32 @!p0 $0xFFFFFF80  }
0x24: {  	[spmem:s7] =	stream.linear.scatter [tilespmem:s11], [sflag:$0x2], $0x2780, $0x38;
	[tilespmem:$0x7E80] =	vst v63  }
.Ltmp2:
0x25: {  	_ =	swait.ge [sflag:s10], $0x2780;
	(pc) =	sbr.rel @!p1 .LBB2_7-.Ltmp2, $4  }
0x26: {  	[sflag:s10] =	ssyncset.done $0x0  }
0x27: {  	[sflag:s10] =	ssyncadd.s32 $0xFFFFD880  }
0x28: {  	s17 =	sadd.s32 $0xFFFFFFFF, s4;
	s16 =	simm.s32 $0x0;
	[bflag:$0x0] =	sbarrier.arrive $0xFFFF  }
0x29: {  	[spmem:s2] =	stream.indirect.scatter.add.f32 [tilespmem:s13], [sflag:$0x1], $0x10, s16, s12, $0xb8;
	[tilespmem:$0x7E80] =	vst v63  }
.LBB2_6:
0x2a: {  	p2 =	sne.s32 s17, $0x1  }
.Ltmp3:
0x2b: {  	_ = 	snop;
	(pc) =	sbr.rel @p2 .LBB2_6-.Ltmp3, $3  }
0x2c: {  	_ = 	snop  }
0x2d: {  	s17 =	sadd.s32 $0xFFFFFFFF, s17;
	s16 =	sadd.s32 $0x80, s16;
	_ =	sdelay $0x1  }
0x2e: {  	[spmem:s2] =	stream.indirect.scatter.add.f32 [tilespmem:s13], [sflag:$0x1], $0x10, s16, s12, $0xb8;
	[tilespmem:$0x7E80] =	vst v63  }
.LBB2_7:
.Ltmp4:
0x2f: {  	(pc) =	sbr.rel @!p1 .LBB2_9-.Ltmp4, $3  }
0x30: {  	_ =	sdelay $0x1  }
0x31: {  	_ =	swait.ge [sflag:s14], $0x800  }
0x32: {  	s16 =	sadd.s32 $0xFFFFFFFF, s4;
	[sflag:s14] =	ssyncset.done $0x0  }
.LBB2_8:
0x33: {  	p1 =	sne.s32 s16, $0x1;
	s16 =	sadd.s32 $0xFFFFFFFF, s16;
	[sflag:s14] =	ssyncadd.s32 $0xFFFFF800  }
.Ltmp5:
0x34: {  	(pc) =	sbr.rel @p1 .LBB2_8-.Ltmp5, $3  }
0x35: {  	_ =	sdelay $0x1  }
0x36: {  	_ =	swait.ge [sflag:s14], $0x800  }
0x37: {  	[sflag:s14] =	ssyncset.done $0x0  }
.LBB2_9:
0x38: {  	[sflag:s14] =	ssyncadd.s32 $0xFFFFF800  }
0x39: {  	[bflag:$0x0] =	sbarrier.arrive $0xFFFF  }
0x3a: {  	[tilespmem:s11], [sflag:$0x2] =	stream.linear.gather [spmem:s7], $0x2780, $0x38;
	[tilespmem:$0x7E80] =	vst v63  }
0x3b: {  	s15 =	sadd.s32 $0x1, s15;
	_ =	swait.ge [sflag:s10], $0x2780  }
0x3c: {  	p1 =	sne.s32 s15, s9;
	[sflag:s10] =	ssyncset.done $0x0  }
.Ltmp6:
0x3d: {  	[sflag:s10] =	ssyncadd.s32 $0xFFFFD880;
	(pc) =	sbr.rel @p1 .LBB2_1-.Ltmp6, $4  }
0x3e: {  	[hbm4b:s8+s3] =	stream.linear.scatter [tilespmem:s11], [sflag:$0x2], $0x2780, $0x38;
	[tilespmem:$0x7E80] =	vst v63  }
0x3f: {  	_ =	swait.ge [sflag:s10], $0x2780  }
0x40: {  	[sflag:s10] =	ssyncset.done $0x0  }
0x41: {  	[sflag:s10] =	ssyncadd.s32 $0xFFFFD880  }
0x42: {  	_ =	sfence.sel $0x180000  }
0x43: {  	[bflag:$0x0] =	sbarrier.arrive $0xFFFF  }
0x44: {  	p0 =	sne.s32 s0, $0x0;
	_ =	strace $0x90000047  }
0x45: {  	s0 =	sadd.s32 @!p0 $0x100000, s1;
	[bflag:$0x2] =	sbarrier.arrive $0xFFFF  }
0x46: {  	[sflag:s0] =	ssyncadd.tile.s32 @!p0 $0x1;
	_ =	shalt  }
.Lfunc_end2:
_tile_overlayer_lowered:
.L_overlay_start_2:
0x47: {  	(tag) =	ssettag $0x2  }
0x48: {  	s0 =	rddreg [dreg:$0x0];
	s2 =	stileid.u32  }
0x49: {  	s1 =	rddreg [dreg:$0x1];
	p0 =	sne.s32 s2, $0x0  }
0x4a: {  	s3 =	rddreg [dreg:$0x2];
	[bflag:$0x3] =	sbarrier.arrive $0xFFFF;
	s2 =	simm.s32 @!p0 $0x1C02  }
0x4b: {  	[timem:s3], [sflag:s2] =	dma.local @!p0 [hbm:s0], s1  }
0x4c: {  	s0 =	simm.s32 @!p0 $0x2  }
0x4d: {  	_ =	swait.ge @!p0 [sflag:s0], s1  }
0x4e: {  	s1 =	ssub.s32 @!p0 $0x0, s1;
	[sflag:s0] =	ssyncset.done @!p0 $0x0  }
0x4f: {  	[sflag:s0] =	ssyncadd.s32 @!p0 s1  }
0x50: {  	[bflag:$0x3] =	sbarrier.arrive $0xFFFF  }
0x51: {  	_ =	shalt  }

</sc_bundles>
